<compile_context>
chip_gen: v7x
topology: tpu7x:2x2x1
jax: 0.10.2.dev20260603
libtpu: 0.0.44.dev20260713+nightly
codegen_flags: <defaults>
</compile_context>

<pallas_src>
import jax
import jax.numpy as jnp
from jax import lax
from jax.experimental import pallas as pl
from jax.experimental.pallas import tpu as pltpu
from jax.experimental.pallas import tpu_sc as plsc

_NC, _NS = 2, 16
_NW = _NC * _NS
_CHUNK = 128
_LANES = 16
_NBUF = 2
_NIDX = 4


def _round_up(a: int, b: int) -> int:
    return (a + b - 1) // b * b


def _make_sc_scatter(n_pad: int, n_edges: int, d: int, with_count: bool):
    rows_pt = n_pad // _NS
    total_chunks = n_edges // _CHUNK
    tail = n_edges - total_chunks * _CHUNK
    full_chunks = total_chunks // _NW
    extra = total_chunks - full_chunks * _NW
    assert full_chunks >= _NIDX and tail % 8 == 0

    def body(table, eix, *rest):
        if with_count:
            z2, acc_out, cnt_out, *more = rest
        else:
            z2, acc_out, *more = rest
        it = iter(more)
        ebuf = [next(it) for _ in range(_NIDX)]
        rows_v = [next(it) for _ in range(_NBUF)]
        xbuf, trows = ebuf[0], rows_v[0]
        if with_count:
            ones_v = next(it)
            cbuf = next(it)
        acc_sh = next(it)
        if with_count:
            cnt_sh = next(it)
        gsems = [next(it) for _ in range(_NBUF)]
        isems = [next(it) for _ in range(_NIDX)]

        c = lax.axis_index("c")
        s = lax.axis_index("s")
        w = c * _NS + s
        row0 = s * rows_pt
        rows = pl.ds(row0, rows_pt)

        def col(j):
            return (j * _NW + w) * _CHUNK

        for q in range(_NIDX):
            pltpu.async_copy(eix.at[:, pl.ds(col(q), _CHUNK)],
                             ebuf[q], isems[q])

        pltpu.sync_copy(z2.at[rows], acc_sh.at[rows])
        if with_count:
            for j in range(rows_pt // _LANES):
                cbuf[pl.ds(j * _LANES, _LANES)] = jnp.zeros(
                    (_LANES,), jnp.float32)
            pltpu.sync_copy(cbuf, cnt_sh.at[rows])
            for j in range(_CHUNK // _LANES):
                ones_v[pl.ds(j * _LANES, _LANES)] = jnp.ones(
                    (_LANES,), jnp.float32)
        plsc.subcore_barrier()

        for b in range(_NBUF):
            pltpu.make_async_copy(eix.at[:, pl.ds(col(b), _CHUNK)],
                                  ebuf[b], isems[b]).wait()
            pltpu.async_copy(table.at[ebuf[b].at[0]], rows_v[b], gsems[b])

        def issue_next_gather(idx, u, b):
            ng = idx + _NBUF
            q2 = (u + _NBUF) % _NIDX
            pltpu.make_async_copy(eix.at[:, pl.ds(col(ng), _CHUNK)],
                                  ebuf[q2], isems[q2]).wait()
            pltpu.async_copy(table.at[ebuf[q2].at[0]], rows_v[b], gsems[b])

        def chunk_step(idx, u, in_loop):
            b = u % _NBUF
            pltpu.make_async_copy(table.at[ebuf[u].at[0]],
                                  rows_v[b], gsems[b]).wait()
            pltpu.sync_copy(rows_v[b], acc_sh.at[ebuf[u].at[1]], add=True)
            if with_count:
                pltpu.sync_copy(ones_v, cnt_sh.at[ebuf[u].at[1]], add=True)
            if in_loop:
                @pl.when(idx + _NIDX < full_chunks)
                def _():
                    pltpu.async_copy(
                        eix.at[:, pl.ds(col(idx + _NIDX), _CHUNK)],
                        ebuf[u], isems[u])

                @pl.when(idx + _NBUF < full_chunks)
                def _():
                    issue_next_gather(idx, u, b)
            else:
                if idx + _NBUF < full_chunks:
                    issue_next_gather(idx, u, b)

        n_quads = full_chunks // _NIDX
        if n_quads * _NIDX == full_chunks:
            n_quads -= 1

        def quad(blk, carry):
            for u in range(_NIDX):
                chunk_step(blk * _NIDX + u, u, True)
            return carry

        lax.fori_loop(0, n_quads, quad, 0)
        for idx in range(n_quads * _NIDX, full_chunks):
            chunk_step(idx, idx % _NIDX, False)

        if extra:
            @pl.when(w < extra)
            def _():
                pltpu.sync_copy(eix.at[:, pl.ds(col(full_chunks), _CHUNK)],
                                xbuf)
                pltpu.async_copy(table.at[xbuf.at[0]], trows,
                                 gsems[0]).wait()
                pltpu.sync_copy(trows, acc_sh.at[xbuf.at[1]], add=True)
                if with_count:
                    pltpu.sync_copy(ones_v, cnt_sh.at[xbuf.at[1]],
                                    add=True)
        if tail:
            @pl.when(s == 0)
            def _():
                toff = total_chunks * _CHUNK
                pltpu.sync_copy(eix.at[:, pl.ds(toff, tail)],
                                xbuf.at[:, pl.ds(0, tail)])
                pltpu.async_copy(table.at[xbuf.at[0, pl.ds(0, tail)]],
                                 trows.at[pl.ds(0, tail)],
                                 gsems[0]).wait()
                pltpu.sync_copy(trows.at[pl.ds(0, tail)],
                                acc_sh.at[xbuf.at[1, pl.ds(0, tail)]],
                                add=True)
                if with_count:
                    pltpu.sync_copy(ones_v.at[pl.ds(0, tail)],
                                    cnt_sh.at[xbuf.at[1, pl.ds(0, tail)]],
                                    add=True)

        plsc.subcore_barrier()
        pltpu.sync_copy(acc_sh.at[rows], acc_out.at[c, rows])
        if with_count:
            pltpu.sync_copy(cnt_sh.at[rows], cbuf)
            pltpu.sync_copy(cbuf,
                            cnt_out.at[pl.ds(c * n_pad + row0, rows_pt)])

    out_type = [jax.ShapeDtypeStruct((_NC, n_pad, d), jnp.float32)]
    scratch = [pltpu.VMEM((2, _CHUNK), jnp.int32) for _ in range(_NIDX)]
    scratch += [pltpu.VMEM((_CHUNK, d), jnp.float32)
                for _ in range(_NBUF)]
    if with_count:
        out_type.append(jax.ShapeDtypeStruct((_NC * n_pad,), jnp.float32))
        scratch.append(pltpu.VMEM((_CHUNK,), jnp.float32))
        scratch.append(pltpu.VMEM((rows_pt,), jnp.float32))
    scratch.append(pltpu.VMEM_SHARED((n_pad, d), jnp.float32))
    if with_count:
        scratch.append(pltpu.VMEM_SHARED((n_pad,), jnp.float32))
    scratch += [pltpu.SemaphoreType.DMA
                for _ in range(_NBUF + _NIDX)]

    mesh = plsc.VectorSubcoreMesh(core_axis_name="c", subcore_axis_name="s",
                                  num_cores=_NC, num_subcores=_NS)
    return pl.kernel(body, out_type=out_type, mesh=mesh,
                     scratch_types=scratch)


def _matmul_body(x_ref, w_ref, o_ref):
    o_ref[...] = jnp.dot(x_ref[...], w_ref[...],
                         preferred_element_type=jnp.float32)


def _mid_body(p0, p1, r, b, w, o):
    h = (p0[0] + p1[0]) * r[...] + b[...]
    h = jnp.where(h >= 0.0, h, 0.01 * h)
    o[...] = jnp.dot(h, w[...], preferred_element_type=jnp.float32)


def _fin_body(p0, p1, r, b, o):
    o[...] = (p0[0] + p1[0]) * r[...] + b[...]


def _tc_call(body, n, n_pad, d, bn, w_shape=None, out_d=None):
    out_d = out_d or d
    grid = (n // bn,)
    in_specs = [pl.BlockSpec((1, bn, d), lambda i: (0, i, 0)),
                pl.BlockSpec((1, bn, d), lambda i: (1, i, 0)),
                pl.BlockSpec((bn, 1), lambda i: (i, 0)),
                pl.BlockSpec((1, out_d), lambda i: (0, 0))]
    if w_shape is not None:
        in_specs.append(pl.BlockSpec(w_shape, lambda i: (0, 0)))
    return pl.pallas_call(
        body, grid=grid, in_specs=in_specs,
        out_specs=pl.BlockSpec((bn, out_d), lambda i: (i, 0)),
        out_shape=jax.ShapeDtypeStruct((n, out_d), jnp.float32))


def kernel(x, edge_index, W1, b1, W2, b2):
    n, d_in = x.shape
    d_h = W1.shape[0]
    d_out = W2.shape[0]
    e = edge_index.shape[1]

    n_pad = _round_up(n + 1, _NS * _LANES)
    eix = edge_index.astype(jnp.int32)

    z2 = jnp.zeros((n_pad, d_h), jnp.float32)

    bn = 2000
    mm1 = pl.pallas_call(
        _matmul_body, grid=(n // bn,),
        in_specs=[pl.BlockSpec((bn, d_in), lambda i: (i, 0)),
                  pl.BlockSpec((d_in, d_h), lambda i: (0, 0))],
        out_specs=pl.BlockSpec((bn, d_h), lambda i: (i, 0)),
        out_shape=jax.ShapeDtypeStruct((n, d_h), jnp.float32))
    g1 = mm1(x, W1.T)

    scat1 = _make_sc_scatter(n_pad, e, d_h, with_count=True)
    parts1, counts = scat1(g1, eix, z2)
    counts = counts.reshape(_NC, n_pad)
    rinv = (1.0 / jnp.maximum(counts[0] + counts[1], 1.0))[:, None]

    mid = _tc_call(_mid_body, n, n_pad, d_h, bn,
                   w_shape=(d_h, d_out), out_d=d_out)
    g2 = mid(parts1, parts1, rinv, b1.reshape(1, d_h), W2.T)

    scat2 = _make_sc_scatter(n_pad, e, d_out, with_count=False)
    (parts2,) = scat2(g2, eix, z2)

    fin = _tc_call(_fin_body, n, n_pad, d_out, bn)
    out = fin(parts2, parts2, rinv, b2.reshape(1, d_out))
    return out

# --- scband reference (transcript-rebuilt; emitter-appended) ---
"""Pipeline reference for scband-rgnn-34600256537089 (READ-ONLY COPY).

The authoritative reference and input builder live on the scoring server;
editing this copy changes nothing except your own understanding.
"""

import jax, jax.numpy as jnp
import numpy as np

N, E, D_IN, D_H, D_OUT = 10000, 320000, 128, 128, 128


def setup_inputs(seed: int = 0) -> dict:
    key = jax.random.key(seed)
    k1, k2, k3, k4, k5, k6 = jax.random.split(key, 6)
    x = jax.random.normal(k1, (N, D_IN), dtype=jnp.float32)
    edge_index = jax.random.randint(k2, (2, E), 0, N)
    # SAGEConv layer 1 (root_weight=False): lin_l weight [D_H, D_IN] + bias
    W1 = jax.random.normal(k3, (D_H, D_IN), dtype=jnp.float32) * (1.0 / np.sqrt(D_IN))
    b1 = jnp.zeros((D_H,), dtype=jnp.float32)
    # SAGEConv layer 2: lin_l weight [D_OUT, D_H] + bias
    W2 = jax.random.normal(k4, (D_OUT, D_H), dtype=jnp.float32) * (1.0 / np.sqrt(D_H))
    b2 = jnp.zeros((D_OUT,), dtype=jnp.float32)
    return {"x": x, "edge_index": edge_index, "W1": W1, "b1": b1, "W2": W2, "b2": b2}


def _sage_conv(h, src, dst, W, b, n_nodes):
    # message: x_j = h[src]; aggregate: mean at dst; update: lin_l(mean)
    msgs = jnp.take(h, src, axis=0)
    sums = jnp.zeros((n_nodes, h.shape[1]), dtype=h.dtype).at[dst].add(msgs)
    cnt = jnp.zeros((n_nodes,), dtype=h.dtype).at[dst].add(1.0)
    mean = sums / jnp.clip(cnt, 1.0)[:, None]
    return mean @ W.T + b


def reference(x, edge_index, W1, b1, W2, b2):
    # RGNN with a single node type and single edge type ('node','to','node'),
    # model='rsage' (SAGEConv, root_weight=False), num_layers=2, node_type=None.
    src = edge_index[0]
    dst = edge_index[1]
    n_nodes = x.shape[0]
    h = _sage_conv(x, src, dst, W1, b1, n_nodes)
    # inter-layer: leaky_relu (torch default negative_slope=0.01), dropout p=0.0 -> identity
    h = jax.nn.leaky_relu(h, negative_slope=0.01)
    out = _sage_conv(h, src, dst, W2, b2, n_nodes)
    return out

if __name__ == "__main__":
    import jax
    _d = setup_inputs()
    print(jax.jit(kernel)(*tuple(_d.values())))

</pallas_src>

<mosaic_0001>
#map = affine_map<(d0, d1) -> (0, 0)>
#map1 = affine_map<(d0, d1) -> (0, 0, 0)>
module attributes {stable_mosaic.version = 14 : i64} {
  func.func @body(%arg0: i32, %arg1: i32, %arg2: memref<10000x128xf32, #tpu.memory_space<hbm>>, %arg3: memref<2x320000xi32, #tpu.memory_space<hbm>>, %arg4: memref<10240x128xf32, #tpu.memory_space<hbm>>, %arg5: memref<2x10240x128xf32, #tpu.memory_space<hbm>>, %arg6: memref<2x128xi32, #tpu.memory_space<vmem>>, %arg7: memref<2x128xi32, #tpu.memory_space<vmem>>, %arg8: memref<2x128xi32, #tpu.memory_space<vmem>>, %arg9: memref<2x128xi32, #tpu.memory_space<vmem>>, %arg10: memref<128x128xf32, #tpu.memory_space<vmem>>, %arg11: memref<128x128xf32, #tpu.memory_space<vmem>>, %arg12: memref<10240x128xf32, #tpu.memory_space<vmem_shared>>, %arg13: memref<!tpu.dma_semaphore, #tpu.memory_space<semaphore_mem>>, %arg14: memref<!tpu.dma_semaphore, #tpu.memory_space<semaphore_mem>>, %arg15: memref<!tpu.dma_semaphore, #tpu.memory_space<semaphore_mem>>, %arg16: memref<!tpu.dma_semaphore, #tpu.memory_space<semaphore_mem>>, %arg17: memref<!tpu.dma_semaphore, #tpu.memory_space<semaphore_mem>>, %arg18: memref<!tpu.dma_semaphore, #tpu.memory_space<semaphore_mem>>) attributes {dimension_semantics = [#tpu.dimension_semantics<core_parallel>, #tpu.dimension_semantics<subcore_parallel>], iteration_bounds = array<i64: 2, 16>, scalar_prefetch = 0 : i64, scratch_operands = 13 : i64, tpu.core_type = #tpu.core_type<sc_vector_subcore>, window_params = [{transform_indices = #map}, {transform_indices = #map}, {transform_indices = #map}, {transform_indices = #map1}]} {
    %mul3A = arith.constant 16 : i32
    %mul3A_0 = arith.muli %arg0, %mul3A : i32
    %add3A = arith.addi %mul3A_0, %arg1 : i32
    %mul3A_1 = arith.constant 640 : i32
    %mul3A_2 = arith.muli %arg1, %mul3A_1 : i32
    %add3A_3 = arith.constant 0 : i32
    %add3A_4 = arith.addi %add3A_3, %add3A : i32
    %mul3A_5 = arith.constant 128 : i32
    %mul3A_6 = arith.muli %add3A_4, %mul3A_5 : i32
    %dma_start3A = arith.constant 0 : i32
    %dma_start3A_7 = tpu.memref_slice %arg3[%dma_start3A, %mul3A_6] : memref<2x320000xi32, #tpu.memory_space<hbm>> -> memref<2x128xi32, #tpu.memory_space<hbm>>
    %dma_start3A_8 = arith.constant 0 : i32
    %dma_start3A_9 = tpu.memref_slice %arg3[%dma_start3A_8, %mul3A_6] : memref<2x320000xi32, #tpu.memory_space<hbm>> -> memref<2x128xi32, #tpu.memory_space<hbm>>
    tpu.enqueue_dma source(%dma_start3A_9 : memref<2x128xi32, #tpu.memory_space<hbm>>) target(%arg6 : memref<2x128xi32, #tpu.memory_space<vmem>>) target_semaphore(%arg15 : memref<!tpu.dma_semaphore, #tpu.memory_space<semaphore_mem>>)
    %add3A_10 = arith.constant 32 : i32
    %add3A_11 = arith.addi %add3A_10, %add3A : i32
    %mul3A_12 = arith.constant 128 : i32
    %mul3A_13 = arith.muli %add3A_11, %mul3A_12 : i32
    %dma_start3A_14 = arith.constant 0 : i32
    %dma_start3A_15 = tpu.memref_slice %arg3[%dma_start3A_14, %mul3A_13] : memref<2x320000xi32, #tpu.memory_space<hbm>> -> memref<2x128xi32, #tpu.memory_space<hbm>>
    %dma_start3A_16 = arith.constant 0 : i32
    %dma_start3A_17 = tpu.memref_slice %arg3[%dma_start3A_16, %mul3A_13] : memref<2x320000xi32, #tpu.memory_space<hbm>> -> memref<2x128xi32, #tpu.memory_space<hbm>>
    tpu.enqueue_dma source(%dma_start3A_17 : memref<2x128xi32, #tpu.memory_space<hbm>>) target(%arg7 : memref<2x128xi32, #tpu.memory_space<vmem>>) target_semaphore(%arg16 : memref<!tpu.dma_semaphore, #tpu.memory_space<semaphore_mem>>)
    %add3A_18 = arith.constant 64 : i32
    %add3A_19 = arith.addi %add3A_18, %add3A : i32
    %mul3A_20 = arith.constant 128 : i32
    %mul3A_21 = arith.muli %add3A_19, %mul3A_20 : i32
    %dma_start3A_22 = arith.constant 0 : i32
    %dma_start3A_23 = tpu.memref_slice %arg3[%dma_start3A_22, %mul3A_21] : memref<2x320000xi32, #tpu.memory_space<hbm>> -> memref<2x128xi32, #tpu.memory_space<hbm>>
    %dma_start3A_24 = arith.constant 0 : i32
    %dma_start3A_25 = tpu.memref_slice %arg3[%dma_start3A_24, %mul3A_21] : memref<2x320000xi32, #tpu.memory_space<hbm>> -> memref<2x128xi32, #tpu.memory_space<hbm>>
    tpu.enqueue_dma source(%dma_start3A_25 : memref<2x128xi32, #tpu.memory_space<hbm>>) target(%arg8 : memref<2x128xi32, #tpu.memory_space<vmem>>) target_semaphore(%arg17 : memref<!tpu.dma_semaphore, #tpu.memory_space<semaphore_mem>>)
    %add3A_26 = arith.constant 96 : i32
    %add3A_27 = arith.addi %add3A_26, %add3A : i32
    %mul3A_28 = arith.constant 128 : i32
    %mul3A_29 = arith.muli %add3A_27, %mul3A_28 : i32
    %dma_start3A_30 = arith.constant 0 : i32
    %dma_start3A_31 = tpu.memref_slice %arg3[%dma_start3A_30, %mul3A_29] : memref<2x320000xi32, #tpu.memory_space<hbm>> -> memref<2x128xi32, #tpu.memory_space<hbm>>
    %dma_start3A_32 = arith.constant 0 : i32
    %dma_start3A_33 = tpu.memref_slice %arg3[%dma_start3A_32, %mul3A_29] : memref<2x320000xi32, #tpu.memory_space<hbm>> -> memref<2x128xi32, #tpu.memory_space<hbm>>
    tpu.enqueue_dma source(%dma_start3A_33 : memref<2x128xi32, #tpu.memory_space<hbm>>) target(%arg9 : memref<2x128xi32, #tpu.memory_space<vmem>>) target_semaphore(%arg18 : memref<!tpu.dma_semaphore, #tpu.memory_space<semaphore_mem>>)
    "tpu.region"() ({
      %run_scoped3A_86 = tpu.sem_alloc : memref<!tpu.dma_semaphore, #tpu.memory_space<semaphore_mem>>
      %dma_start3A_87 = arith.constant 0 : i32
      %dma_start3A_88 = tpu.memref_slice %arg12[%mul3A_2, %dma_start3A_87] : memref<10240x128xf32, #tpu.memory_space<vmem_shared>> -> memref<640x128xf32, #tpu.memory_space<vmem_shared>>
      %dma_start3A_89 = arith.constant 0 : i32
      %dma_start3A_90 = tpu.memref_slice %arg4[%mul3A_2, %dma_start3A_89] : memref<10240x128xf32, #tpu.memory_space<hbm>> -> memref<640x128xf32, #tpu.memory_space<hbm>>
      tpu.enqueue_dma source(%dma_start3A_90 : memref<640x128xf32, #tpu.memory_space<hbm>>) target(%dma_start3A_88 : memref<640x128xf32, #tpu.memory_space<vmem_shared>>) target_semaphore(%run_scoped3A_86 : memref<!tpu.dma_semaphore, #tpu.memory_space<semaphore_mem>>)
      %dma_wait3A_91 = arith.constant 0 : i32
      %dma_wait3A_92 = tpu.memref_slice %arg12[%mul3A_2, %dma_wait3A_91] : memref<10240x128xf32, #tpu.memory_space<vmem_shared>> -> memref<640x128xf32, #tpu.memory_space<vmem_shared>>
      %dma_wait3A_93 = arith.constant 0 : i32
      %dma_wait3A_94 = tpu.memref_slice %arg4[%mul3A_2, %dma_wait3A_93] : memref<10240x128xf32, #tpu.memory_space<hbm>> -> memref<640x128xf32, #tpu.memory_space<hbm>>
      tpu.wait_dma2 semaphore(%run_scoped3A_86 : memref<!tpu.dma_semaphore, #tpu.memory_space<semaphore_mem>>) src(%dma_wait3A_94 : memref<640x128xf32, #tpu.memory_space<hbm>>) dst(%dma_wait3A_92 : memref<640x128xf32, #tpu.memory_space<vmem_shared>>)
      tpu.yield
    }) : () -> ()
    %barrier3A = arith.constant 0 : index
    tpu.barrier barrier_id(%barrier3A)
    %add3A_34 = arith.constant 0 : i32
    %add3A_35 = arith.addi %add3A_34, %add3A : i32
    %mul3A_36 = arith.constant 128 : i32
    %mul3A_37 = arith.muli %add3A_35, %mul3A_36 : i32
    %dma_wait3A = arith.constant 0 : i32
    %dma_wait3A_38 = tpu.memref_slice %arg3[%dma_wait3A, %mul3A_37] : memref<2x320000xi32, #tpu.memory_space<hbm>> -> memref<2x128xi32, #tpu.memory_space<hbm>>
    %dma_wait3A_39 = arith.constant 0 : i32
    %dma_wait3A_40 = tpu.memref_slice %arg3[%dma_wait3A_39, %mul3A_37] : memref<2x320000xi32, #tpu.memory_space<hbm>> -> memref<2x128xi32, #tpu.memory_space<hbm>>
    tpu.wait_dma2 semaphore(%arg15 : memref<!tpu.dma_semaphore, #tpu.memory_space<semaphore_mem>>) src(%dma_wait3A_40 : memref<2x128xi32, #tpu.memory_space<hbm>>) dst(%arg6 : memref<2x128xi32, #tpu.memory_space<vmem>>)
    %dma_start3A_41 = arith.constant 0 : i32
    %dma_start3A_42 = arith.constant 0 : i32
    %dma_start3A_43 = tpu.memref_slice %arg6[%dma_start3A_41, %dma_start3A_42] : memref<2x128xi32, #tpu.memory_space<vmem>> -> memref<1x128xi32, #tpu.memory_space<vmem>>
    %dma_start3A_44 = tpu.memref_squeeze %dma_start3A_43 : memref<1x128xi32, #tpu.memory_space<vmem>> -> memref<128xi32, #tpu.memory_space<vmem>>
    %dma_start3A_45 = arith.constant 0 : i32
    %dma_start3A_46 = arith.constant 0 : i32
    %dma_start3A_47 = tpu.memref_slice %arg2[%dma_start3A_45, %dma_start3A_46] : memref<10000x128xf32, #tpu.memory_space<hbm>> -> memref<10000x128xf32, #tpu.memory_space<hbm>>
    tpu.enqueue_indirect_dma source(%dma_start3A_47 : memref<10000x128xf32, #tpu.memory_space<hbm>>) target(%arg10 : memref<128x128xf32, #tpu.memory_space<vmem>>) offsets(%dma_start3A_44 : memref<128xi32, #tpu.memory_space<vmem>>) semaphore(%arg13 : memref<!tpu.dma_semaphore, #tpu.memory_space<semaphore_mem>>)
    %add3A_48 = arith.constant 32 : i32
    %add3A_49 = arith.addi %add3A_48, %add3A : i32
    %mul3A_50 = arith.constant 128 : i32
    %mul3A_51 = arith.muli %add3A_49, %mul3A_50 : i32
    %dma_wait3A_52 = arith.constant 0 : i32
    %dma_wait3A_53 = tpu.memref_slice %arg3[%dma_wait3A_52, %mul3A_51] : memref<2x320000xi32, #tpu.memory_space<hbm>> -> memref<2x128xi32, #tpu.memory_space<hbm>>
    %dma_wait3A_54 = arith.constant 0 : i32
    %dma_wait3A_55 = tpu.memref_slice %arg3[%dma_wait3A_54, %mul3A_51] : memref<2x320000xi32, #tpu.memory_space<hbm>> -> memref<2x128xi32, #tpu.memory_space<hbm>>
    tpu.wait_dma2 semaphore(%arg16 : memref<!tpu.dma_semaphore, #tpu.memory_space<semaphore_mem>>) src(%dma_wait3A_55 : memref<2x128xi32, #tpu.memory_space<hbm>>) dst(%arg7 : memref<2x128xi32, #tpu.memory_space<vmem>>)
    %dma_start3A_56 = arith.constant 0 : i32
    %dma_start3A_57 = arith.constant 0 : i32
    %dma_start3A_58 = tpu.memref_slice %arg7[%dma_start3A_56, %dma_start3A_57] : memref<2x128xi32, #tpu.memory_space<vmem>> -> memref<1x128xi32, #tpu.memory_space<vmem>>
    %dma_start3A_59 = tpu.memref_squeeze %dma_start3A_58 : memref<1x128xi32, #tpu.memory_space<vmem>> -> memref<128xi32, #tpu.memory_space<vmem>>
    %dma_start3A_60 = arith.constant 0 : i32
    %dma_start3A_61 = arith.constant 0 : i32
    %dma_start3A_62 = tpu.memref_slice %arg2[%dma_start3A_60, %dma_start3A_61] : memref<10000x128xf32, #tpu.memory_space<hbm>> -> memref<10000x128xf32, #tpu.memory_space<hbm>>
    tpu.enqueue_indirect_dma source(%dma_start3A_62 : memref<10000x128xf32, #tpu.memory_space<hbm>>) target(%arg11 : memref<128x128xf32, #tpu.memory_space<vmem>>) offsets(%dma_start3A_59 : memref<128xi32, #tpu.memory_space<vmem>>) semaphore(%arg14 : memref<!tpu.dma_semaphore, #tpu.memory_space<semaphore_mem>>)
    %scan3A = arith.constant 0 : i32
    %scan3A_63 = arith.constant 0 : i32
    %scan3A_64 = arith.constant 19 : i32
    %scan3A_65 = arith.addi %scan3A_63, %scan3A_64 : i32
    %scan3A_66 = arith.constant 1 : i32
    scf.for %scan3A_86 = %scan3A_63 to %scan3A_65 step %scan3A_66  : i32 {
      %mul3A_87 = arith.constant 4 : i32
      %mul3A_88 = arith.muli %scan3A_86, %mul3A_87 : i32
      %add3A_89 = arith.constant 0 : i32
      %add3A_90 = arith.addi %mul3A_88, %add3A_89 : i32
      %dma_wait3A_91 = arith.constant 0 : i32
      %dma_wait3A_92 = arith.constant 0 : i32
      %dma_wait3A_93 = tpu.memref_slice %arg6[%dma_wait3A_91, %dma_wait3A_92] : memref<2x128xi32, #tpu.memory_space<vmem>> -> memref<1x128xi32, #tpu.memory_space<vmem>>
      %dma_wait3A_94 = tpu.memref_squeeze %dma_wait3A_93 : memref<1x128xi32, #tpu.memory_space<vmem>> -> memref<128xi32, #tpu.memory_space<vmem>>
      %dma_wait3A_95 = arith.constant 0 : i32
      %dma_wait3A_96 = arith.constant 0 : i32
      %dma_wait3A_97 = tpu.memref_slice %arg2[%dma_wait3A_95, %dma_wait3A_96] : memref<10000x128xf32, #tpu.memory_space<hbm>> -> memref<10000x128xf32, #tpu.memory_space<hbm>>
      tpu.wait_indirect_dma semaphore(%arg13 : memref<!tpu.dma_semaphore, #tpu.memory_space<semaphore_mem>>) src(%dma_wait3A_97 : memref<10000x128xf32, #tpu.memory_space<hbm>>) dst(%arg10 : memref<128x128xf32, #tpu.memory_space<vmem>>)
      %run_scoped3A_98 = arith.constant 1 : i32
      "tpu.region"() ({
        %run_scoped3A_191 = tpu.sem_alloc : memref<!tpu.dma_semaphore, #tpu.memory_space<semaphore_mem>>
        %dma_start3A_192 = arith.constant 0 : i32
        %dma_start3A_193 = tpu.memref_slice %arg6[%run_scoped3A_98, %dma_start3A_192] : memref<2x128xi32, #tpu.memory_space<vmem>> -> memref<1x128xi32, #tpu.memory_space<vmem>>
        %dma_start3A_194 = tpu.memref_squeeze %dma_start3A_193 : memref<1x128xi32, #tpu.memory_space<vmem>> -> memref<128xi32, #tpu.memory_space<vmem>>
        %dma_start3A_195 = arith.constant 0 : i32
        %dma_start3A_196 = arith.constant 0 : i32
        %dma_start3A_197 = tpu.memref_slice %arg12[%dma_start3A_195, %dma_start3A_196] : memref<10240x128xf32, #tpu.memory_space<vmem_shared>> -> memref<10240x128xf32, #tpu.memory_space<vmem_shared>>
        tpu.enqueue_indirect_dma source(%arg10 : memref<128x128xf32, #tpu.memory_space<vmem>>) target(%dma_start3A_197 : memref<10240x128xf32, #tpu.memory_space<vmem_shared>>) offsets(%dma_start3A_194 : memref<128xi32, #tpu.memory_space<vmem>>) semaphore(%run_scoped3A_191 : memref<!tpu.dma_semaphore, #tpu.memory_space<semaphore_mem>>) {add = true}
        %dma_wait3A_198 = arith.constant 0 : i32
        %dma_wait3A_199 = tpu.memref_slice %arg6[%run_scoped3A_98, %dma_wait3A_198] : memref<2x128xi32, #tpu.memory_space<vmem>> -> memref<1x128xi32, #tpu.memory_space<vmem>>
        %dma_wait3A_200 = tpu.memref_squeeze %dma_wait3A_199 : memref<1x128xi32, #tpu.memory_space<vmem>> -> memref<128xi32, #tpu.memory_space<vmem>>
        %dma_wait3A_201 = arith.constant 0 : i32
        %dma_wait3A_202 = arith.constant 0 : i32
        %dma_wait3A_203 = tpu.memref_slice %arg12[%dma_wait3A_201, %dma_wait3A_202] : memref<10240x128xf32, #tpu.memory_space<vmem_shared>> -> memref<10240x128xf32, #tpu.memory_space<vmem_shared>>
        tpu.wait_indirect_dma semaphore(%run_scoped3A_191 : memref<!tpu.dma_semaphore, #tpu.memory_space<semaphore_mem>>) src(%arg10 : memref<128x128xf32, #tpu.memory_space<vmem>>) dst(%dma_wait3A_203 : memref<10240x128xf32, #tpu.memory_space<vmem_shared>>)
        tpu.yield
      }) : () -> ()
      %add3A_99 = arith.constant 4 : i32
      %add3A_100 = arith.addi %add3A_90, %add3A_99 : i32
      %lt3A_101 = arith.constant 78 : i32
      %lt3A_102 = arith.cmpi slt, %add3A_100, %lt3A_101 : i32
      %convert_element_type3A_103 = arith.extui %lt3A_102 : i1 to i32
      %cond3A_104 = arith.constant 0 : i32
      %cond3A_105 = arith.cmpi ne, %convert_element_type3A_103, %cond3A_104 : i32
      scf.if %cond3A_105 {
        %add3A_191 = arith.constant 4 : i32
        %add3A_192 = arith.addi %add3A_90, %add3A_191 : i32
        %mul3A_193 = arith.constant 32 : i32
        %mul3A_194 = arith.muli %add3A_192, %mul3A_193 : i32
        %add3A_195 = arith.addi %mul3A_194, %add3A : i32
        %mul3A_196 = arith.constant 128 : i32
        %mul3A_197 = arith.muli %add3A_195, %mul3A_196 : i32
        %dma_start3A_198 = arith.constant 0 : i32
        %dma_start3A_199 = tpu.memref_slice %arg3[%dma_start3A_198, %mul3A_197] : memref<2x320000xi32, #tpu.memory_space<hbm>> -> memref<2x128xi32, #tpu.memory_space<hbm>>
        %dma_start3A_200 = arith.constant 0 : i32
        %dma_start3A_201 = tpu.memref_slice %arg3[%dma_start3A_200, %mul3A_197] : memref<2x320000xi32, #tpu.memory_space<hbm>> -> memref<2x128xi32, #tpu.memory_space<hbm>>
        tpu.enqueue_dma source(%dma_start3A_201 : memref<2x128xi32, #tpu.memory_space<hbm>>) target(%arg6 : memref<2x128xi32, #tpu.memory_space<vmem>>) target_semaphore(%arg15 : memref<!tpu.dma_semaphore, #tpu.memory_space<semaphore_mem>>)
      } else {
      }
      %add3A_106 = arith.constant 2 : i32
      %add3A_107 = arith.addi %add3A_90, %add3A_106 : i32
      %lt3A_108 = arith.constant 78 : i32
      %lt3A_109 = arith.cmpi slt, %add3A_107, %lt3A_108 : i32
      %convert_element_type3A_110 = arith.extui %lt3A_109 : i1 to i32
      %cond3A_111 = arith.constant 0 : i32
      %cond3A_112 = arith.cmpi ne, %convert_element_type3A_110, %cond3A_111 : i32
      scf.if %cond3A_112 {
        %add3A_191 = arith.constant 2 : i32
        %add3A_192 = arith.addi %add3A_90, %add3A_191 : i32
        %mul3A_193 = arith.constant 32 : i32
        %mul3A_194 = arith.muli %add3A_192, %mul3A_193 : i32
        %add3A_195 = arith.addi %mul3A_194, %add3A : i32
        %mul3A_196 = arith.constant 128 : i32
        %mul3A_197 = arith.muli %add3A_195, %mul3A_196 : i32
        %dma_wait3A_198 = arith.constant 0 : i32
        %dma_wait3A_199 = tpu.memref_slice %arg3[%dma_wait3A_198, %mul3A_197] : memref<2x320000xi32, #tpu.memory_space<hbm>> -> memref<2x128xi32, #tpu.memory_space<hbm>>
        %dma_wait3A_200 = arith.constant 0 : i32
        %dma_wait3A_201 = tpu.memref_slice %arg3[%dma_wait3A_200, %mul3A_197] : memref<2x320000xi32, #tpu.memory_space<hbm>> -> memref<2x128xi32, #tpu.memory_space<hbm>>
        tpu.wait_dma2 semaphore(%arg17 : memref<!tpu.dma_semaphore, #tpu.memory_space<semaphore_mem>>) src(%dma_wait3A_201 : memref<2x128xi32, #tpu.memory_space<hbm>>) dst(%arg8 : memref<2x128xi32, #tpu.memory_space<vmem>>)
        %dma_start3A_202 = arith.constant 0 : i32
        %dma_start3A_203 = arith.constant 0 : i32
        %dma_start3A_204 = tpu.memref_slice %arg8[%dma_start3A_202, %dma_start3A_203] : memref<2x128xi32, #tpu.memory_space<vmem>> -> memref<1x128xi32, #tpu.memory_space<vmem>>
        %dma_start3A_205 = tpu.memref_squeeze %dma_start3A_204 : memref<1x128xi32, #tpu.memory_space<vmem>> -> memref<128xi32, #tpu.memory_space<vmem>>
        %dma_start3A_206 = arith.constant 0 : i32
        %dma_start3A_207 = arith.constant 0 : i32
        %dma_start3A_208 = tpu.memref_slice %arg2[%dma_start3A_206, %dma_start3A_207] : memref<10000x128xf32, #tpu.memory_space<hbm>> -> memref<10000x128xf32, #tpu.memory_space<hbm>>
        tpu.enqueue_indirect_dma source(%dma_start3A_208 : memref<10000x128xf32, #tpu.memory_space<hbm>>) target(%arg10 : memref<128x128xf32, #tpu.memory_space<vmem>>) offsets(%dma_start3A_205 : memref<128xi32, #tpu.memory_space<vmem>>) semaphore(%arg13 : memref<!tpu.dma_semaphore, #tpu.memory_space<semaphore_mem>>)
      } else {
      }
      %mul3A_113 = arith.constant 4 : i32
      %mul3A_114 = arith.muli %scan3A_86, %mul3A_113 : i32
      %add3A_115 = arith.constant 1 : i32
      %add3A_116 = arith.addi %mul3A_114, %add3A_115 : i32
      %dma_wait3A_117 = arith.constant 0 : i32
      %dma_wait3A_118 = arith.constant 0 : i32
      %dma_wait3A_119 = tpu.memref_slice %arg7[%dma_wait3A_117, %dma_wait3A_118] : memref<2x128xi32, #tpu.memory_space<vmem>> -> memref<1x128xi32, #tpu.memory_space<vmem>>
      %dma_wait3A_120 = tpu.memref_squeeze %dma_wait3A_119 : memref<1x128xi32, #tpu.memory_space<vmem>> -> memref<128xi32, #tpu.memory_space<vmem>>
      %dma_wait3A_121 = arith.constant 0 : i32
      %dma_wait3A_122 = arith.constant 0 : i32
      %dma_wait3A_123 = tpu.memref_slice %arg2[%dma_wait3A_121, %dma_wait3A_122] : memref<10000x128xf32, #tpu.memory_space<hbm>> -> memref<10000x128xf32, #tpu.memory_space<hbm>>
      tpu.wait_indirect_dma semaphore(%arg14 : memref<!tpu.dma_semaphore, #tpu.memory_space<semaphore_mem>>) src(%dma_wait3A_123 : memref<10000x128xf32, #tpu.memory_space<hbm>>) dst(%arg11 : memref<128x128xf32, #tpu.memory_space<vmem>>)
      %run_scoped3A_124 = arith.constant 1 : i32
      "tpu.region"() ({
        %run_scoped3A_191 = tpu.sem_alloc : memref<!tpu.dma_semaphore, #tpu.memory_space<semaphore_mem>>
        %dma_start3A_192 = arith.constant 0 : i32
        %dma_start3A_193 = tpu.memref_slice %arg7[%run_scoped3A_124, %dma_start3A_192] : memref<2x128xi32, #tpu.memory_space<vmem>> -> memref<1x128xi32, #tpu.memory_space<vmem>>
        %dma_start3A_194 = tpu.memref_squeeze %dma_start3A_193 : memref<1x128xi32, #tpu.memory_space<vmem>> -> memref<128xi32, #tpu.memory_space<vmem>>
        %dma_start3A_195 = arith.constant 0 : i32
        %dma_start3A_196 = arith.constant 0 : i32
        %dma_start3A_197 = tpu.memref_slice %arg12[%dma_start3A_195, %dma_start3A_196] : memref<10240x128xf32, #tpu.memory_space<vmem_shared>> -> memref<10240x128xf32, #tpu.memory_space<vmem_shared>>
        tpu.enqueue_indirect_dma source(%arg11 : memref<128x128xf32, #tpu.memory_space<vmem>>) target(%dma_start3A_197 : memref<10240x128xf32, #tpu.memory_space<vmem_shared>>) offsets(%dma_start3A_194 : memref<128xi32, #tpu.memory_space<vmem>>) semaphore(%run_scoped3A_191 : memref<!tpu.dma_semaphore, #tpu.memory_space<semaphore_mem>>) {add = true}
        %dma_wait3A_198 = arith.constant 0 : i32
        %dma_wait3A_199 = tpu.memref_slice %arg7[%run_scoped3A_124, %dma_wait3A_198] : memref<2x128xi32, #tpu.memory_space<vmem>> -> memref<1x128xi32, #tpu.memory_space<vmem>>
        %dma_wait3A_200 = tpu.memref_squeeze %dma_wait3A_199 : memref<1x128xi32, #tpu.memory_space<vmem>> -> memref<128xi32, #tpu.memory_space<vmem>>
        %dma_wait3A_201 = arith.constant 0 : i32
        %dma_wait3A_202 = arith.constant 0 : i32
        %dma_wait3A_203 = tpu.memref_slice %arg12[%dma_wait3A_201, %dma_wait3A_202] : memref<10240x128xf32, #tpu.memory_space<vmem_shared>> -> memref<10240x128xf32, #tpu.memory_space<vmem_shared>>
        tpu.wait_indirect_dma semaphore(%run_scoped3A_191 : memref<!tpu.dma_semaphore, #tpu.memory_space<semaphore_mem>>) src(%arg11 : memref<128x128xf32, #tpu.memory_space<vmem>>) dst(%dma_wait3A_203 : memref<10240x128xf32, #tpu.memory_space<vmem_shared>>)
        tpu.yield
      }) : () -> ()
      %add3A_125 = arith.constant 4 : i32
      %add3A_126 = arith.addi %add3A_116, %add3A_125 : i32
      %lt3A_127 = arith.constant 78 : i32
      %lt3A_128 = arith.cmpi slt, %add3A_126, %lt3A_127 : i32
      %convert_element_type3A_129 = arith.extui %lt3A_128 : i1 to i32
      %cond3A_130 = arith.constant 0 : i32
      %cond3A_131 = arith.cmpi ne, %convert_element_type3A_129, %cond3A_130 : i32
      scf.if %cond3A_131 {
        %add3A_191 = arith.constant 4 : i32
        %add3A_192 = arith.addi %add3A_116, %add3A_191 : i32
        %mul3A_193 = arith.constant 32 : i32
        %mul3A_194 = arith.muli %add3A_192, %mul3A_193 : i32
        %add3A_195 = arith.addi %mul3A_194, %add3A : i32
        %mul3A_196 = arith.constant 128 : i32
        %mul3A_197 = arith.muli %add3A_195, %mul3A_196 : i32
        %dma_start3A_198 = arith.constant 0 : i32
        %dma_start3A_199 = tpu.memref_slice %arg3[%dma_start3A_198, %mul3A_197] : memref<2x320000xi32, #tpu.memory_space<hbm>> -> memref<2x128xi32, #tpu.memory_space<hbm>>
        %dma_start3A_200 = arith.constant 0 : i32
        %dma_start3A_201 = tpu.memref_slice %arg3[%dma_start3A_200, %mul3A_197] : memref<2x320000xi32, #tpu.memory_space<hbm>> -> memref<2x128xi32, #tpu.memory_space<hbm>>
        tpu.enqueue_dma source(%dma_start3A_201 : memref<2x128xi32, #tpu.memory_space<hbm>>) target(%arg7 : memref<2x128xi32, #tpu.memory_space<vmem>>) target_semaphore(%arg16 : memref<!tpu.dma_semaphore, #tpu.memory_space<semaphore_mem>>)
      } else {
      }
      %add3A_132 = arith.constant 2 : i32
      %add3A_133 = arith.addi %add3A_116, %add3A_132 : i32
      %lt3A_134 = arith.constant 78 : i32
      %lt3A_135 = arith.cmpi slt, %add3A_133, %lt3A_134 : i32
      %convert_element_type3A_136 = arith.extui %lt3A_135 : i1 to i32
      %cond3A_137 = arith.constant 0 : i32
      %cond3A_138 = arith.cmpi ne, %convert_element_type3A_136, %cond3A_137 : i32
      scf.if %cond3A_138 {
        %add3A_191 = arith.constant 2 : i32
        %add3A_192 = arith.addi %add3A_116, %add3A_191 : i32
        %mul3A_193 = arith.constant 32 : i32
        %mul3A_194 = arith.muli %add3A_192, %mul3A_193 : i32
        %add3A_195 = arith.addi %mul3A_194, %add3A : i32
        %mul3A_196 = arith.constant 128 : i32
        %mul3A_197 = arith.muli %add3A_195, %mul3A_196 : i32
        %dma_wait3A_198 = arith.constant 0 : i32
        %dma_wait3A_199 = tpu.memref_slice %arg3[%dma_wait3A_198, %mul3A_197] : memref<2x320000xi32, #tpu.memory_space<hbm>> -> memref<2x128xi32, #tpu.memory_space<hbm>>
        %dma_wait3A_200 = arith.constant 0 : i32
        %dma_wait3A_201 = tpu.memref_slice %arg3[%dma_wait3A_200, %mul3A_197] : memref<2x320000xi32, #tpu.memory_space<hbm>> -> memref<2x128xi32, #tpu.memory_space<hbm>>
        tpu.wait_dma2 semaphore(%arg18 : memref<!tpu.dma_semaphore, #tpu.memory_space<semaphore_mem>>) src(%dma_wait3A_201 : memref<2x128xi32, #tpu.memory_space<hbm>>) dst(%arg9 : memref<2x128xi32, #tpu.memory_space<vmem>>)
        %dma_start3A_202 = arith.constant 0 : i32
        %dma_start3A_203 = arith.constant 0 : i32
        %dma_start3A_204 = tpu.memref_slice %arg9[%dma_start3A_202, %dma_start3A_203] : memref<2x128xi32, #tpu.memory_space<vmem>> -> memref<1x128xi32, #tpu.memory_space<vmem>>
        %dma_start3A_205 = tpu.memref_squeeze %dma_start3A_204 : memref<1x128xi32, #tpu.memory_space<vmem>> -> memref<128xi32, #tpu.memory_space<vmem>>
        %dma_start3A_206 = arith.constant 0 : i32
        %dma_start3A_207 = arith.constant 0 : i32
        %dma_start3A_208 = tpu.memref_slice %arg2[%dma_start3A_206, %dma_start3A_207] : memref<10000x128xf32, #tpu.memory_space<hbm>> -> memref<10000x128xf32, #tpu.memory_space<hbm>>
        tpu.enqueue_indirect_dma source(%dma_start3A_208 : memref<10000x128xf32, #tpu.memory_space<hbm>>) target(%arg11 : memref<128x128xf32, #tpu.memory_space<vmem>>) offsets(%dma_start3A_205 : memref<128xi32, #tpu.memory_space<vmem>>) semaphore(%arg14 : memref<!tpu.dma_semaphore, #tpu.memory_space<semaphore_mem>>)
      } else {
      }
      %mul3A_139 = arith.constant 4 : i32
      %mul3A_140 = arith.muli %scan3A_86, %mul3A_139 : i32
      %add3A_141 = arith.constant 2 : i32
      %add3A_142 = arith.addi %mul3A_140, %add3A_141 : i32
      %dma_wait3A_143 = arith.constant 0 : i32
      %dma_wait3A_144 = arith.constant 0 : i32
      %dma_wait3A_145 = tpu.memref_slice %arg8[%dma_wait3A_143, %dma_wait3A_144] : memref<2x128xi32, #tpu.memory_space<vmem>> -> memref<1x128xi32, #tpu.memory_space<vmem>>
      %dma_wait3A_146 = tpu.memref_squeeze %dma_wait3A_145 : memref<1x128xi32, #tpu.memory_space<vmem>> -> memref<128xi32, #tpu.memory_space<vmem>>
      %dma_wait3A_147 = arith.constant 0 : i32
      %dma_wait3A_148 = arith.constant 0 : i32
      %dma_wait3A_149 = tpu.memref_slice %arg2[%dma_wait3A_147, %dma_wait3A_148] : memref<10000x128xf32, #tpu.memory_space<hbm>> -> memref<10000x128xf32, #tpu.memory_space<hbm>>
      tpu.wait_indirect_dma semaphore(%arg13 : memref<!tpu.dma_semaphore, #tpu.memory_space<semaphore_mem>>) src(%dma_wait3A_149 : memref<10000x128xf32, #tpu.memory_space<hbm>>) dst(%arg10 : memref<128x128xf32, #tpu.memory_space<vmem>>)
      %run_scoped3A_150 = arith.constant 1 : i32
      "tpu.region"() ({
        %run_scoped3A_191 = tpu.sem_alloc : memref<!tpu.dma_semaphore, #tpu.memory_space<semaphore_mem>>
        %dma_start3A_192 = arith.constant 0 : i32
        %dma_start3A_193 = tpu.memref_slice %arg8[%run_scoped3A_150, %dma_start3A_192] : memref<2x128xi32, #tpu.memory_space<vmem>> -> memref<1x128xi32, #tpu.memory_space<vmem>>
        %dma_start3A_194 = tpu.memref_squeeze %dma_start3A_193 : memref<1x128xi32, #tpu.memory_space<vmem>> -> memref<128xi32, #tpu.memory_space<vmem>>
        %dma_start3A_195 = arith.constant 0 : i32
        %dma_start3A_196 = arith.constant 0 : i32
        %dma_start3A_197 = tpu.memref_slice %arg12[%dma_start3A_195, %dma_start3A_196] : memref<10240x128xf32, #tpu.memory_space<vmem_shared>> -> memref<10240x128xf32, #tpu.memory_space<vmem_shared>>
        tpu.enqueue_indirect_dma source(%arg10 : memref<128x128xf32, #tpu.memory_space<vmem>>) target(%dma_start3A_197 : memref<10240x128xf32, #tpu.memory_space<vmem_shared>>) offsets(%dma_start3A_194 : memref<128xi32, #tpu.memory_space<vmem>>) semaphore(%run_scoped3A_191 : memref<!tpu.dma_semaphore, #tpu.memory_space<semaphore_mem>>) {add = true}
        %dma_wait3A_198 = arith.constant 0 : i32
        %dma_wait3A_199 = tpu.memref_slice %arg8[%run_scoped3A_150, %dma_wait3A_198] : memref<2x128xi32, #tpu.memory_space<vmem>> -> memref<1x128xi32, #tpu.memory_space<vmem>>
        %dma_wait3A_200 = tpu.memref_squeeze %dma_wait3A_199 : memref<1x128xi32, #tpu.memory_space<vmem>> -> memref<128xi32, #tpu.memory_space<vmem>>
        %dma_wait3A_201 = arith.constant 0 : i32
        %dma_wait3A_202 = arith.constant 0 : i32
        %dma_wait3A_203 = tpu.memref_slice %arg12[%dma_wait3A_201, %dma_wait3A_202] : memref<10240x128xf32, #tpu.memory_space<vmem_shared>> -> memref<10240x128xf32, #tpu.memory_space<vmem_shared>>
        tpu.wait_indirect_dma semaphore(%run_scoped3A_191 : memref<!tpu.dma_semaphore, #tpu.memory_space<semaphore_mem>>) src(%arg10 : memref<128x128xf32, #tpu.memory_space<vmem>>) dst(%dma_wait3A_203 : memref<10240x128xf32, #tpu.memory_space<vmem_shared>>)
        tpu.yield
      }) : () -> ()
      %add3A_151 = arith.constant 4 : i32
      %add3A_152 = arith.addi %add3A_142, %add3A_151 : i32
      %lt3A_153 = arith.constant 78 : i32
      %lt3A_154 = arith.cmpi slt, %add3A_152, %lt3A_153 : i32
      %convert_element_type3A_155 = arith.extui %lt3A_154 : i1 to i32
      %cond3A_156 = arith.constant 0 : i32
      %cond3A_157 = arith.cmpi ne, %convert_element_type3A_155, %cond3A_156 : i32
      scf.if %cond3A_157 {
        %add3A_191 = arith.constant 4 : i32
        %add3A_192 = arith.addi %add3A_142, %add3A_191 : i32
        %mul3A_193 = arith.constant 32 : i32
        %mul3A_194 = arith.muli %add3A_192, %mul3A_193 : i32
        %add3A_195 = arith.addi %mul3A_194, %add3A : i32
        %mul3A_196 = arith.constant 128 : i32
        %mul3A_197 = arith.muli %add3A_195, %mul3A_196 : i32
        %dma_start3A_198 = arith.constant 0 : i32
        %dma_start3A_199 = tpu.memref_slice %arg3[%dma_start3A_198, %mul3A_197] : memref<2x320000xi32, #tpu.memory_space<hbm>> -> memref<2x128xi32, #tpu.memory_space<hbm>>
        %dma_start3A_200 = arith.constant 0 : i32
        %dma_start3A_201 = tpu.memref_slice %arg3[%dma_start3A_200, %mul3A_197] : memref<2x320000xi32, #tpu.memory_space<hbm>> -> memref<2x128xi32, #tpu.memory_space<hbm>>
        tpu.enqueue_dma source(%dma_start3A_201 : memref<2x128xi32, #tpu.memory_space<hbm>>) target(%arg8 : memref<2x128xi32, #tpu.memory_space<vmem>>) target_semaphore(%arg17 : memref<!tpu.dma_semaphore, #tpu.memory_space<semaphore_mem>>)
      } else {
      }
      %add3A_158 = arith.constant 2 : i32
      %add3A_159 = arith.addi %add3A_142, %add3A_158 : i32
      %lt3A_160 = arith.constant 78 : i32
      %lt3A_161 = arith.cmpi slt, %add3A_159, %lt3A_160 : i32
      %convert_element_type3A_162 = arith.extui %lt3A_161 : i1 to i32
      %cond3A_163 = arith.constant 0 : i32
      %cond3A_164 = arith.cmpi ne, %convert_element_type3A_162, %cond3A_163 : i32
      scf.if %cond3A_164 {
        %add3A_191 = arith.constant 2 : i32
        %add3A_192 = arith.addi %add3A_142, %add3A_191 : i32
        %mul3A_193 = arith.constant 32 : i32
        %mul3A_194 = arith.muli %add3A_192, %mul3A_193 : i32
        %add3A_195 = arith.addi %mul3A_194, %add3A : i32
        %mul3A_196 = arith.constant 128 : i32
        %mul3A_197 = arith.muli %add3A_195, %mul3A_196 : i32
        %dma_wait3A_198 = arith.constant 0 : i32
        %dma_wait3A_199 = tpu.memref_slice %arg3[%dma_wait3A_198, %mul3A_197] : memref<2x320000xi32, #tpu.memory_space<hbm>> -> memref<2x128xi32, #tpu.memory_space<hbm>>
        %dma_wait3A_200 = arith.constant 0 : i32
        %dma_wait3A_201 = tpu.memref_slice %arg3[%dma_wait3A_200, %mul3A_197] : memref<2x320000xi32, #tpu.memory_space<hbm>> -> memref<2x128xi32, #tpu.memory_space<hbm>>
        tpu.wait_dma2 semaphore(%arg15 : memref<!tpu.dma_semaphore, #tpu.memory_space<semaphore_mem>>) src(%dma_wait3A_201 : memref<2x128xi32, #tpu.memory_space<hbm>>) dst(%arg6 : memref<2x128xi32, #tpu.memory_space<vmem>>)
        %dma_start3A_202 = arith.constant 0 : i32
        %dma_start3A_203 = arith.constant 0 : i32
        %dma_start3A_204 = tpu.memref_slice %arg6[%dma_start3A_202, %dma_start3A_203] : memref<2x128xi32, #tpu.memory_space<vmem>> -> memref<1x128xi32, #tpu.memory_space<vmem>>
        %dma_start3A_205 = tpu.memref_squeeze %dma_start3A_204 : memref<1x128xi32, #tpu.memory_space<vmem>> -> memref<128xi32, #tpu.memory_space<vmem>>
        %dma_start3A_206 = arith.constant 0 : i32
        %dma_start3A_207 = arith.constant 0 : i32
        %dma_start3A_208 = tpu.memref_slice %arg2[%dma_start3A_206, %dma_start3A_207] : memref<10000x128xf32, #tpu.memory_space<hbm>> -> memref<10000x128xf32, #tpu.memory_space<hbm>>
        tpu.enqueue_indirect_dma source(%dma_start3A_208 : memref<10000x128xf32, #tpu.memory_space<hbm>>) target(%arg10 : memref<128x128xf32, #tpu.memory_space<vmem>>) offsets(%dma_start3A_205 : memref<128xi32, #tpu.memory_space<vmem>>) semaphore(%arg13 : memref<!tpu.dma_semaphore, #tpu.memory_space<semaphore_mem>>)
      } else {
      }
      %mul3A_165 = arith.constant 4 : i32
      %mul3A_166 = arith.muli %scan3A_86, %mul3A_165 : i32
      %add3A_167 = arith.constant 3 : i32
      %add3A_168 = arith.addi %mul3A_166, %add3A_167 : i32
      %dma_wait3A_169 = arith.constant 0 : i32
      %dma_wait3A_170 = arith.constant 0 : i32
      %dma_wait3A_171 = tpu.memref_slice %arg9[%dma_wait3A_169, %dma_wait3A_170] : memref<2x128xi32, #tpu.memory_space<vmem>> -> memref<1x128xi32, #tpu.memory_space<vmem>>
      %dma_wait3A_172 = tpu.memref_squeeze %dma_wait3A_171 : memref<1x128xi32, #tpu.memory_space<vmem>> -> memref<128xi32, #tpu.memory_space<vmem>>
      %dma_wait3A_173 = arith.constant 0 : i32
      %dma_wait3A_174 = arith.constant 0 : i32
      %dma_wait3A_175 = tpu.memref_slice %arg2[%dma_wait3A_173, %dma_wait3A_174] : memref<10000x128xf32, #tpu.memory_space<hbm>> -> memref<10000x128xf32, #tpu.memory_space<hbm>>
      tpu.wait_indirect_dma semaphore(%arg14 : memref<!tpu.dma_semaphore, #tpu.memory_space<semaphore_mem>>) src(%dma_wait3A_175 : memref<10000x128xf32, #tpu.memory_space<hbm>>) dst(%arg11 : memref<128x128xf32, #tpu.memory_space<vmem>>)
      %run_scoped3A_176 = arith.constant 1 : i32
      "tpu.region"() ({
        %run_scoped3A_191 = tpu.sem_alloc : memref<!tpu.dma_semaphore, #tpu.memory_space<semaphore_mem>>
        %dma_start3A_192 = arith.constant 0 : i32
        %dma_start3A_193 = tpu.memref_slice %arg9[%run_scoped3A_176, %dma_start3A_192] : memref<2x128xi32, #tpu.memory_space<vmem>> -> memref<1x128xi32, #tpu.memory_space<vmem>>
        %dma_start3A_194 = tpu.memref_squeeze %dma_start3A_193 : memref<1x128xi32, #tpu.memory_space<vmem>> -> memref<128xi32, #tpu.memory_space<vmem>>
        %dma_start3A_195 = arith.constant 0 : i32
        %dma_start3A_196 = arith.constant 0 : i32
        %dma_start3A_197 = tpu.memref_slice %arg12[%dma_start3A_195, %dma_start3A_196] : memref<10240x128xf32, #tpu.memory_space<vmem_shared>> -> memref<10240x128xf32, #tpu.memory_space<vmem_shared>>
        tpu.enqueue_indirect_dma source(%arg11 : memref<128x128xf32, #tpu.memory_space<vmem>>) target(%dma_start3A_197 : memref<10240x128xf32, #tpu.memory_space<vmem_shared>>) offsets(%dma_start3A_194 : memref<128xi32, #tpu.memory_space<vmem>>) semaphore(%run_scoped3A_191 : memref<!tpu.dma_semaphore, #tpu.memory_space<semaphore_mem>>) {add = true}
        %dma_wait3A_198 = arith.constant 0 : i32
        %dma_wait3A_199 = tpu.memref_slice %arg9[%run_scoped3A_176, %dma_wait3A_198] : memref<2x128xi32, #tpu.memory_space<vmem>> -> memref<1x128xi32, #tpu.memory_space<vmem>>
        %dma_wait3A_200 = tpu.memref_squeeze %dma_wait3A_199 : memref<1x128xi32, #tpu.memory_space<vmem>> -> memref<128xi32, #tpu.memory_space<vmem>>
        %dma_wait3A_201 = arith.constant 0 : i32
        %dma_wait3A_202 = arith.constant 0 : i32
        %dma_wait3A_203 = tpu.memref_slice %arg12[%dma_wait3A_201, %dma_wait3A_202] : memref<10240x128xf32, #tpu.memory_space<vmem_shared>> -> memref<10240x128xf32, #tpu.memory_space<vmem_shared>>
        tpu.wait_indirect_dma semaphore(%run_scoped3A_191 : memref<!tpu.dma_semaphore, #tpu.memory_space<semaphore_mem>>) src(%arg11 : memref<128x128xf32, #tpu.memory_space<vmem>>) dst(%dma_wait3A_203 : memref<10240x128xf32, #tpu.memory_space<vmem_shared>>)
        tpu.yield
      }) : () -> ()
      %add3A_177 = arith.constant 4 : i32
      %add3A_178 = arith.addi %add3A_168, %add3A_177 : i32
      %lt3A_179 = arith.constant 78 : i32
      %lt3A_180 = arith.cmpi slt, %add3A_178, %lt3A_179 : i32
      %convert_element_type3A_181 = arith.extui %lt3A_180 : i1 to i32
      %cond3A_182 = arith.constant 0 : i32
      %cond3A_183 = arith.cmpi ne, %convert_element_type3A_181, %cond3A_182 : i32
      scf.if %cond3A_183 {
        %add3A_191 = arith.constant 4 : i32
        %add3A_192 = arith.addi %add3A_168, %add3A_191 : i32
        %mul3A_193 = arith.constant 32 : i32
        %mul3A_194 = arith.muli %add3A_192, %mul3A_193 : i32
        %add3A_195 = arith.addi %mul3A_194, %add3A : i32
        %mul3A_196 = arith.constant 128 : i32
        %mul3A_197 = arith.muli %add3A_195, %mul3A_196 : i32
        %dma_start3A_198 = arith.constant 0 : i32
        %dma_start3A_199 = tpu.memref_slice %arg3[%dma_start3A_198, %mul3A_197] : memref<2x320000xi32, #tpu.memory_space<hbm>> -> memref<2x128xi32, #tpu.memory_space<hbm>>
        %dma_start3A_200 = arith.constant 0 : i32
        %dma_start3A_201 = tpu.memref_slice %arg3[%dma_start3A_200, %mul3A_197] : memref<2x320000xi32, #tpu.memory_space<hbm>> -> memref<2x128xi32, #tpu.memory_space<hbm>>
        tpu.enqueue_dma source(%dma_start3A_201 : memref<2x128xi32, #tpu.memory_space<hbm>>) target(%arg9 : memref<2x128xi32, #tpu.memory_space<vmem>>) target_semaphore(%arg18 : memref<!tpu.dma_semaphore, #tpu.memory_space<semaphore_mem>>)
      } else {
      }
      %add3A_184 = arith.constant 2 : i32
      %add3A_185 = arith.addi %add3A_168, %add3A_184 : i32
      %lt3A_186 = arith.constant 78 : i32
      %lt3A_187 = arith.cmpi slt, %add3A_185, %lt3A_186 : i32
      %convert_element_type3A_188 = arith.extui %lt3A_187 : i1 to i32
      %cond3A_189 = arith.constant 0 : i32
      %cond3A_190 = arith.cmpi ne, %convert_element_type3A_188, %cond3A_189 : i32
      scf.if %cond3A_190 {
        %add3A_191 = arith.constant 2 : i32
        %add3A_192 = arith.addi %add3A_168, %add3A_191 : i32
        %mul3A_193 = arith.constant 32 : i32
        %mul3A_194 = arith.muli %add3A_192, %mul3A_193 : i32
        %add3A_195 = arith.addi %mul3A_194, %add3A : i32
        %mul3A_196 = arith.constant 128 : i32
        %mul3A_197 = arith.muli %add3A_195, %mul3A_196 : i32
        %dma_wait3A_198 = arith.constant 0 : i32
        %dma_wait3A_199 = tpu.memref_slice %arg3[%dma_wait3A_198, %mul3A_197] : memref<2x320000xi32, #tpu.memory_space<hbm>> -> memref<2x128xi32, #tpu.memory_space<hbm>>
        %dma_wait3A_200 = arith.constant 0 : i32
        %dma_wait3A_201 = tpu.memref_slice %arg3[%dma_wait3A_200, %mul3A_197] : memref<2x320000xi32, #tpu.memory_space<hbm>> -> memref<2x128xi32, #tpu.memory_space<hbm>>
        tpu.wait_dma2 semaphore(%arg16 : memref<!tpu.dma_semaphore, #tpu.memory_space<semaphore_mem>>) src(%dma_wait3A_201 : memref<2x128xi32, #tpu.memory_space<hbm>>) dst(%arg7 : memref<2x128xi32, #tpu.memory_space<vmem>>)
        %dma_start3A_202 = arith.constant 0 : i32
        %dma_start3A_203 = arith.constant 0 : i32
        %dma_start3A_204 = tpu.memref_slice %arg7[%dma_start3A_202, %dma_start3A_203] : memref<2x128xi32, #tpu.memory_space<vmem>> -> memref<1x128xi32, #tpu.memory_space<vmem>>
        %dma_start3A_205 = tpu.memref_squeeze %dma_start3A_204 : memref<1x128xi32, #tpu.memory_space<vmem>> -> memref<128xi32, #tpu.memory_space<vmem>>
        %dma_start3A_206 = arith.constant 0 : i32
        %dma_start3A_207 = arith.constant 0 : i32
        %dma_start3A_208 = tpu.memref_slice %arg2[%dma_start3A_206, %dma_start3A_207] : memref<10000x128xf32, #tpu.memory_space<hbm>> -> memref<10000x128xf32, #tpu.memory_space<hbm>>
        tpu.enqueue_indirect_dma source(%dma_start3A_208 : memref<10000x128xf32, #tpu.memory_space<hbm>>) target(%arg11 : memref<128x128xf32, #tpu.memory_space<vmem>>) offsets(%dma_start3A_205 : memref<128xi32, #tpu.memory_space<vmem>>) semaphore(%arg14 : memref<!tpu.dma_semaphore, #tpu.memory_space<semaphore_mem>>)
      } else {
      }
    }
    %scan3A_67 = arith.constant 19 : i32
    %dma_wait3A_68 = arith.constant 0 : i32
    %dma_wait3A_69 = arith.constant 0 : i32
    %dma_wait3A_70 = tpu.memref_slice %arg6[%dma_wait3A_68, %dma_wait3A_69] : memref<2x128xi32, #tpu.memory_space<vmem>> -> memref<1x128xi32, #tpu.memory_space<vmem>>
    %dma_wait3A_71 = tpu.memref_squeeze %dma_wait3A_70 : memref<1x128xi32, #tpu.memory_space<vmem>> -> memref<128xi32, #tpu.memory_space<vmem>>
    %dma_wait3A_72 = arith.constant 0 : i32
    %dma_wait3A_73 = arith.constant 0 : i32
    %dma_wait3A_74 = tpu.memref_slice %arg2[%dma_wait3A_72, %dma_wait3A_73] : memref<10000x128xf32, #tpu.memory_space<hbm>> -> memref<10000x128xf32, #tpu.memory_space<hbm>>
    tpu.wait_indirect_dma semaphore(%arg13 : memref<!tpu.dma_semaphore, #tpu.memory_space<semaphore_mem>>) src(%dma_wait3A_74 : memref<10000x128xf32, #tpu.memory_space<hbm>>) dst(%arg10 : memref<128x128xf32, #tpu.memory_space<vmem>>)
    %run_scoped3A = arith.constant 1 : i32
    "tpu.region"() ({
      %run_scoped3A_86 = tpu.sem_alloc : memref<!tpu.dma_semaphore, #tpu.memory_space<semaphore_mem>>
      %dma_start3A_87 = arith.constant 0 : i32
      %dma_start3A_88 = tpu.memref_slice %arg6[%run_scoped3A, %dma_start3A_87] : memref<2x128xi32, #tpu.memory_space<vmem>> -> memref<1x128xi32, #tpu.memory_space<vmem>>
      %dma_start3A_89 = tpu.memref_squeeze %dma_start3A_88 : memref<1x128xi32, #tpu.memory_space<vmem>> -> memref<128xi32, #tpu.memory_space<vmem>>
      %dma_start3A_90 = arith.constant 0 : i32
      %dma_start3A_91 = arith.constant 0 : i32
      %dma_start3A_92 = tpu.memref_slice %arg12[%dma_start3A_90, %dma_start3A_91] : memref<10240x128xf32, #tpu.memory_space<vmem_shared>> -> memref<10240x128xf32, #tpu.memory_space<vmem_shared>>
      tpu.enqueue_indirect_dma source(%arg10 : memref<128x128xf32, #tpu.memory_space<vmem>>) target(%dma_start3A_92 : memref<10240x128xf32, #tpu.memory_space<vmem_shared>>) offsets(%dma_start3A_89 : memref<128xi32, #tpu.memory_space<vmem>>) semaphore(%run_scoped3A_86 : memref<!tpu.dma_semaphore, #tpu.memory_space<semaphore_mem>>) {add = true}
      %dma_wait3A_93 = arith.constant 0 : i32
      %dma_wait3A_94 = tpu.memref_slice %arg6[%run_scoped3A, %dma_wait3A_93] : memref<2x128xi32, #tpu.memory_space<vmem>> -> memref<1x128xi32, #tpu.memory_space<vmem>>
      %dma_wait3A_95 = tpu.memref_squeeze %dma_wait3A_94 : memref<1x128xi32, #tpu.memory_space<vmem>> -> memref<128xi32, #tpu.memory_space<vmem>>
      %dma_wait3A_96 = arith.constant 0 : i32
      %dma_wait3A_97 = arith.constant 0 : i32
      %dma_wait3A_98 = tpu.memref_slice %arg12[%dma_wait3A_96, %dma_wait3A_97] : memref<10240x128xf32, #tpu.memory_space<vmem_shared>> -> memref<10240x128xf32, #tpu.memory_space<vmem_shared>>
      tpu.wait_indirect_dma semaphore(%run_scoped3A_86 : memref<!tpu.dma_semaphore, #tpu.memory_space<semaphore_mem>>) src(%arg10 : memref<128x128xf32, #tpu.memory_space<vmem>>) dst(%dma_wait3A_98 : memref<10240x128xf32, #tpu.memory_space<vmem_shared>>)
      tpu.yield
    }) : () -> ()
    %dma_wait3A_75 = arith.constant 0 : i32
    %dma_wait3A_76 = arith.constant 0 : i32
    %dma_wait3A_77 = tpu.memref_slice %arg7[%dma_wait3A_75, %dma_wait3A_76] : memref<2x128xi32, #tpu.memory_space<vmem>> -> memref<1x128xi32, #tpu.memory_space<vmem>>
    %dma_wait3A_78 = tpu.memref_squeeze %dma_wait3A_77 : memref<1x128xi32, #tpu.memory_space<vmem>> -> memref<128xi32, #tpu.memory_space<vmem>>
    %dma_wait3A_79 = arith.constant 0 : i32
    %dma_wait3A_80 = arith.constant 0 : i32
    %dma_wait3A_81 = tpu.memref_slice %arg2[%dma_wait3A_79, %dma_wait3A_80] : memref<10000x128xf32, #tpu.memory_space<hbm>> -> memref<10000x128xf32, #tpu.memory_space<hbm>>
    tpu.wait_indirect_dma semaphore(%arg14 : memref<!tpu.dma_semaphore, #tpu.memory_space<semaphore_mem>>) src(%dma_wait3A_81 : memref<10000x128xf32, #tpu.memory_space<hbm>>) dst(%arg11 : memref<128x128xf32, #tpu.memory_space<vmem>>)
    %run_scoped3A_82 = arith.constant 1 : i32
    "tpu.region"() ({
      %run_scoped3A_86 = tpu.sem_alloc : memref<!tpu.dma_semaphore, #tpu.memory_space<semaphore_mem>>
      %dma_start3A_87 = arith.constant 0 : i32
      %dma_start3A_88 = tpu.memref_slice %arg7[%run_scoped3A_82, %dma_start3A_87] : memref<2x128xi32, #tpu.memory_space<vmem>> -> memref<1x128xi32, #tpu.memory_space<vmem>>
      %dma_start3A_89 = tpu.memref_squeeze %dma_start3A_88 : memref<1x128xi32, #tpu.memory_space<vmem>> -> memref<128xi32, #tpu.memory_space<vmem>>
      %dma_start3A_90 = arith.constant 0 : i32
      %dma_start3A_91 = arith.constant 0 : i32
      %dma_start3A_92 = tpu.memref_slice %arg12[%dma_start3A_90, %dma_start3A_91] : memref<10240x128xf32, #tpu.memory_space<vmem_shared>> -> memref<10240x128xf32, #tpu.memory_space<vmem_shared>>
      tpu.enqueue_indirect_dma source(%arg11 : memref<128x128xf32, #tpu.memory_space<vmem>>) target(%dma_start3A_92 : memref<10240x128xf32, #tpu.memory_space<vmem_shared>>) offsets(%dma_start3A_89 : memref<128xi32, #tpu.memory_space<vmem>>) semaphore(%run_scoped3A_86 : memref<!tpu.dma_semaphore, #tpu.memory_space<semaphore_mem>>) {add = true}
      %dma_wait3A_93 = arith.constant 0 : i32
      %dma_wait3A_94 = tpu.memref_slice %arg7[%run_scoped3A_82, %dma_wait3A_93] : memref<2x128xi32, #tpu.memory_space<vmem>> -> memref<1x128xi32, #tpu.memory_space<vmem>>
      %dma_wait3A_95 = tpu.memref_squeeze %dma_wait3A_94 : memref<1x128xi32, #tpu.memory_space<vmem>> -> memref<128xi32, #tpu.memory_space<vmem>>
      %dma_wait3A_96 = arith.constant 0 : i32
      %dma_wait3A_97 = arith.constant 0 : i32
      %dma_wait3A_98 = tpu.memref_slice %arg12[%dma_wait3A_96, %dma_wait3A_97] : memref<10240x128xf32, #tpu.memory_space<vmem_shared>> -> memref<10240x128xf32, #tpu.memory_space<vmem_shared>>
      tpu.wait_indirect_dma semaphore(%run_scoped3A_86 : memref<!tpu.dma_semaphore, #tpu.memory_space<semaphore_mem>>) src(%arg11 : memref<128x128xf32, #tpu.memory_space<vmem>>) dst(%dma_wait3A_98 : memref<10240x128xf32, #tpu.memory_space<vmem_shared>>)
      tpu.yield
    }) : () -> ()
    %lt3A = arith.constant 4 : i32
    %lt3A_83 = arith.cmpi slt, %add3A, %lt3A : i32
    %convert_element_type3A = arith.extui %lt3A_83 : i1 to i32
    %cond3A = arith.constant 0 : i32
    %cond3A_84 = arith.cmpi ne, %convert_element_type3A, %cond3A : i32
    scf.if %cond3A_84 {
      %add3A_86 = arith.constant 2496 : i32
      %add3A_87 = arith.addi %add3A_86, %add3A : i32
      %mul3A_88 = arith.constant 128 : i32
      %mul3A_89 = arith.muli %add3A_87, %mul3A_88 : i32
      "tpu.region"() ({
        %run_scoped3A_105 = tpu.sem_alloc : memref<!tpu.dma_semaphore, #tpu.memory_space<semaphore_mem>>
        %dma_start3A_106 = arith.constant 0 : i32
        %dma_start3A_107 = tpu.memref_slice %arg3[%dma_start3A_106, %mul3A_89] : memref<2x320000xi32, #tpu.memory_space<hbm>> -> memref<2x128xi32, #tpu.memory_space<hbm>>
        %dma_start3A_108 = arith.constant 0 : i32
        %dma_start3A_109 = tpu.memref_slice %arg3[%dma_start3A_108, %mul3A_89] : memref<2x320000xi32, #tpu.memory_space<hbm>> -> memref<2x128xi32, #tpu.memory_space<hbm>>
        tpu.enqueue_dma source(%dma_start3A_109 : memref<2x128xi32, #tpu.memory_space<hbm>>) target(%arg6 : memref<2x128xi32, #tpu.memory_space<vmem>>) target_semaphore(%run_scoped3A_105 : memref<!tpu.dma_semaphore, #tpu.memory_space<semaphore_mem>>)
        %dma_wait3A_110 = arith.constant 0 : i32
        %dma_wait3A_111 = tpu.memref_slice %arg3[%dma_wait3A_110, %mul3A_89] : memref<2x320000xi32, #tpu.memory_space<hbm>> -> memref<2x128xi32, #tpu.memory_space<hbm>>
        %dma_wait3A_112 = arith.constant 0 : i32
        %dma_wait3A_113 = tpu.memref_slice %arg3[%dma_wait3A_112, %mul3A_89] : memref<2x320000xi32, #tpu.memory_space<hbm>> -> memref<2x128xi32, #tpu.memory_space<hbm>>
        tpu.wait_dma2 semaphore(%run_scoped3A_105 : memref<!tpu.dma_semaphore, #tpu.memory_space<semaphore_mem>>) src(%dma_wait3A_113 : memref<2x128xi32, #tpu.memory_space<hbm>>) dst(%arg6 : memref<2x128xi32, #tpu.memory_space<vmem>>)
        tpu.yield
      }) : () -> ()
      %dma_start3A_90 = arith.constant 0 : i32
      %dma_start3A_91 = arith.constant 0 : i32
      %dma_start3A_92 = tpu.memref_slice %arg6[%dma_start3A_90, %dma_start3A_91] : memref<2x128xi32, #tpu.memory_space<vmem>> -> memref<1x128xi32, #tpu.memory_space<vmem>>
      %dma_start3A_93 = tpu.memref_squeeze %dma_start3A_92 : memref<1x128xi32, #tpu.memory_space<vmem>> -> memref<128xi32, #tpu.memory_space<vmem>>
      %dma_start3A_94 = arith.constant 0 : i32
      %dma_start3A_95 = arith.constant 0 : i32
      %dma_start3A_96 = tpu.memref_slice %arg2[%dma_start3A_94, %dma_start3A_95] : memref<10000x128xf32, #tpu.memory_space<hbm>> -> memref<10000x128xf32, #tpu.memory_space<hbm>>
      tpu.enqueue_indirect_dma source(%dma_start3A_96 : memref<10000x128xf32, #tpu.memory_space<hbm>>) target(%arg10 : memref<128x128xf32, #tpu.memory_space<vmem>>) offsets(%dma_start3A_93 : memref<128xi32, #tpu.memory_space<vmem>>) semaphore(%arg13 : memref<!tpu.dma_semaphore, #tpu.memory_space<semaphore_mem>>)
      %dma_wait3A_97 = arith.constant 0 : i32
      %dma_wait3A_98 = arith.constant 0 : i32
      %dma_wait3A_99 = tpu.memref_slice %arg6[%dma_wait3A_97, %dma_wait3A_98] : memref<2x128xi32, #tpu.memory_space<vmem>> -> memref<1x128xi32, #tpu.memory_space<vmem>>
      %dma_wait3A_100 = tpu.memref_squeeze %dma_wait3A_99 : memref<1x128xi32, #tpu.memory_space<vmem>> -> memref<128xi32, #tpu.memory_space<vmem>>
      %dma_wait3A_101 = arith.constant 0 : i32
      %dma_wait3A_102 = arith.constant 0 : i32
      %dma_wait3A_103 = tpu.memref_slice %arg2[%dma_wait3A_101, %dma_wait3A_102] : memref<10000x128xf32, #tpu.memory_space<hbm>> -> memref<10000x128xf32, #tpu.memory_space<hbm>>
      tpu.wait_indirect_dma semaphore(%arg13 : memref<!tpu.dma_semaphore, #tpu.memory_space<semaphore_mem>>) src(%dma_wait3A_103 : memref<10000x128xf32, #tpu.memory_space<hbm>>) dst(%arg10 : memref<128x128xf32, #tpu.memory_space<vmem>>)
      %run_scoped3A_104 = arith.constant 1 : i32
      "tpu.region"() ({
        %run_scoped3A_105 = tpu.sem_alloc : memref<!tpu.dma_semaphore, #tpu.memory_space<semaphore_mem>>
        %dma_start3A_106 = arith.constant 0 : i32
        %dma_start3A_107 = tpu.memref_slice %arg6[%run_scoped3A_104, %dma_start3A_106] : memref<2x128xi32, #tpu.memory_space<vmem>> -> memref<1x128xi32, #tpu.memory_space<vmem>>
        %dma_start3A_108 = tpu.memref_squeeze %dma_start3A_107 : memref<1x128xi32, #tpu.memory_space<vmem>> -> memref<128xi32, #tpu.memory_space<vmem>>
        %dma_start3A_109 = arith.constant 0 : i32
        %dma_start3A_110 = arith.constant 0 : i32
        %dma_start3A_111 = tpu.memref_slice %arg12[%dma_start3A_109, %dma_start3A_110] : memref<10240x128xf32, #tpu.memory_space<vmem_shared>> -> memref<10240x128xf32, #tpu.memory_space<vmem_shared>>
        tpu.enqueue_indirect_dma source(%arg10 : memref<128x128xf32, #tpu.memory_space<vmem>>) target(%dma_start3A_111 : memref<10240x128xf32, #tpu.memory_space<vmem_shared>>) offsets(%dma_start3A_108 : memref<128xi32, #tpu.memory_space<vmem>>) semaphore(%run_scoped3A_105 : memref<!tpu.dma_semaphore, #tpu.memory_space<semaphore_mem>>) {add = true}
        %dma_wait3A_112 = arith.constant 0 : i32
        %dma_wait3A_113 = tpu.memref_slice %arg6[%run_scoped3A_104, %dma_wait3A_112] : memref<2x128xi32, #tpu.memory_space<vmem>> -> memref<1x128xi32, #tpu.memory_space<vmem>>
        %dma_wait3A_114 = tpu.memref_squeeze %dma_wait3A_113 : memref<1x128xi32, #tpu.memory_space<vmem>> -> memref<128xi32, #tpu.memory_space<vmem>>
        %dma_wait3A_115 = arith.constant 0 : i32
        %dma_wait3A_116 = arith.constant 0 : i32
        %dma_wait3A_117 = tpu.memref_slice %arg12[%dma_wait3A_115, %dma_wait3A_116] : memref<10240x128xf32, #tpu.memory_space<vmem_shared>> -> memref<10240x128xf32, #tpu.memory_space<vmem_shared>>
        tpu.wait_indirect_dma semaphore(%run_scoped3A_105 : memref<!tpu.dma_semaphore, #tpu.memory_space<semaphore_mem>>) src(%arg10 : memref<128x128xf32, #tpu.memory_space<vmem>>) dst(%dma_wait3A_117 : memref<10240x128xf32, #tpu.memory_space<vmem_shared>>)
        tpu.yield
      }) : () -> ()
    } else {
    }
    %barrier3A_85 = arith.constant 0 : index
    tpu.barrier barrier_id(%barrier3A_85)
    "tpu.region"() ({
      %run_scoped3A_86 = tpu.sem_alloc : memref<!tpu.dma_semaphore, #tpu.memory_space<semaphore_mem>>
      %dma_start3A_87 = arith.constant 0 : i32
      %dma_start3A_88 = tpu.memref_slice %arg5[%arg0, %mul3A_2, %dma_start3A_87] : memref<2x10240x128xf32, #tpu.memory_space<hbm>> -> memref<1x640x128xf32, #tpu.memory_space<hbm>>
      %dma_start3A_89 = tpu.memref_squeeze %dma_start3A_88 : memref<1x640x128xf32, #tpu.memory_space<hbm>> -> memref<640x128xf32, #tpu.memory_space<hbm>>
      %dma_start3A_90 = arith.constant 0 : i32
      %dma_start3A_91 = tpu.memref_slice %arg12[%mul3A_2, %dma_start3A_90] : memref<10240x128xf32, #tpu.memory_space<vmem_shared>> -> memref<640x128xf32, #tpu.memory_space<vmem_shared>>
      tpu.enqueue_dma source(%dma_start3A_91 : memref<640x128xf32, #tpu.memory_space<vmem_shared>>) target(%dma_start3A_89 : memref<640x128xf32, #tpu.memory_space<hbm>>) target_semaphore(%run_scoped3A_86 : memref<!tpu.dma_semaphore, #tpu.memory_space<semaphore_mem>>)
      %dma_wait3A_92 = arith.constant 0 : i32
      %dma_wait3A_93 = tpu.memref_slice %arg5[%arg0, %mul3A_2, %dma_wait3A_92] : memref<2x10240x128xf32, #tpu.memory_space<hbm>> -> memref<1x640x128xf32, #tpu.memory_space<hbm>>
      %dma_wait3A_94 = tpu.memref_squeeze %dma_wait3A_93 : memref<1x640x128xf32, #tpu.memory_space<hbm>> -> memref<640x128xf32, #tpu.memory_space<hbm>>
      %dma_wait3A_95 = arith.constant 0 : i32
      %dma_wait3A_96 = tpu.memref_slice %arg12[%mul3A_2, %dma_wait3A_95] : memref<10240x128xf32, #tpu.memory_space<vmem_shared>> -> memref<640x128xf32, #tpu.memory_space<vmem_shared>>
      tpu.wait_dma2 semaphore(%run_scoped3A_86 : memref<!tpu.dma_semaphore, #tpu.memory_space<semaphore_mem>>) src(%dma_wait3A_96 : memref<640x128xf32, #tpu.memory_space<vmem_shared>>) dst(%dma_wait3A_94 : memref<640x128xf32, #tpu.memory_space<hbm>>)
      tpu.yield
    }) : () -> ()
    return
  }
}

#map = affine_map<(d0, d1) -> (0, 0)>
#map1 = affine_map<(d0, d1) -> (0, 0, 0)>
#map2 = affine_map<(d0, d1) -> (0)>
module attributes {stable_mosaic.version = 14 : i64} {
  func.func @body(%arg0: i32, %arg1: i32, %arg2: memref<10000x128xf32, #tpu.memory_space<hbm>>, %arg3: memref<2x320000xi32, #tpu.memory_space<hbm>>, %arg4: memref<10240x128xf32, #tpu.memory_space<hbm>>, %arg5: memref<2x10240x128xf32, #tpu.memory_space<hbm>>, %arg6: memref<20480xf32, #tpu.memory_space<hbm>>, %arg7: memref<2x128xi32, #tpu.memory_space<vmem>>, %arg8: memref<2x128xi32, #tpu.memory_space<vmem>>, %arg9: memref<2x128xi32, #tpu.memory_space<vmem>>, %arg10: memref<2x128xi32, #tpu.memory_space<vmem>>, %arg11: memref<128x128xf32, #tpu.memory_space<vmem>>, %arg12: memref<128x128xf32, #tpu.memory_space<vmem>>, %arg13: memref<128xf32, #tpu.memory_space<vmem>>, %arg14: memref<640xf32, #tpu.memory_space<vmem>>, %arg15: memref<10240x128xf32, #tpu.memory_space<vmem_shared>>, %arg16: memref<10240xf32, #tpu.memory_space<vmem_shared>>, %arg17: memref<!tpu.dma_semaphore, #tpu.memory_space<semaphore_mem>>, %arg18: memref<!tpu.dma_semaphore, #tpu.memory_space<semaphore_mem>>, %arg19: memref<!tpu.dma_semaphore, #tpu.memory_space<semaphore_mem>>, %arg20: memref<!tpu.dma_semaphore, #tpu.memory_space<semaphore_mem>>, %arg21: memref<!tpu.dma_semaphore, #tpu.memory_space<semaphore_mem>>, %arg22: memref<!tpu.dma_semaphore, #tpu.memory_space<semaphore_mem>>) attributes {dimension_semantics = [#tpu.dimension_semantics<core_parallel>, #tpu.dimension_semantics<subcore_parallel>], iteration_bounds = array<i64: 2, 16>, scalar_prefetch = 0 : i64, scratch_operands = 16 : i64, tpu.core_type = #tpu.core_type<sc_vector_subcore>, window_params = [{transform_indices = #map}, {transform_indices = #map}, {transform_indices = #map}, {transform_indices = #map1}, {transform_indices = #map2}]} {
    %mul3A = arith.constant 16 : i32
    %mul3A_0 = arith.muli %arg0, %mul3A : i32
    %add3A = arith.addi %mul3A_0, %arg1 : i32
    %mul3A_1 = arith.constant 640 : i32
    %mul3A_2 = arith.muli %arg1, %mul3A_1 : i32
    %add3A_3 = arith.constant 0 : i32
    %add3A_4 = arith.addi %add3A_3, %add3A : i32
    %mul3A_5 = arith.constant 128 : i32
    %mul3A_6 = arith.muli %add3A_4, %mul3A_5 : i32
    %dma_start3A = arith.constant 0 : i32
    %dma_start3A_7 = tpu.memref_slice %arg3[%dma_start3A, %mul3A_6] : memref<2x320000xi32, #tpu.memory_space<hbm>> -> memref<2x128xi32, #tpu.memory_space<hbm>>
    %dma_start3A_8 = arith.constant 0 : i32
    %dma_start3A_9 = tpu.memref_slice %arg3[%dma_start3A_8, %mul3A_6] : memref<2x320000xi32, #tpu.memory_space<hbm>> -> memref<2x128xi32, #tpu.memory_space<hbm>>
    tpu.enqueue_dma source(%dma_start3A_9 : memref<2x128xi32, #tpu.memory_space<hbm>>) target(%arg7 : memref<2x128xi32, #tpu.memory_space<vmem>>) target_semaphore(%arg19 : memref<!tpu.dma_semaphore, #tpu.memory_space<semaphore_mem>>)
    %add3A_10 = arith.constant 32 : i32
    %add3A_11 = arith.addi %add3A_10, %add3A : i32
    %mul3A_12 = arith.constant 128 : i32
    %mul3A_13 = arith.muli %add3A_11, %mul3A_12 : i32
    %dma_start3A_14 = arith.constant 0 : i32
    %dma_start3A_15 = tpu.memref_slice %arg3[%dma_start3A_14, %mul3A_13] : memref<2x320000xi32, #tpu.memory_space<hbm>> -> memref<2x128xi32, #tpu.memory_space<hbm>>
    %dma_start3A_16 = arith.constant 0 : i32
    %dma_start3A_17 = tpu.memref_slice %arg3[%dma_start3A_16, %mul3A_13] : memref<2x320000xi32, #tpu.memory_space<hbm>> -> memref<2x128xi32, #tpu.memory_space<hbm>>
    tpu.enqueue_dma source(%dma_start3A_17 : memref<2x128xi32, #tpu.memory_space<hbm>>) target(%arg8 : memref<2x128xi32, #tpu.memory_space<vmem>>) target_semaphore(%arg20 : memref<!tpu.dma_semaphore, #tpu.memory_space<semaphore_mem>>)
    %add3A_18 = arith.constant 64 : i32
    %add3A_19 = arith.addi %add3A_18, %add3A : i32
    %mul3A_20 = arith.constant 128 : i32
    %mul3A_21 = arith.muli %add3A_19, %mul3A_20 : i32
    %dma_start3A_22 = arith.constant 0 : i32
    %dma_start3A_23 = tpu.memref_slice %arg3[%dma_start3A_22, %mul3A_21] : memref<2x320000xi32, #tpu.memory_space<hbm>> -> memref<2x128xi32, #tpu.memory_space<hbm>>
    %dma_start3A_24 = arith.constant 0 : i32
    %dma_start3A_25 = tpu.memref_slice %arg3[%dma_start3A_24, %mul3A_21] : memref<2x320000xi32, #tpu.memory_space<hbm>> -> memref<2x128xi32, #tpu.memory_space<hbm>>
    tpu.enqueue_dma source(%dma_start3A_25 : memref<2x128xi32, #tpu.memory_space<hbm>>) target(%arg9 : memref<2x128xi32, #tpu.memory_space<vmem>>) target_semaphore(%arg21 : memref<!tpu.dma_semaphore, #tpu.memory_space<semaphore_mem>>)
    %add3A_26 = arith.constant 96 : i32
    %add3A_27 = arith.addi %add3A_26, %add3A : i32
    %mul3A_28 = arith.constant 128 : i32
    %mul3A_29 = arith.muli %add3A_27, %mul3A_28 : i32
    %dma_start3A_30 = arith.constant 0 : i32
    %dma_start3A_31 = tpu.memref_slice %arg3[%dma_start3A_30, %mul3A_29] : memref<2x320000xi32, #tpu.memory_space<hbm>> -> memref<2x128xi32, #tpu.memory_space<hbm>>
    %dma_start3A_32 = arith.constant 0 : i32
    %dma_start3A_33 = tpu.memref_slice %arg3[%dma_start3A_32, %mul3A_29] : memref<2x320000xi32, #tpu.memory_space<hbm>> -> memref<2x128xi32, #tpu.memory_space<hbm>>
    tpu.enqueue_dma source(%dma_start3A_33 : memref<2x128xi32, #tpu.memory_space<hbm>>) target(%arg10 : memref<2x128xi32, #tpu.memory_space<vmem>>) target_semaphore(%arg22 : memref<!tpu.dma_semaphore, #tpu.memory_space<semaphore_mem>>)
    "tpu.region"() ({
      %run_scoped3A_377 = tpu.sem_alloc : memref<!tpu.dma_semaphore, #tpu.memory_space<semaphore_mem>>
      %dma_start3A_378 = arith.constant 0 : i32
      %dma_start3A_379 = tpu.memref_slice %arg15[%mul3A_2, %dma_start3A_378] : memref<10240x128xf32, #tpu.memory_space<vmem_shared>> -> memref<640x128xf32, #tpu.memory_space<vmem_shared>>
      %dma_start3A_380 = arith.constant 0 : i32
      %dma_start3A_381 = tpu.memref_slice %arg4[%mul3A_2, %dma_start3A_380] : memref<10240x128xf32, #tpu.memory_space<hbm>> -> memref<640x128xf32, #tpu.memory_space<hbm>>
      tpu.enqueue_dma source(%dma_start3A_381 : memref<640x128xf32, #tpu.memory_space<hbm>>) target(%dma_start3A_379 : memref<640x128xf32, #tpu.memory_space<vmem_shared>>) target_semaphore(%run_scoped3A_377 : memref<!tpu.dma_semaphore, #tpu.memory_space<semaphore_mem>>)
      %dma_wait3A_382 = arith.constant 0 : i32
      %dma_wait3A_383 = tpu.memref_slice %arg15[%mul3A_2, %dma_wait3A_382] : memref<10240x128xf32, #tpu.memory_space<vmem_shared>> -> memref<640x128xf32, #tpu.memory_space<vmem_shared>>
      %dma_wait3A_384 = arith.constant 0 : i32
      %dma_wait3A_385 = tpu.memref_slice %arg4[%mul3A_2, %dma_wait3A_384] : memref<10240x128xf32, #tpu.memory_space<hbm>> -> memref<640x128xf32, #tpu.memory_space<hbm>>
      tpu.wait_dma2 semaphore(%run_scoped3A_377 : memref<!tpu.dma_semaphore, #tpu.memory_space<semaphore_mem>>) src(%dma_wait3A_385 : memref<640x128xf32, #tpu.memory_space<hbm>>) dst(%dma_wait3A_383 : memref<640x128xf32, #tpu.memory_space<vmem_shared>>)
      tpu.yield
    }) : () -> ()
    %broadcast_in_dim3A = arith.constant 0.000000e+00 : f32
    %broadcast_in_dim3A_34 = vector.broadcast %broadcast_in_dim3A : f32 to vector<16xf32>
    %swap3A = arith.constant 0 : index
    %swap3A_35 = tpu.vector_load %arg14[%swap3A] {strides = array<i32>} : memref<640xf32, #tpu.memory_space<vmem>>, vector<16xf32>,
    %swap3A_36 = vector.shape_cast %swap3A_35 : vector<16xf32> to vector<16xf32>
    %swap3A_37 = vector.shape_cast %broadcast_in_dim3A_34 : vector<16xf32> to vector<16xf32>
    tpu.vector_store %arg14[%swap3A], %swap3A_37 {strides = array<i32>} : memref<640xf32, #tpu.memory_space<vmem>>, vector<16xf32>,
    %broadcast_in_dim3A_38 = arith.constant 0.000000e+00 : f32
    %broadcast_in_dim3A_39 = vector.broadcast %broadcast_in_dim3A_38 : f32 to vector<16xf32>
    %swap3A_40 = arith.constant 16 : index
    %swap3A_41 = tpu.vector_load %arg14[%swap3A_40] {strides = array<i32>} : memref<640xf32, #tpu.memory_space<vmem>>, vector<16xf32>,
    %swap3A_42 = vector.shape_cast %swap3A_41 : vector<16xf32> to vector<16xf32>
    %swap3A_43 = vector.shape_cast %broadcast_in_dim3A_39 : vector<16xf32> to vector<16xf32>
    tpu.vector_store %arg14[%swap3A_40], %swap3A_43 {strides = array<i32>} : memref<640xf32, #tpu.memory_space<vmem>>, vector<16xf32>,
    %broadcast_in_dim3A_44 = arith.constant 0.000000e+00 : f32
    %broadcast_in_dim3A_45 = vector.broadcast %broadcast_in_dim3A_44 : f32 to vector<16xf32>
    %swap3A_46 = arith.constant 32 : index
    %swap3A_47 = tpu.vector_load %arg14[%swap3A_46] {strides = array<i32>} : memref<640xf32, #tpu.memory_space<vmem>>, vector<16xf32>,
    %swap3A_48 = vector.shape_cast %swap3A_47 : vector<16xf32> to vector<16xf32>
    %swap3A_49 = vector.shape_cast %broadcast_in_dim3A_45 : vector<16xf32> to vector<16xf32>
    tpu.vector_store %arg14[%swap3A_46], %swap3A_49 {strides = array<i32>} : memref<640xf32, #tpu.memory_space<vmem>>, vector<16xf32>,
    %broadcast_in_dim3A_50 = arith.constant 0.000000e+00 : f32
    %broadcast_in_dim3A_51 = vector.broadcast %broadcast_in_dim3A_50 : f32 to vector<16xf32>
    %swap3A_52 = arith.constant 48 : index
    %swap3A_53 = tpu.vector_load %arg14[%swap3A_52] {strides = array<i32>} : memref<640xf32, #tpu.memory_space<vmem>>, vector<16xf32>,
    %swap3A_54 = vector.shape_cast %swap3A_53 : vector<16xf32> to vector<16xf32>
    %swap3A_55 = vector.shape_cast %broadcast_in_dim3A_51 : vector<16xf32> to vector<16xf32>
    tpu.vector_store %arg14[%swap3A_52], %swap3A_55 {strides = array<i32>} : memref<640xf32, #tpu.memory_space<vmem>>, vector<16xf32>,
    %broadcast_in_dim3A_56 = arith.constant 0.000000e+00 : f32
    %broadcast_in_dim3A_57 = vector.broadcast %broadcast_in_dim3A_56 : f32 to vector<16xf32>
    %swap3A_58 = arith.constant 64 : index
    %swap3A_59 = tpu.vector_load %arg14[%swap3A_58] {strides = array<i32>} : memref<640xf32, #tpu.memory_space<vmem>>, vector<16xf32>,
    %swap3A_60 = vector.shape_cast %swap3A_59 : vector<16xf32> to vector<16xf32>
    %swap3A_61 = vector.shape_cast %broadcast_in_dim3A_57 : vector<16xf32> to vector<16xf32>
    tpu.vector_store %arg14[%swap3A_58], %swap3A_61 {strides = array<i32>} : memref<640xf32, #tpu.memory_space<vmem>>, vector<16xf32>,
    %broadcast_in_dim3A_62 = arith.constant 0.000000e+00 : f32
    %broadcast_in_dim3A_63 = vector.broadcast %broadcast_in_dim3A_62 : f32 to vector<16xf32>
    %swap3A_64 = arith.constant 80 : index
    %swap3A_65 = tpu.vector_load %arg14[%swap3A_64] {strides = array<i32>} : memref<640xf32, #tpu.memory_space<vmem>>, vector<16xf32>,
    %swap3A_66 = vector.shape_cast %swap3A_65 : vector<16xf32> to vector<16xf32>
    %swap3A_67 = vector.shape_cast %broadcast_in_dim3A_63 : vector<16xf32> to vector<16xf32>
    tpu.vector_store %arg14[%swap3A_64], %swap3A_67 {strides = array<i32>} : memref<640xf32, #tpu.memory_space<vmem>>, vector<16xf32>,
    %broadcast_in_dim3A_68 = arith.constant 0.000000e+00 : f32
    %broadcast_in_dim3A_69 = vector.broadcast %broadcast_in_dim3A_68 : f32 to vector<16xf32>
    %swap3A_70 = arith.constant 96 : index
    %swap3A_71 = tpu.vector_load %arg14[%swap3A_70] {strides = array<i32>} : memref<640xf32, #tpu.memory_space<vmem>>, vector<16xf32>,
    %swap3A_72 = vector.shape_cast %swap3A_71 : vector<16xf32> to vector<16xf32>
    %swap3A_73 = vector.shape_cast %broadcast_in_dim3A_69 : vector<16xf32> to vector<16xf32>
    tpu.vector_store %arg14[%swap3A_70], %swap3A_73 {strides = array<i32>} : memref<640xf32, #tpu.memory_space<vmem>>, vector<16xf32>,
    %broadcast_in_dim3A_74 = arith.constant 0.000000e+00 : f32
    %broadcast_in_dim3A_75 = vector.broadcast %broadcast_in_dim3A_74 : f32 to vector<16xf32>
    %swap3A_76 = arith.constant 112 : index
    %swap3A_77 = tpu.vector_load %arg14[%swap3A_76] {strides = array<i32>} : memref<640xf32, #tpu.memory_space<vmem>>, vector<16xf32>,
    %swap3A_78 = vector.shape_cast %swap3A_77 : vector<16xf32> to vector<16xf32>
    %swap3A_79 = vector.shape_cast %broadcast_in_dim3A_75 : vector<16xf32> to vector<16xf32>
    tpu.vector_store %arg14[%swap3A_76], %swap3A_79 {strides = array<i32>} : memref<640xf32, #tpu.memory_space<vmem>>, vector<16xf32>,
    %broadcast_in_dim3A_80 = arith.constant 0.000000e+00 : f32
    %broadcast_in_dim3A_81 = vector.broadcast %broadcast_in_dim3A_80 : f32 to vector<16xf32>
    %swap3A_82 = arith.constant 128 : index
    %swap3A_83 = tpu.vector_load %arg14[%swap3A_82] {strides = array<i32>} : memref<640xf32, #tpu.memory_space<vmem>>, vector<16xf32>,
    %swap3A_84 = vector.shape_cast %swap3A_83 : vector<16xf32> to vector<16xf32>
    %swap3A_85 = vector.shape_cast %broadcast_in_dim3A_81 : vector<16xf32> to vector<16xf32>
    tpu.vector_store %arg14[%swap3A_82], %swap3A_85 {strides = array<i32>} : memref<640xf32, #tpu.memory_space<vmem>>, vector<16xf32>,
    %broadcast_in_dim3A_86 = arith.constant 0.000000e+00 : f32
    %broadcast_in_dim3A_87 = vector.broadcast %broadcast_in_dim3A_86 : f32 to vector<16xf32>
    %swap3A_88 = arith.constant 144 : index
    %swap3A_89 = tpu.vector_load %arg14[%swap3A_88] {strides = array<i32>} : memref<640xf32, #tpu.memory_space<vmem>>, vector<16xf32>,
    %swap3A_90 = vector.shape_cast %swap3A_89 : vector<16xf32> to vector<16xf32>
    %swap3A_91 = vector.shape_cast %broadcast_in_dim3A_87 : vector<16xf32> to vector<16xf32>
    tpu.vector_store %arg14[%swap3A_88], %swap3A_91 {strides = array<i32>} : memref<640xf32, #tpu.memory_space<vmem>>, vector<16xf32>,
    %broadcast_in_dim3A_92 = arith.constant 0.000000e+00 : f32
    %broadcast_in_dim3A_93 = vector.broadcast %broadcast_in_dim3A_92 : f32 to vector<16xf32>
    %swap3A_94 = arith.constant 160 : index
    %swap3A_95 = tpu.vector_load %arg14[%swap3A_94] {strides = array<i32>} : memref<640xf32, #tpu.memory_space<vmem>>, vector<16xf32>,
    %swap3A_96 = vector.shape_cast %swap3A_95 : vector<16xf32> to vector<16xf32>
    %swap3A_97 = vector.shape_cast %broadcast_in_dim3A_93 : vector<16xf32> to vector<16xf32>
    tpu.vector_store %arg14[%swap3A_94], %swap3A_97 {strides = array<i32>} : memref<640xf32, #tpu.memory_space<vmem>>, vector<16xf32>,
    %broadcast_in_dim3A_98 = arith.constant 0.000000e+00 : f32
    %broadcast_in_dim3A_99 = vector.broadcast %broadcast_in_dim3A_98 : f32 to vector<16xf32>
    %swap3A_100 = arith.constant 176 : index
    %swap3A_101 = tpu.vector_load %arg14[%swap3A_100] {strides = array<i32>} : memref<640xf32, #tpu.memory_space<vmem>>, vector<16xf32>,
    %swap3A_102 = vector.shape_cast %swap3A_101 : vector<16xf32> to vector<16xf32>
    %swap3A_103 = vector.shape_cast %broadcast_in_dim3A_99 : vector<16xf32> to vector<16xf32>
    tpu.vector_store %arg14[%swap3A_100], %swap3A_103 {strides = array<i32>} : memref<640xf32, #tpu.memory_space<vmem>>, vector<16xf32>,
    %broadcast_in_dim3A_104 = arith.constant 0.000000e+00 : f32
    %broadcast_in_dim3A_105 = vector.broadcast %broadcast_in_dim3A_104 : f32 to vector<16xf32>
    %swap3A_106 = arith.constant 192 : index
    %swap3A_107 = tpu.vector_load %arg14[%swap3A_106] {strides = array<i32>} : memref<640xf32, #tpu.memory_space<vmem>>, vector<16xf32>,
    %swap3A_108 = vector.shape_cast %swap3A_107 : vector<16xf32> to vector<16xf32>
    %swap3A_109 = vector.shape_cast %broadcast_in_dim3A_105 : vector<16xf32> to vector<16xf32>
    tpu.vector_store %arg14[%swap3A_106], %swap3A_109 {strides = array<i32>} : memref<640xf32, #tpu.memory_space<vmem>>, vector<16xf32>,
    %broadcast_in_dim3A_110 = arith.constant 0.000000e+00 : f32
    %broadcast_in_dim3A_111 = vector.broadcast %broadcast_in_dim3A_110 : f32 to vector<16xf32>
    %swap3A_112 = arith.constant 208 : index
    %swap3A_113 = tpu.vector_load %arg14[%swap3A_112] {strides = array<i32>} : memref<640xf32, #tpu.memory_space<vmem>>, vector<16xf32>,
    %swap3A_114 = vector.shape_cast %swap3A_113 : vector<16xf32> to vector<16xf32>
    %swap3A_115 = vector.shape_cast %broadcast_in_dim3A_111 : vector<16xf32> to vector<16xf32>
    tpu.vector_store %arg14[%swap3A_112], %swap3A_115 {strides = array<i32>} : memref<640xf32, #tpu.memory_space<vmem>>, vector<16xf32>,
    %broadcast_in_dim3A_116 = arith.constant 0.000000e+00 : f32
    %broadcast_in_dim3A_117 = vector.broadcast %broadcast_in_dim3A_116 : f32 to vector<16xf32>
    %swap3A_118 = arith.constant 224 : index
    %swap3A_119 = tpu.vector_load %arg14[%swap3A_118] {strides = array<i32>} : memref<640xf32, #tpu.memory_space<vmem>>, vector<16xf32>,
    %swap3A_120 = vector.shape_cast %swap3A_119 : vector<16xf32> to vector<16xf32>
    %swap3A_121 = vector.shape_cast %broadcast_in_dim3A_117 : vector<16xf32> to vector<16xf32>
    tpu.vector_store %arg14[%swap3A_118], %swap3A_121 {strides = array<i32>} : memref<640xf32, #tpu.memory_space<vmem>>, vector<16xf32>,
    %broadcast_in_dim3A_122 = arith.constant 0.000000e+00 : f32
    %broadcast_in_dim3A_123 = vector.broadcast %broadcast_in_dim3A_122 : f32 to vector<16xf32>
    %swap3A_124 = arith.constant 240 : index
    %swap3A_125 = tpu.vector_load %arg14[%swap3A_124] {strides = array<i32>} : memref<640xf32, #tpu.memory_space<vmem>>, vector<16xf32>,
    %swap3A_126 = vector.shape_cast %swap3A_125 : vector<16xf32> to vector<16xf32>
    %swap3A_127 = vector.shape_cast %broadcast_in_dim3A_123 : vector<16xf32> to vector<16xf32>
    tpu.vector_store %arg14[%swap3A_124], %swap3A_127 {strides = array<i32>} : memref<640xf32, #tpu.memory_space<vmem>>, vector<16xf32>,
    %broadcast_in_dim3A_128 = arith.constant 0.000000e+00 : f32
    %broadcast_in_dim3A_129 = vector.broadcast %broadcast_in_dim3A_128 : f32 to vector<16xf32>
    %swap3A_130 = arith.constant 256 : index
    %swap3A_131 = tpu.vector_load %arg14[%swap3A_130] {strides = array<i32>} : memref<640xf32, #tpu.memory_space<vmem>>, vector<16xf32>,
    %swap3A_132 = vector.shape_cast %swap3A_131 : vector<16xf32> to vector<16xf32>
    %swap3A_133 = vector.shape_cast %broadcast_in_dim3A_129 : vector<16xf32> to vector<16xf32>
    tpu.vector_store %arg14[%swap3A_130], %swap3A_133 {strides = array<i32>} : memref<640xf32, #tpu.memory_space<vmem>>, vector<16xf32>,
    %broadcast_in_dim3A_134 = arith.constant 0.000000e+00 : f32
    %broadcast_in_dim3A_135 = vector.broadcast %broadcast_in_dim3A_134 : f32 to vector<16xf32>
    %swap3A_136 = arith.constant 272 : index
    %swap3A_137 = tpu.vector_load %arg14[%swap3A_136] {strides = array<i32>} : memref<640xf32, #tpu.memory_space<vmem>>, vector<16xf32>,
    %swap3A_138 = vector.shape_cast %swap3A_137 : vector<16xf32> to vector<16xf32>
    %swap3A_139 = vector.shape_cast %broadcast_in_dim3A_135 : vector<16xf32> to vector<16xf32>
    tpu.vector_store %arg14[%swap3A_136], %swap3A_139 {strides = array<i32>} : memref<640xf32, #tpu.memory_space<vmem>>, vector<16xf32>,
    %broadcast_in_dim3A_140 = arith.constant 0.000000e+00 : f32
    %broadcast_in_dim3A_141 = vector.broadcast %broadcast_in_dim3A_140 : f32 to vector<16xf32>
    %swap3A_142 = arith.constant 288 : index
    %swap3A_143 = tpu.vector_load %arg14[%swap3A_142] {strides = array<i32>} : memref<640xf32, #tpu.memory_space<vmem>>, vector<16xf32>,
    %swap3A_144 = vector.shape_cast %swap3A_143 : vector<16xf32> to vector<16xf32>
    %swap3A_145 = vector.shape_cast %broadcast_in_dim3A_141 : vector<16xf32> to vector<16xf32>
    tpu.vector_store %arg14[%swap3A_142], %swap3A_145 {strides = array<i32>} : memref<640xf32, #tpu.memory_space<vmem>>, vector<16xf32>,
    %broadcast_in_dim3A_146 = arith.constant 0.000000e+00 : f32
    %broadcast_in_dim3A_147 = vector.broadcast %broadcast_in_dim3A_146 : f32 to vector<16xf32>
    %swap3A_148 = arith.constant 304 : index
    %swap3A_149 = tpu.vector_load %arg14[%swap3A_148] {strides = array<i32>} : memref<640xf32, #tpu.memory_space<vmem>>, vector<16xf32>,
    %swap3A_150 = vector.shape_cast %swap3A_149 : vector<16xf32> to vector<16xf32>
    %swap3A_151 = vector.shape_cast %broadcast_in_dim3A_147 : vector<16xf32> to vector<16xf32>
    tpu.vector_store %arg14[%swap3A_148], %swap3A_151 {strides = array<i32>} : memref<640xf32, #tpu.memory_space<vmem>>, vector<16xf32>,
    %broadcast_in_dim3A_152 = arith.constant 0.000000e+00 : f32
    %broadcast_in_dim3A_153 = vector.broadcast %broadcast_in_dim3A_152 : f32 to vector<16xf32>
    %swap3A_154 = arith.constant 320 : index
    %swap3A_155 = tpu.vector_load %arg14[%swap3A_154] {strides = array<i32>} : memref<640xf32, #tpu.memory_space<vmem>>, vector<16xf32>,
    %swap3A_156 = vector.shape_cast %swap3A_155 : vector<16xf32> to vector<16xf32>
    %swap3A_157 = vector.shape_cast %broadcast_in_dim3A_153 : vector<16xf32> to vector<16xf32>
    tpu.vector_store %arg14[%swap3A_154], %swap3A_157 {strides = array<i32>} : memref<640xf32, #tpu.memory_space<vmem>>, vector<16xf32>,
    %broadcast_in_dim3A_158 = arith.constant 0.000000e+00 : f32
    %broadcast_in_dim3A_159 = vector.broadcast %broadcast_in_dim3A_158 : f32 to vector<16xf32>
    %swap3A_160 = arith.constant 336 : index
    %swap3A_161 = tpu.vector_load %arg14[%swap3A_160] {strides = array<i32>} : memref<640xf32, #tpu.memory_space<vmem>>, vector<16xf32>,
    %swap3A_162 = vector.shape_cast %swap3A_161 : vector<16xf32> to vector<16xf32>
    %swap3A_163 = vector.shape_cast %broadcast_in_dim3A_159 : vector<16xf32> to vector<16xf32>
    tpu.vector_store %arg14[%swap3A_160], %swap3A_163 {strides = array<i32>} : memref<640xf32, #tpu.memory_space<vmem>>, vector<16xf32>,
    %broadcast_in_dim3A_164 = arith.constant 0.000000e+00 : f32
    %broadcast_in_dim3A_165 = vector.broadcast %broadcast_in_dim3A_164 : f32 to vector<16xf32>
    %swap3A_166 = arith.constant 352 : index
    %swap3A_167 = tpu.vector_load %arg14[%swap3A_166] {strides = array<i32>} : memref<640xf32, #tpu.memory_space<vmem>>, vector<16xf32>,
    %swap3A_168 = vector.shape_cast %swap3A_167 : vector<16xf32> to vector<16xf32>
    %swap3A_169 = vector.shape_cast %broadcast_in_dim3A_165 : vector<16xf32> to vector<16xf32>
    tpu.vector_store %arg14[%swap3A_166], %swap3A_169 {strides = array<i32>} : memref<640xf32, #tpu.memory_space<vmem>>, vector<16xf32>,
    %broadcast_in_dim3A_170 = arith.constant 0.000000e+00 : f32
    %broadcast_in_dim3A_171 = vector.broadcast %broadcast_in_dim3A_170 : f32 to vector<16xf32>
    %swap3A_172 = arith.constant 368 : index
    %swap3A_173 = tpu.vector_load %arg14[%swap3A_172] {strides = array<i32>} : memref<640xf32, #tpu.memory_space<vmem>>, vector<16xf32>,
    %swap3A_174 = vector.shape_cast %swap3A_173 : vector<16xf32> to vector<16xf32>
    %swap3A_175 = vector.shape_cast %broadcast_in_dim3A_171 : vector<16xf32> to vector<16xf32>
    tpu.vector_store %arg14[%swap3A_172], %swap3A_175 {strides = array<i32>} : memref<640xf32, #tpu.memory_space<vmem>>, vector<16xf32>,
    %broadcast_in_dim3A_176 = arith.constant 0.000000e+00 : f32
    %broadcast_in_dim3A_177 = vector.broadcast %broadcast_in_dim3A_176 : f32 to vector<16xf32>
    %swap3A_178 = arith.constant 384 : index
    %swap3A_179 = tpu.vector_load %arg14[%swap3A_178] {strides = array<i32>} : memref<640xf32, #tpu.memory_space<vmem>>, vector<16xf32>,
    %swap3A_180 = vector.shape_cast %swap3A_179 : vector<16xf32> to vector<16xf32>
    %swap3A_181 = vector.shape_cast %broadcast_in_dim3A_177 : vector<16xf32> to vector<16xf32>
    tpu.vector_store %arg14[%swap3A_178], %swap3A_181 {strides = array<i32>} : memref<640xf32, #tpu.memory_space<vmem>>, vector<16xf32>,
    %broadcast_in_dim3A_182 = arith.constant 0.000000e+00 : f32
    %broadcast_in_dim3A_183 = vector.broadcast %broadcast_in_dim3A_182 : f32 to vector<16xf32>
    %swap3A_184 = arith.constant 400 : index
    %swap3A_185 = tpu.vector_load %arg14[%swap3A_184] {strides = array<i32>} : memref<640xf32, #tpu.memory_space<vmem>>, vector<16xf32>,
    %swap3A_186 = vector.shape_cast %swap3A_185 : vector<16xf32> to vector<16xf32>
    %swap3A_187 = vector.shape_cast %broadcast_in_dim3A_183 : vector<16xf32> to vector<16xf32>
    tpu.vector_store %arg14[%swap3A_184], %swap3A_187 {strides = array<i32>} : memref<640xf32, #tpu.memory_space<vmem>>, vector<16xf32>,
    %broadcast_in_dim3A_188 = arith.constant 0.000000e+00 : f32
    %broadcast_in_dim3A_189 = vector.broadcast %broadcast_in_dim3A_188 : f32 to vector<16xf32>
    %swap3A_190 = arith.constant 416 : index
    %swap3A_191 = tpu.vector_load %arg14[%swap3A_190] {strides = array<i32>} : memref<640xf32, #tpu.memory_space<vmem>>, vector<16xf32>,
    %swap3A_192 = vector.shape_cast %swap3A_191 : vector<16xf32> to vector<16xf32>
    %swap3A_193 = vector.shape_cast %broadcast_in_dim3A_189 : vector<16xf32> to vector<16xf32>
    tpu.vector_store %arg14[%swap3A_190], %swap3A_193 {strides = array<i32>} : memref<640xf32, #tpu.memory_space<vmem>>, vector<16xf32>,
    %broadcast_in_dim3A_194 = arith.constant 0.000000e+00 : f32
    %broadcast_in_dim3A_195 = vector.broadcast %broadcast_in_dim3A_194 : f32 to vector<16xf32>
    %swap3A_196 = arith.constant 432 : index
    %swap3A_197 = tpu.vector_load %arg14[%swap3A_196] {strides = array<i32>} : memref<640xf32, #tpu.memory_space<vmem>>, vector<16xf32>,
    %swap3A_198 = vector.shape_cast %swap3A_197 : vector<16xf32> to vector<16xf32>
    %swap3A_199 = vector.shape_cast %broadcast_in_dim3A_195 : vector<16xf32> to vector<16xf32>
    tpu.vector_store %arg14[%swap3A_196], %swap3A_199 {strides = array<i32>} : memref<640xf32, #tpu.memory_space<vmem>>, vector<16xf32>,
    %broadcast_in_dim3A_200 = arith.constant 0.000000e+00 : f32
    %broadcast_in_dim3A_201 = vector.broadcast %broadcast_in_dim3A_200 : f32 to vector<16xf32>
    %swap3A_202 = arith.constant 448 : index
    %swap3A_203 = tpu.vector_load %arg14[%swap3A_202] {strides = array<i32>} : memref<640xf32, #tpu.memory_space<vmem>>, vector<16xf32>,
    %swap3A_204 = vector.shape_cast %swap3A_203 : vector<16xf32> to vector<16xf32>
    %swap3A_205 = vector.shape_cast %broadcast_in_dim3A_201 : vector<16xf32> to vector<16xf32>
    tpu.vector_store %arg14[%swap3A_202], %swap3A_205 {strides = array<i32>} : memref<640xf32, #tpu.memory_space<vmem>>, vector<16xf32>,
    %broadcast_in_dim3A_206 = arith.constant 0.000000e+00 : f32
    %broadcast_in_dim3A_207 = vector.broadcast %broadcast_in_dim3A_206 : f32 to vector<16xf32>
    %swap3A_208 = arith.constant 464 : index
    %swap3A_209 = tpu.vector_load %arg14[%swap3A_208] {strides = array<i32>} : memref<640xf32, #tpu.memory_space<vmem>>, vector<16xf32>,
    %swap3A_210 = vector.shape_cast %swap3A_209 : vector<16xf32> to vector<16xf32>
    %swap3A_211 = vector.shape_cast %broadcast_in_dim3A_207 : vector<16xf32> to vector<16xf32>
    tpu.vector_store %arg14[%swap3A_208], %swap3A_211 {strides = array<i32>} : memref<640xf32, #tpu.memory_space<vmem>>, vector<16xf32>,
    %broadcast_in_dim3A_212 = arith.constant 0.000000e+00 : f32
    %broadcast_in_dim3A_213 = vector.broadcast %broadcast_in_dim3A_212 : f32 to vector<16xf32>
    %swap3A_214 = arith.constant 480 : index
    %swap3A_215 = tpu.vector_load %arg14[%swap3A_214] {strides = array<i32>} : memref<640xf32, #tpu.memory_space<vmem>>, vector<16xf32>,
    %swap3A_216 = vector.shape_cast %swap3A_215 : vector<16xf32> to vector<16xf32>
    %swap3A_217 = vector.shape_cast %broadcast_in_dim3A_213 : vector<16xf32> to vector<16xf32>
    tpu.vector_store %arg14[%swap3A_214], %swap3A_217 {strides = array<i32>} : memref<640xf32, #tpu.memory_space<vmem>>, vector<16xf32>,
    %broadcast_in_dim3A_218 = arith.constant 0.000000e+00 : f32
    %broadcast_in_dim3A_219 = vector.broadcast %broadcast_in_dim3A_218 : f32 to vector<16xf32>
    %swap3A_220 = arith.constant 496 : index
    %swap3A_221 = tpu.vector_load %arg14[%swap3A_220] {strides = array<i32>} : memref<640xf32, #tpu.memory_space<vmem>>, vector<16xf32>,
    %swap3A_222 = vector.shape_cast %swap3A_221 : vector<16xf32> to vector<16xf32>
    %swap3A_223 = vector.shape_cast %broadcast_in_dim3A_219 : vector<16xf32> to vector<16xf32>
    tpu.vector_store %arg14[%swap3A_220], %swap3A_223 {strides = array<i32>} : memref<640xf32, #tpu.memory_space<vmem>>, vector<16xf32>,
    %broadcast_in_dim3A_224 = arith.constant 0.000000e+00 : f32
    %broadcast_in_dim3A_225 = vector.broadcast %broadcast_in_dim3A_224 : f32 to vector<16xf32>
    %swap3A_226 = arith.constant 512 : index
    %swap3A_227 = tpu.vector_load %arg14[%swap3A_226] {strides = array<i32>} : memref<640xf32, #tpu.memory_space<vmem>>, vector<16xf32>,
    %swap3A_228 = vector.shape_cast %swap3A_227 : vector<16xf32> to vector<16xf32>
    %swap3A_229 = vector.shape_cast %broadcast_in_dim3A_225 : vector<16xf32> to vector<16xf32>
    tpu.vector_store %arg14[%swap3A_226], %swap3A_229 {strides = array<i32>} : memref<640xf32, #tpu.memory_space<vmem>>, vector<16xf32>,
    %broadcast_in_dim3A_230 = arith.constant 0.000000e+00 : f32
    %broadcast_in_dim3A_231 = vector.broadcast %broadcast_in_dim3A_230 : f32 to vector<16xf32>
    %swap3A_232 = arith.constant 528 : index
    %swap3A_233 = tpu.vector_load %arg14[%swap3A_232] {strides = array<i32>} : memref<640xf32, #tpu.memory_space<vmem>>, vector<16xf32>,
    %swap3A_234 = vector.shape_cast %swap3A_233 : vector<16xf32> to vector<16xf32>
    %swap3A_235 = vector.shape_cast %broadcast_in_dim3A_231 : vector<16xf32> to vector<16xf32>
    tpu.vector_store %arg14[%swap3A_232], %swap3A_235 {strides = array<i32>} : memref<640xf32, #tpu.memory_space<vmem>>, vector<16xf32>,
    %broadcast_in_dim3A_236 = arith.constant 0.000000e+00 : f32
    %broadcast_in_dim3A_237 = vector.broadcast %broadcast_in_dim3A_236 : f32 to vector<16xf32>
    %swap3A_238 = arith.constant 544 : index
    %swap3A_239 = tpu.vector_load %arg14[%swap3A_238] {strides = array<i32>} : memref<640xf32, #tpu.memory_space<vmem>>, vector<16xf32>,
    %swap3A_240 = vector.shape_cast %swap3A_239 : vector<16xf32> to vector<16xf32>
    %swap3A_241 = vector.shape_cast %broadcast_in_dim3A_237 : vector<16xf32> to vector<16xf32>
    tpu.vector_store %arg14[%swap3A_238], %swap3A_241 {strides = array<i32>} : memref<640xf32, #tpu.memory_space<vmem>>, vector<16xf32>,
    %broadcast_in_dim3A_242 = arith.constant 0.000000e+00 : f32
    %broadcast_in_dim3A_243 = vector.broadcast %broadcast_in_dim3A_242 : f32 to vector<16xf32>
    %swap3A_244 = arith.constant 560 : index
    %swap3A_245 = tpu.vector_load %arg14[%swap3A_244] {strides = array<i32>} : memref<640xf32, #tpu.memory_space<vmem>>, vector<16xf32>,
    %swap3A_246 = vector.shape_cast %swap3A_245 : vector<16xf32> to vector<16xf32>
    %swap3A_247 = vector.shape_cast %broadcast_in_dim3A_243 : vector<16xf32> to vector<16xf32>
    tpu.vector_store %arg14[%swap3A_244], %swap3A_247 {strides = array<i32>} : memref<640xf32, #tpu.memory_space<vmem>>, vector<16xf32>,
    %broadcast_in_dim3A_248 = arith.constant 0.000000e+00 : f32
    %broadcast_in_dim3A_249 = vector.broadcast %broadcast_in_dim3A_248 : f32 to vector<16xf32>
    %swap3A_250 = arith.constant 576 : index
    %swap3A_251 = tpu.vector_load %arg14[%swap3A_250] {strides = array<i32>} : memref<640xf32, #tpu.memory_space<vmem>>, vector<16xf32>,
    %swap3A_252 = vector.shape_cast %swap3A_251 : vector<16xf32> to vector<16xf32>
    %swap3A_253 = vector.shape_cast %broadcast_in_dim3A_249 : vector<16xf32> to vector<16xf32>
    tpu.vector_store %arg14[%swap3A_250], %swap3A_253 {strides = array<i32>} : memref<640xf32, #tpu.memory_space<vmem>>, vector<16xf32>,
    %broadcast_in_dim3A_254 = arith.constant 0.000000e+00 : f32
    %broadcast_in_dim3A_255 = vector.broadcast %broadcast_in_dim3A_254 : f32 to vector<16xf32>
    %swap3A_256 = arith.constant 592 : index
    %swap3A_257 = tpu.vector_load %arg14[%swap3A_256] {strides = array<i32>} : memref<640xf32, #tpu.memory_space<vmem>>, vector<16xf32>,
    %swap3A_258 = vector.shape_cast %swap3A_257 : vector<16xf32> to vector<16xf32>
    %swap3A_259 = vector.shape_cast %broadcast_in_dim3A_255 : vector<16xf32> to vector<16xf32>
    tpu.vector_store %arg14[%swap3A_256], %swap3A_259 {strides = array<i32>} : memref<640xf32, #tpu.memory_space<vmem>>, vector<16xf32>,
    %broadcast_in_dim3A_260 = arith.constant 0.000000e+00 : f32
    %broadcast_in_dim3A_261 = vector.broadcast %broadcast_in_dim3A_260 : f32 to vector<16xf32>
    %swap3A_262 = arith.constant 608 : index
    %swap3A_263 = tpu.vector_load %arg14[%swap3A_262] {strides = array<i32>} : memref<640xf32, #tpu.memory_space<vmem>>, vector<16xf32>,
    %swap3A_264 = vector.shape_cast %swap3A_263 : vector<16xf32> to vector<16xf32>
    %swap3A_265 = vector.shape_cast %broadcast_in_dim3A_261 : vector<16xf32> to vector<16xf32>
    tpu.vector_store %arg14[%swap3A_262], %swap3A_265 {strides = array<i32>} : memref<640xf32, #tpu.memory_space<vmem>>, vector<16xf32>,
    %broadcast_in_dim3A_266 = arith.constant 0.000000e+00 : f32
    %broadcast_in_dim3A_267 = vector.broadcast %broadcast_in_dim3A_266 : f32 to vector<16xf32>
    %swap3A_268 = arith.constant 624 : index
    %swap3A_269 = tpu.vector_load %arg14[%swap3A_268] {strides = array<i32>} : memref<640xf32, #tpu.memory_space<vmem>>, vector<16xf32>,
    %swap3A_270 = vector.shape_cast %swap3A_269 : vector<16xf32> to vector<16xf32>
    %swap3A_271 = vector.shape_cast %broadcast_in_dim3A_267 : vector<16xf32> to vector<16xf32>
    tpu.vector_store %arg14[%swap3A_268], %swap3A_271 {strides = array<i32>} : memref<640xf32, #tpu.memory_space<vmem>>, vector<16xf32>,
    "tpu.region"() ({
      %run_scoped3A_377 = tpu.sem_alloc : memref<!tpu.dma_semaphore, #tpu.memory_space<semaphore_mem>>
      %dma_start3A_378 = tpu.memref_slice %arg16[%mul3A_2] : memref<10240xf32, #tpu.memory_space<vmem_shared>> -> memref<640xf32, #tpu.memory_space<vmem_shared>>
      %dma_start3A_379 = tpu.memref_slice %arg16[%mul3A_2] : memref<10240xf32, #tpu.memory_space<vmem_shared>> -> memref<640xf32, #tpu.memory_space<vmem_shared>>
      tpu.enqueue_dma source(%arg14 : memref<640xf32, #tpu.memory_space<vmem>>) target(%dma_start3A_379 : memref<640xf32, #tpu.memory_space<vmem_shared>>) target_semaphore(%run_scoped3A_377 : memref<!tpu.dma_semaphore, #tpu.memory_space<semaphore_mem>>)
      %dma_wait3A_380 = tpu.memref_slice %arg16[%mul3A_2] : memref<10240xf32, #tpu.memory_space<vmem_shared>> -> memref<640xf32, #tpu.memory_space<vmem_shared>>
      %dma_wait3A_381 = tpu.memref_slice %arg16[%mul3A_2] : memref<10240xf32, #tpu.memory_space<vmem_shared>> -> memref<640xf32, #tpu.memory_space<vmem_shared>>
      tpu.wait_dma2 semaphore(%run_scoped3A_377 : memref<!tpu.dma_semaphore, #tpu.memory_space<semaphore_mem>>) src(%arg14 : memref<640xf32, #tpu.memory_space<vmem>>) dst(%dma_wait3A_381 : memref<640xf32, #tpu.memory_space<vmem_shared>>)
      tpu.yield
    }) : () -> ()
    %broadcast_in_dim3A_272 = arith.constant 1.000000e+00 : f32
    %broadcast_in_dim3A_273 = vector.broadcast %broadcast_in_dim3A_272 : f32 to vector<16xf32>
    %swap3A_274 = arith.constant 0 : index
    %swap3A_275 = tpu.vector_load %arg13[%swap3A_274] {strides = array<i32>} : memref<128xf32, #tpu.memory_space<vmem>>, vector<16xf32>,
    %swap3A_276 = vector.shape_cast %swap3A_275 : vector<16xf32> to vector<16xf32>
    %swap3A_277 = vector.shape_cast %broadcast_in_dim3A_273 : vector<16xf32> to vector<16xf32>
    tpu.vector_store %arg13[%swap3A_274], %swap3A_277 {strides = array<i32>} : memref<128xf32, #tpu.memory_space<vmem>>, vector<16xf32>,
    %broadcast_in_dim3A_278 = arith.constant 1.000000e+00 : f32
    %broadcast_in_dim3A_279 = vector.broadcast %broadcast_in_dim3A_278 : f32 to vector<16xf32>
    %swap3A_280 = arith.constant 16 : index
    %swap3A_281 = tpu.vector_load %arg13[%swap3A_280] {strides = array<i32>} : memref<128xf32, #tpu.memory_space<vmem>>, vector<16xf32>,
    %swap3A_282 = vector.shape_cast %swap3A_281 : vector<16xf32> to vector<16xf32>
    %swap3A_283 = vector.shape_cast %broadcast_in_dim3A_279 : vector<16xf32> to vector<16xf32>
    tpu.vector_store %arg13[%swap3A_280], %swap3A_283 {strides = array<i32>} : memref<128xf32, #tpu.memory_space<vmem>>, vector<16xf32>,
    %broadcast_in_dim3A_284 = arith.constant 1.000000e+00 : f32
    %broadcast_in_dim3A_285 = vector.broadcast %broadcast_in_dim3A_284 : f32 to vector<16xf32>
    %swap3A_286 = arith.constant 32 : index
    %swap3A_287 = tpu.vector_load %arg13[%swap3A_286] {strides = array<i32>} : memref<128xf32, #tpu.memory_space<vmem>>, vector<16xf32>,
    %swap3A_288 = vector.shape_cast %swap3A_287 : vector<16xf32> to vector<16xf32>
    %swap3A_289 = vector.shape_cast %broadcast_in_dim3A_285 : vector<16xf32> to vector<16xf32>
    tpu.vector_store %arg13[%swap3A_286], %swap3A_289 {strides = array<i32>} : memref<128xf32, #tpu.memory_space<vmem>>, vector<16xf32>,
    %broadcast_in_dim3A_290 = arith.constant 1.000000e+00 : f32
    %broadcast_in_dim3A_291 = vector.broadcast %broadcast_in_dim3A_290 : f32 to vector<16xf32>
    %swap3A_292 = arith.constant 48 : index
    %swap3A_293 = tpu.vector_load %arg13[%swap3A_292] {strides = array<i32>} : memref<128xf32, #tpu.memory_space<vmem>>, vector<16xf32>,
    %swap3A_294 = vector.shape_cast %swap3A_293 : vector<16xf32> to vector<16xf32>
    %swap3A_295 = vector.shape_cast %broadcast_in_dim3A_291 : vector<16xf32> to vector<16xf32>
    tpu.vector_store %arg13[%swap3A_292], %swap3A_295 {strides = array<i32>} : memref<128xf32, #tpu.memory_space<vmem>>, vector<16xf32>,
    %broadcast_in_dim3A_296 = arith.constant 1.000000e+00 : f32
    %broadcast_in_dim3A_297 = vector.broadcast %broadcast_in_dim3A_296 : f32 to vector<16xf32>
    %swap3A_298 = arith.constant 64 : index
    %swap3A_299 = tpu.vector_load %arg13[%swap3A_298] {strides = array<i32>} : memref<128xf32, #tpu.memory_space<vmem>>, vector<16xf32>,
    %swap3A_300 = vector.shape_cast %swap3A_299 : vector<16xf32> to vector<16xf32>
    %swap3A_301 = vector.shape_cast %broadcast_in_dim3A_297 : vector<16xf32> to vector<16xf32>
    tpu.vector_store %arg13[%swap3A_298], %swap3A_301 {strides = array<i32>} : memref<128xf32, #tpu.memory_space<vmem>>, vector<16xf32>,
    %broadcast_in_dim3A_302 = arith.constant 1.000000e+00 : f32
    %broadcast_in_dim3A_303 = vector.broadcast %broadcast_in_dim3A_302 : f32 to vector<16xf32>
    %swap3A_304 = arith.constant 80 : index
    %swap3A_305 = tpu.vector_load %arg13[%swap3A_304] {strides = array<i32>} : memref<128xf32, #tpu.memory_space<vmem>>, vector<16xf32>,
    %swap3A_306 = vector.shape_cast %swap3A_305 : vector<16xf32> to vector<16xf32>
    %swap3A_307 = vector.shape_cast %broadcast_in_dim3A_303 : vector<16xf32> to vector<16xf32>
    tpu.vector_store %arg13[%swap3A_304], %swap3A_307 {strides = array<i32>} : memref<128xf32, #tpu.memory_space<vmem>>, vector<16xf32>,
    %broadcast_in_dim3A_308 = arith.constant 1.000000e+00 : f32
    %broadcast_in_dim3A_309 = vector.broadcast %broadcast_in_dim3A_308 : f32 to vector<16xf32>
    %swap3A_310 = arith.constant 96 : index
    %swap3A_311 = tpu.vector_load %arg13[%swap3A_310] {strides = array<i32>} : memref<128xf32, #tpu.memory_space<vmem>>, vector<16xf32>,
    %swap3A_312 = vector.shape_cast %swap3A_311 : vector<16xf32> to vector<16xf32>
    %swap3A_313 = vector.shape_cast %broadcast_in_dim3A_309 : vector<16xf32> to vector<16xf32>
    tpu.vector_store %arg13[%swap3A_310], %swap3A_313 {strides = array<i32>} : memref<128xf32, #tpu.memory_space<vmem>>, vector<16xf32>,
    %broadcast_in_dim3A_314 = arith.constant 1.000000e+00 : f32
    %broadcast_in_dim3A_315 = vector.broadcast %broadcast_in_dim3A_314 : f32 to vector<16xf32>
    %swap3A_316 = arith.constant 112 : index
    %swap3A_317 = tpu.vector_load %arg13[%swap3A_316] {strides = array<i32>} : memref<128xf32, #tpu.memory_space<vmem>>, vector<16xf32>,
    %swap3A_318 = vector.shape_cast %swap3A_317 : vector<16xf32> to vector<16xf32>
    %swap3A_319 = vector.shape_cast %broadcast_in_dim3A_315 : vector<16xf32> to vector<16xf32>
    tpu.vector_store %arg13[%swap3A_316], %swap3A_319 {strides = array<i32>} : memref<128xf32, #tpu.memory_space<vmem>>, vector<16xf32>,
    %barrier3A = arith.constant 0 : index
    tpu.barrier barrier_id(%barrier3A)
    %add3A_320 = arith.constant 0 : i32
    %add3A_321 = arith.addi %add3A_320, %add3A : i32
    %mul3A_322 = arith.constant 128 : i32
    %mul3A_323 = arith.muli %add3A_321, %mul3A_322 : i32
    %dma_wait3A = arith.constant 0 : i32
    %dma_wait3A_324 = tpu.memref_slice %arg3[%dma_wait3A, %mul3A_323] : memref<2x320000xi32, #tpu.memory_space<hbm>> -> memref<2x128xi32, #tpu.memory_space<hbm>>
    %dma_wait3A_325 = arith.constant 0 : i32
    %dma_wait3A_326 = tpu.memref_slice %arg3[%dma_wait3A_325, %mul3A_323] : memref<2x320000xi32, #tpu.memory_space<hbm>> -> memref<2x128xi32, #tpu.memory_space<hbm>>
    tpu.wait_dma2 semaphore(%arg19 : memref<!tpu.dma_semaphore, #tpu.memory_space<semaphore_mem>>) src(%dma_wait3A_326 : memref<2x128xi32, #tpu.memory_space<hbm>>) dst(%arg7 : memref<2x128xi32, #tpu.memory_space<vmem>>)
    %dma_start3A_327 = arith.constant 0 : i32
    %dma_start3A_328 = arith.constant 0 : i32
    %dma_start3A_329 = tpu.memref_slice %arg7[%dma_start3A_327, %dma_start3A_328] : memref<2x128xi32, #tpu.memory_space<vmem>> -> memref<1x128xi32, #tpu.memory_space<vmem>>
    %dma_start3A_330 = tpu.memref_squeeze %dma_start3A_329 : memref<1x128xi32, #tpu.memory_space<vmem>> -> memref<128xi32, #tpu.memory_space<vmem>>
    %dma_start3A_331 = arith.constant 0 : i32
    %dma_start3A_332 = arith.constant 0 : i32
    %dma_start3A_333 = tpu.memref_slice %arg2[%dma_start3A_331, %dma_start3A_332] : memref<10000x128xf32, #tpu.memory_space<hbm>> -> memref<10000x128xf32, #tpu.memory_space<hbm>>
    tpu.enqueue_indirect_dma source(%dma_start3A_333 : memref<10000x128xf32, #tpu.memory_space<hbm>>) target(%arg11 : memref<128x128xf32, #tpu.memory_space<vmem>>) offsets(%dma_start3A_330 : memref<128xi32, #tpu.memory_space<vmem>>) semaphore(%arg17 : memref<!tpu.dma_semaphore, #tpu.memory_space<semaphore_mem>>)
    %add3A_334 = arith.constant 32 : i32
    %add3A_335 = arith.addi %add3A_334, %add3A : i32
    %mul3A_336 = arith.constant 128 : i32
    %mul3A_337 = arith.muli %add3A_335, %mul3A_336 : i32
    %dma_wait3A_338 = arith.constant 0 : i32
    %dma_wait3A_339 = tpu.memref_slice %arg3[%dma_wait3A_338, %mul3A_337] : memref<2x320000xi32, #tpu.memory_space<hbm>> -> memref<2x128xi32, #tpu.memory_space<hbm>>
    %dma_wait3A_340 = arith.constant 0 : i32
    %dma_wait3A_341 = tpu.memref_slice %arg3[%dma_wait3A_340, %mul3A_337] : memref<2x320000xi32, #tpu.memory_space<hbm>> -> memref<2x128xi32, #tpu.memory_space<hbm>>
    tpu.wait_dma2 semaphore(%arg20 : memref<!tpu.dma_semaphore, #tpu.memory_space<semaphore_mem>>) src(%dma_wait3A_341 : memref<2x128xi32, #tpu.memory_space<hbm>>) dst(%arg8 : memref<2x128xi32, #tpu.memory_space<vmem>>)
    %dma_start3A_342 = arith.constant 0 : i32
    %dma_start3A_343 = arith.constant 0 : i32
    %dma_start3A_344 = tpu.memref_slice %arg8[%dma_start3A_342, %dma_start3A_343] : memref<2x128xi32, #tpu.memory_space<vmem>> -> memref<1x128xi32, #tpu.memory_space<vmem>>
    %dma_start3A_345 = tpu.memref_squeeze %dma_start3A_344 : memref<1x128xi32, #tpu.memory_space<vmem>> -> memref<128xi32, #tpu.memory_space<vmem>>
    %dma_start3A_346 = arith.constant 0 : i32
    %dma_start3A_347 = arith.constant 0 : i32
    %dma_start3A_348 = tpu.memref_slice %arg2[%dma_start3A_346, %dma_start3A_347] : memref<10000x128xf32, #tpu.memory_space<hbm>> -> memref<10000x128xf32, #tpu.memory_space<hbm>>
    tpu.enqueue_indirect_dma source(%dma_start3A_348 : memref<10000x128xf32, #tpu.memory_space<hbm>>) target(%arg12 : memref<128x128xf32, #tpu.memory_space<vmem>>) offsets(%dma_start3A_345 : memref<128xi32, #tpu.memory_space<vmem>>) semaphore(%arg18 : memref<!tpu.dma_semaphore, #tpu.memory_space<semaphore_mem>>)
    %scan3A = arith.constant 0 : i32
    %scan3A_349 = arith.constant 0 : i32
    %scan3A_350 = arith.constant 19 : i32
    %scan3A_351 = arith.addi %scan3A_349, %scan3A_350 : i32
    %scan3A_352 = arith.constant 1 : i32
    scf.for %scan3A_377 = %scan3A_349 to %scan3A_351 step %scan3A_352  : i32 {
      %mul3A_378 = arith.constant 4 : i32
      %mul3A_379 = arith.muli %scan3A_377, %mul3A_378 : i32
      %add3A_380 = arith.constant 0 : i32
      %add3A_381 = arith.addi %mul3A_379, %add3A_380 : i32
      %dma_wait3A_382 = arith.constant 0 : i32
      %dma_wait3A_383 = arith.constant 0 : i32
      %dma_wait3A_384 = tpu.memref_slice %arg7[%dma_wait3A_382, %dma_wait3A_383] : memref<2x128xi32, #tpu.memory_space<vmem>> -> memref<1x128xi32, #tpu.memory_space<vmem>>
      %dma_wait3A_385 = tpu.memref_squeeze %dma_wait3A_384 : memref<1x128xi32, #tpu.memory_space<vmem>> -> memref<128xi32, #tpu.memory_space<vmem>>
      %dma_wait3A_386 = arith.constant 0 : i32
      %dma_wait3A_387 = arith.constant 0 : i32
      %dma_wait3A_388 = tpu.memref_slice %arg2[%dma_wait3A_386, %dma_wait3A_387] : memref<10000x128xf32, #tpu.memory_space<hbm>> -> memref<10000x128xf32, #tpu.memory_space<hbm>>
      tpu.wait_indirect_dma semaphore(%arg17 : memref<!tpu.dma_semaphore, #tpu.memory_space<semaphore_mem>>) src(%dma_wait3A_388 : memref<10000x128xf32, #tpu.memory_space<hbm>>) dst(%arg11 : memref<128x128xf32, #tpu.memory_space<vmem>>)
      %run_scoped3A_389 = arith.constant 1 : i32
      "tpu.region"() ({
        %run_scoped3A_486 = tpu.sem_alloc : memref<!tpu.dma_semaphore, #tpu.memory_space<semaphore_mem>>
        %dma_start3A_487 = arith.constant 0 : i32
        %dma_start3A_488 = tpu.memref_slice %arg7[%run_scoped3A_389, %dma_start3A_487] : memref<2x128xi32, #tpu.memory_space<vmem>> -> memref<1x128xi32, #tpu.memory_space<vmem>>
        %dma_start3A_489 = tpu.memref_squeeze %dma_start3A_488 : memref<1x128xi32, #tpu.memory_space<vmem>> -> memref<128xi32, #tpu.memory_space<vmem>>
        %dma_start3A_490 = arith.constant 0 : i32
        %dma_start3A_491 = arith.constant 0 : i32
        %dma_start3A_492 = tpu.memref_slice %arg15[%dma_start3A_490, %dma_start3A_491] : memref<10240x128xf32, #tpu.memory_space<vmem_shared>> -> memref<10240x128xf32, #tpu.memory_space<vmem_shared>>
        tpu.enqueue_indirect_dma source(%arg11 : memref<128x128xf32, #tpu.memory_space<vmem>>) target(%dma_start3A_492 : memref<10240x128xf32, #tpu.memory_space<vmem_shared>>) offsets(%dma_start3A_489 : memref<128xi32, #tpu.memory_space<vmem>>) semaphore(%run_scoped3A_486 : memref<!tpu.dma_semaphore, #tpu.memory_space<semaphore_mem>>) {add = true}
        %dma_wait3A_493 = arith.constant 0 : i32
        %dma_wait3A_494 = tpu.memref_slice %arg7[%run_scoped3A_389, %dma_wait3A_493] : memref<2x128xi32, #tpu.memory_space<vmem>> -> memref<1x128xi32, #tpu.memory_space<vmem>>
        %dma_wait3A_495 = tpu.memref_squeeze %dma_wait3A_494 : memref<1x128xi32, #tpu.memory_space<vmem>> -> memref<128xi32, #tpu.memory_space<vmem>>
        %dma_wait3A_496 = arith.constant 0 : i32
        %dma_wait3A_497 = arith.constant 0 : i32
        %dma_wait3A_498 = tpu.memref_slice %arg15[%dma_wait3A_496, %dma_wait3A_497] : memref<10240x128xf32, #tpu.memory_space<vmem_shared>> -> memref<10240x128xf32, #tpu.memory_space<vmem_shared>>
        tpu.wait_indirect_dma semaphore(%run_scoped3A_486 : memref<!tpu.dma_semaphore, #tpu.memory_space<semaphore_mem>>) src(%arg11 : memref<128x128xf32, #tpu.memory_space<vmem>>) dst(%dma_wait3A_498 : memref<10240x128xf32, #tpu.memory_space<vmem_shared>>)
        tpu.yield
      }) : () -> ()
      %run_scoped3A_390 = arith.constant 1 : i32
      "tpu.region"() ({
        %run_scoped3A_486 = tpu.sem_alloc : memref<!tpu.dma_semaphore, #tpu.memory_space<semaphore_mem>>
        %dma_start3A_487 = arith.constant 0 : i32
        %dma_start3A_488 = tpu.memref_slice %arg7[%run_scoped3A_390, %dma_start3A_487] : memref<2x128xi32, #tpu.memory_space<vmem>> -> memref<1x128xi32, #tpu.memory_space<vmem>>
        %dma_start3A_489 = tpu.memref_squeeze %dma_start3A_488 : memref<1x128xi32, #tpu.memory_space<vmem>> -> memref<128xi32, #tpu.memory_space<vmem>>
        %dma_start3A_490 = arith.constant 0 : i32
        %dma_start3A_491 = tpu.memref_slice %arg16[%dma_start3A_490] : memref<10240xf32, #tpu.memory_space<vmem_shared>> -> memref<10240xf32, #tpu.memory_space<vmem_shared>>
        tpu.enqueue_indirect_dma source(%arg13 : memref<128xf32, #tpu.memory_space<vmem>>) target(%dma_start3A_491 : memref<10240xf32, #tpu.memory_space<vmem_shared>>) offsets(%dma_start3A_489 : memref<128xi32, #tpu.memory_space<vmem>>) semaphore(%run_scoped3A_486 : memref<!tpu.dma_semaphore, #tpu.memory_space<semaphore_mem>>) {add = true}
        %dma_wait3A_492 = arith.constant 0 : i32
        %dma_wait3A_493 = tpu.memref_slice %arg7[%run_scoped3A_390, %dma_wait3A_492] : memref<2x128xi32, #tpu.memory_space<vmem>> -> memref<1x128xi32, #tpu.memory_space<vmem>>
        %dma_wait3A_494 = tpu.memref_squeeze %dma_wait3A_493 : memref<1x128xi32, #tpu.memory_space<vmem>> -> memref<128xi32, #tpu.memory_space<vmem>>
        %dma_wait3A_495 = arith.constant 0 : i32
        %dma_wait3A_496 = tpu.memref_slice %arg16[%dma_wait3A_495] : memref<10240xf32, #tpu.memory_space<vmem_shared>> -> memref<10240xf32, #tpu.memory_space<vmem_shared>>
        tpu.wait_indirect_dma semaphore(%run_scoped3A_486 : memref<!tpu.dma_semaphore, #tpu.memory_space<semaphore_mem>>) src(%arg13 : memref<128xf32, #tpu.memory_space<vmem>>) dst(%dma_wait3A_496 : memref<10240xf32, #tpu.memory_space<vmem_shared>>)
        tpu.yield
      }) : () -> ()
      %add3A_391 = arith.constant 4 : i32
      %add3A_392 = arith.addi %add3A_381, %add3A_391 : i32
      %lt3A_393 = arith.constant 78 : i32
      %lt3A_394 = arith.cmpi slt, %add3A_392, %lt3A_393 : i32
      %convert_element_type3A_395 = arith.extui %lt3A_394 : i1 to i32
      %cond3A_396 = arith.constant 0 : i32
      %cond3A_397 = arith.cmpi ne, %convert_element_type3A_395, %cond3A_396 : i32
      scf.if %cond3A_397 {
        %add3A_486 = arith.constant 4 : i32
        %add3A_487 = arith.addi %add3A_381, %add3A_486 : i32
        %mul3A_488 = arith.constant 32 : i32
        %mul3A_489 = arith.muli %add3A_487, %mul3A_488 : i32
        %add3A_490 = arith.addi %mul3A_489, %add3A : i32
        %mul3A_491 = arith.constant 128 : i32
        %mul3A_492 = arith.muli %add3A_490, %mul3A_491 : i32
        %dma_start3A_493 = arith.constant 0 : i32
        %dma_start3A_494 = tpu.memref_slice %arg3[%dma_start3A_493, %mul3A_492] : memref<2x320000xi32, #tpu.memory_space<hbm>> -> memref<2x128xi32, #tpu.memory_space<hbm>>
        %dma_start3A_495 = arith.constant 0 : i32
        %dma_start3A_496 = tpu.memref_slice %arg3[%dma_start3A_495, %mul3A_492] : memref<2x320000xi32, #tpu.memory_space<hbm>> -> memref<2x128xi32, #tpu.memory_space<hbm>>
        tpu.enqueue_dma source(%dma_start3A_496 : memref<2x128xi32, #tpu.memory_space<hbm>>) target(%arg7 : memref<2x128xi32, #tpu.memory_space<vmem>>) target_semaphore(%arg19 : memref<!tpu.dma_semaphore, #tpu.memory_space<semaphore_mem>>)
      } else {
      }
      %add3A_398 = arith.constant 2 : i32
      %add3A_399 = arith.addi %add3A_381, %add3A_398 : i32
      %lt3A_400 = arith.constant 78 : i32
      %lt3A_401 = arith.cmpi slt, %add3A_399, %lt3A_400 : i32
      %convert_element_type3A_402 = arith.extui %lt3A_401 : i1 to i32
      %cond3A_403 = arith.constant 0 : i32
      %cond3A_404 = arith.cmpi ne, %convert_element_type3A_402, %cond3A_403 : i32
      scf.if %cond3A_404 {
        %add3A_486 = arith.constant 2 : i32
        %add3A_487 = arith.addi %add3A_381, %add3A_486 : i32
        %mul3A_488 = arith.constant 32 : i32
        %mul3A_489 = arith.muli %add3A_487, %mul3A_488 : i32
        %add3A_490 = arith.addi %mul3A_489, %add3A : i32
        %mul3A_491 = arith.constant 128 : i32
        %mul3A_492 = arith.muli %add3A_490, %mul3A_491 : i32
        %dma_wait3A_493 = arith.constant 0 : i32
        %dma_wait3A_494 = tpu.memref_slice %arg3[%dma_wait3A_493, %mul3A_492] : memref<2x320000xi32, #tpu.memory_space<hbm>> -> memref<2x128xi32, #tpu.memory_space<hbm>>
        %dma_wait3A_495 = arith.constant 0 : i32
        %dma_wait3A_496 = tpu.memref_slice %arg3[%dma_wait3A_495, %mul3A_492] : memref<2x320000xi32, #tpu.memory_space<hbm>> -> memref<2x128xi32, #tpu.memory_space<hbm>>
        tpu.wait_dma2 semaphore(%arg21 : memref<!tpu.dma_semaphore, #tpu.memory_space<semaphore_mem>>) src(%dma_wait3A_496 : memref<2x128xi32, #tpu.memory_space<hbm>>) dst(%arg9 : memref<2x128xi32, #tpu.memory_space<vmem>>)
        %dma_start3A_497 = arith.constant 0 : i32
        %dma_start3A_498 = arith.constant 0 : i32
        %dma_start3A_499 = tpu.memref_slice %arg9[%dma_start3A_497, %dma_start3A_498] : memref<2x128xi32, #tpu.memory_space<vmem>> -> memref<1x128xi32, #tpu.memory_space<vmem>>
        %dma_start3A_500 = tpu.memref_squeeze %dma_start3A_499 : memref<1x128xi32, #tpu.memory_space<vmem>> -> memref<128xi32, #tpu.memory_space<vmem>>
        %dma_start3A_501 = arith.constant 0 : i32
        %dma_start3A_502 = arith.constant 0 : i32
        %dma_start3A_503 = tpu.memref_slice %arg2[%dma_start3A_501, %dma_start3A_502] : memref<10000x128xf32, #tpu.memory_space<hbm>> -> memref<10000x128xf32, #tpu.memory_space<hbm>>
        tpu.enqueue_indirect_dma source(%dma_start3A_503 : memref<10000x128xf32, #tpu.memory_space<hbm>>) target(%arg11 : memref<128x128xf32, #tpu.memory_space<vmem>>) offsets(%dma_start3A_500 : memref<128xi32, #tpu.memory_space<vmem>>) semaphore(%arg17 : memref<!tpu.dma_semaphore, #tpu.memory_space<semaphore_mem>>)
      } else {
      }
      %mul3A_405 = arith.constant 4 : i32
      %mul3A_406 = arith.muli %scan3A_377, %mul3A_405 : i32
      %add3A_407 = arith.constant 1 : i32
      %add3A_408 = arith.addi %mul3A_406, %add3A_407 : i32
      %dma_wait3A_409 = arith.constant 0 : i32
      %dma_wait3A_410 = arith.constant 0 : i32
      %dma_wait3A_411 = tpu.memref_slice %arg8[%dma_wait3A_409, %dma_wait3A_410] : memref<2x128xi32, #tpu.memory_space<vmem>> -> memref<1x128xi32, #tpu.memory_space<vmem>>
      %dma_wait3A_412 = tpu.memref_squeeze %dma_wait3A_411 : memref<1x128xi32, #tpu.memory_space<vmem>> -> memref<128xi32, #tpu.memory_space<vmem>>
      %dma_wait3A_413 = arith.constant 0 : i32
      %dma_wait3A_414 = arith.constant 0 : i32
      %dma_wait3A_415 = tpu.memref_slice %arg2[%dma_wait3A_413, %dma_wait3A_414] : memref<10000x128xf32, #tpu.memory_space<hbm>> -> memref<10000x128xf32, #tpu.memory_space<hbm>>
      tpu.wait_indirect_dma semaphore(%arg18 : memref<!tpu.dma_semaphore, #tpu.memory_space<semaphore_mem>>) src(%dma_wait3A_415 : memref<10000x128xf32, #tpu.memory_space<hbm>>) dst(%arg12 : memref<128x128xf32, #tpu.memory_space<vmem>>)
      %run_scoped3A_416 = arith.constant 1 : i32
      "tpu.region"() ({
        %run_scoped3A_486 = tpu.sem_alloc : memref<!tpu.dma_semaphore, #tpu.memory_space<semaphore_mem>>
        %dma_start3A_487 = arith.constant 0 : i32
        %dma_start3A_488 = tpu.memref_slice %arg8[%run_scoped3A_416, %dma_start3A_487] : memref<2x128xi32, #tpu.memory_space<vmem>> -> memref<1x128xi32, #tpu.memory_space<vmem>>
        %dma_start3A_489 = tpu.memref_squeeze %dma_start3A_488 : memref<1x128xi32, #tpu.memory_space<vmem>> -> memref<128xi32, #tpu.memory_space<vmem>>
        %dma_start3A_490 = arith.constant 0 : i32
        %dma_start3A_491 = arith.constant 0 : i32
        %dma_start3A_492 = tpu.memref_slice %arg15[%dma_start3A_490, %dma_start3A_491] : memref<10240x128xf32, #tpu.memory_space<vmem_shared>> -> memref<10240x128xf32, #tpu.memory_space<vmem_shared>>
        tpu.enqueue_indirect_dma source(%arg12 : memref<128x128xf32, #tpu.memory_space<vmem>>) target(%dma_start3A_492 : memref<10240x128xf32, #tpu.memory_space<vmem_shared>>) offsets(%dma_start3A_489 : memref<128xi32, #tpu.memory_space<vmem>>) semaphore(%run_scoped3A_486 : memref<!tpu.dma_semaphore, #tpu.memory_space<semaphore_mem>>) {add = true}
        %dma_wait3A_493 = arith.constant 0 : i32
        %dma_wait3A_494 = tpu.memref_slice %arg8[%run_scoped3A_416, %dma_wait3A_493] : memref<2x128xi32, #tpu.memory_space<vmem>> -> memref<1x128xi32, #tpu.memory_space<vmem>>
        %dma_wait3A_495 = tpu.memref_squeeze %dma_wait3A_494 : memref<1x128xi32, #tpu.memory_space<vmem>> -> memref<128xi32, #tpu.memory_space<vmem>>
        %dma_wait3A_496 = arith.constant 0 : i32
        %dma_wait3A_497 = arith.constant 0 : i32
        %dma_wait3A_498 = tpu.memref_slice %arg15[%dma_wait3A_496, %dma_wait3A_497] : memref<10240x128xf32, #tpu.memory_space<vmem_shared>> -> memref<10240x128xf32, #tpu.memory_space<vmem_shared>>
        tpu.wait_indirect_dma semaphore(%run_scoped3A_486 : memref<!tpu.dma_semaphore, #tpu.memory_space<semaphore_mem>>) src(%arg12 : memref<128x128xf32, #tpu.memory_space<vmem>>) dst(%dma_wait3A_498 : memref<10240x128xf32, #tpu.memory_space<vmem_shared>>)
        tpu.yield
      }) : () -> ()
      %run_scoped3A_417 = arith.constant 1 : i32
      "tpu.region"() ({
        %run_scoped3A_486 = tpu.sem_alloc : memref<!tpu.dma_semaphore, #tpu.memory_space<semaphore_mem>>
        %dma_start3A_487 = arith.constant 0 : i32
        %dma_start3A_488 = tpu.memref_slice %arg8[%run_scoped3A_417, %dma_start3A_487] : memref<2x128xi32, #tpu.memory_space<vmem>> -> memref<1x128xi32, #tpu.memory_space<vmem>>
        %dma_start3A_489 = tpu.memref_squeeze %dma_start3A_488 : memref<1x128xi32, #tpu.memory_space<vmem>> -> memref<128xi32, #tpu.memory_space<vmem>>
        %dma_start3A_490 = arith.constant 0 : i32
        %dma_start3A_491 = tpu.memref_slice %arg16[%dma_start3A_490] : memref<10240xf32, #tpu.memory_space<vmem_shared>> -> memref<10240xf32, #tpu.memory_space<vmem_shared>>
        tpu.enqueue_indirect_dma source(%arg13 : memref<128xf32, #tpu.memory_space<vmem>>) target(%dma_start3A_491 : memref<10240xf32, #tpu.memory_space<vmem_shared>>) offsets(%dma_start3A_489 : memref<128xi32, #tpu.memory_space<vmem>>) semaphore(%run_scoped3A_486 : memref<!tpu.dma_semaphore, #tpu.memory_space<semaphore_mem>>) {add = true}
        %dma_wait3A_492 = arith.constant 0 : i32
        %dma_wait3A_493 = tpu.memref_slice %arg8[%run_scoped3A_417, %dma_wait3A_492] : memref<2x128xi32, #tpu.memory_space<vmem>> -> memref<1x128xi32, #tpu.memory_space<vmem>>
        %dma_wait3A_494 = tpu.memref_squeeze %dma_wait3A_493 : memref<1x128xi32, #tpu.memory_space<vmem>> -> memref<128xi32, #tpu.memory_space<vmem>>
        %dma_wait3A_495 = arith.constant 0 : i32
        %dma_wait3A_496 = tpu.memref_slice %arg16[%dma_wait3A_495] : memref<10240xf32, #tpu.memory_space<vmem_shared>> -> memref<10240xf32, #tpu.memory_space<vmem_shared>>
        tpu.wait_indirect_dma semaphore(%run_scoped3A_486 : memref<!tpu.dma_semaphore, #tpu.memory_space<semaphore_mem>>) src(%arg13 : memref<128xf32, #tpu.memory_space<vmem>>) dst(%dma_wait3A_496 : memref<10240xf32, #tpu.memory_space<vmem_shared>>)
        tpu.yield
      }) : () -> ()
      %add3A_418 = arith.constant 4 : i32
      %add3A_419 = arith.addi %add3A_408, %add3A_418 : i32
      %lt3A_420 = arith.constant 78 : i32
      %lt3A_421 = arith.cmpi slt, %add3A_419, %lt3A_420 : i32
      %convert_element_type3A_422 = arith.extui %lt3A_421 : i1 to i32
      %cond3A_423 = arith.constant 0 : i32
      %cond3A_424 = arith.cmpi ne, %convert_element_type3A_422, %cond3A_423 : i32
      scf.if %cond3A_424 {
        %add3A_486 = arith.constant 4 : i32
        %add3A_487 = arith.addi %add3A_408, %add3A_486 : i32
        %mul3A_488 = arith.constant 32 : i32
        %mul3A_489 = arith.muli %add3A_487, %mul3A_488 : i32
        %add3A_490 = arith.addi %mul3A_489, %add3A : i32
        %mul3A_491 = arith.constant 128 : i32
        %mul3A_492 = arith.muli %add3A_490, %mul3A_491 : i32
        %dma_start3A_493 = arith.constant 0 : i32
        %dma_start3A_494 = tpu.memref_slice %arg3[%dma_start3A_493, %mul3A_492] : memref<2x320000xi32, #tpu.memory_space<hbm>> -> memref<2x128xi32, #tpu.memory_space<hbm>>
        %dma_start3A_495 = arith.constant 0 : i32
        %dma_start3A_496 = tpu.memref_slice %arg3[%dma_start3A_495, %mul3A_492] : memref<2x320000xi32, #tpu.memory_space<hbm>> -> memref<2x128xi32, #tpu.memory_space<hbm>>
        tpu.enqueue_dma source(%dma_start3A_496 : memref<2x128xi32, #tpu.memory_space<hbm>>) target(%arg8 : memref<2x128xi32, #tpu.memory_space<vmem>>) target_semaphore(%arg20 : memref<!tpu.dma_semaphore, #tpu.memory_space<semaphore_mem>>)
      } else {
      }
      %add3A_425 = arith.constant 2 : i32
      %add3A_426 = arith.addi %add3A_408, %add3A_425 : i32
      %lt3A_427 = arith.constant 78 : i32
      %lt3A_428 = arith.cmpi slt, %add3A_426, %lt3A_427 : i32
      %convert_element_type3A_429 = arith.extui %lt3A_428 : i1 to i32
      %cond3A_430 = arith.constant 0 : i32
      %cond3A_431 = arith.cmpi ne, %convert_element_type3A_429, %cond3A_430 : i32
      scf.if %cond3A_431 {
        %add3A_486 = arith.constant 2 : i32
        %add3A_487 = arith.addi %add3A_408, %add3A_486 : i32
        %mul3A_488 = arith.constant 32 : i32
        %mul3A_489 = arith.muli %add3A_487, %mul3A_488 : i32
        %add3A_490 = arith.addi %mul3A_489, %add3A : i32
        %mul3A_491 = arith.constant 128 : i32
        %mul3A_492 = arith.muli %add3A_490, %mul3A_491 : i32
        %dma_wait3A_493 = arith.constant 0 : i32
        %dma_wait3A_494 = tpu.memref_slice %arg3[%dma_wait3A_493, %mul3A_492] : memref<2x320000xi32, #tpu.memory_space<hbm>> -> memref<2x128xi32, #tpu.memory_space<hbm>>
        %dma_wait3A_495 = arith.constant 0 : i32
        %dma_wait3A_496 = tpu.memref_slice %arg3[%dma_wait3A_495, %mul3A_492] : memref<2x320000xi32, #tpu.memory_space<hbm>> -> memref<2x128xi32, #tpu.memory_space<hbm>>
        tpu.wait_dma2 semaphore(%arg22 : memref<!tpu.dma_semaphore, #tpu.memory_space<semaphore_mem>>) src(%dma_wait3A_496 : memref<2x128xi32, #tpu.memory_space<hbm>>) dst(%arg10 : memref<2x128xi32, #tpu.memory_space<vmem>>)
        %dma_start3A_497 = arith.constant 0 : i32
        %dma_start3A_498 = arith.constant 0 : i32
        %dma_start3A_499 = tpu.memref_slice %arg10[%dma_start3A_497, %dma_start3A_498] : memref<2x128xi32, #tpu.memory_space<vmem>> -> memref<1x128xi32, #tpu.memory_space<vmem>>
        %dma_start3A_500 = tpu.memref_squeeze %dma_start3A_499 : memref<1x128xi32, #tpu.memory_space<vmem>> -> memref<128xi32, #tpu.memory_space<vmem>>
        %dma_start3A_501 = arith.constant 0 : i32
        %dma_start3A_502 = arith.constant 0 : i32
        %dma_start3A_503 = tpu.memref_slice %arg2[%dma_start3A_501, %dma_start3A_502] : memref<10000x128xf32, #tpu.memory_space<hbm>> -> memref<10000x128xf32, #tpu.memory_space<hbm>>
        tpu.enqueue_indirect_dma source(%dma_start3A_503 : memref<10000x128xf32, #tpu.memory_space<hbm>>) target(%arg12 : memref<128x128xf32, #tpu.memory_space<vmem>>) offsets(%dma_start3A_500 : memref<128xi32, #tpu.memory_space<vmem>>) semaphore(%arg18 : memref<!tpu.dma_semaphore, #tpu.memory_space<semaphore_mem>>)
      } else {
      }
      %mul3A_432 = arith.constant 4 : i32
      %mul3A_433 = arith.muli %scan3A_377, %mul3A_432 : i32
      %add3A_434 = arith.constant 2 : i32
      %add3A_435 = arith.addi %mul3A_433, %add3A_434 : i32
      %dma_wait3A_436 = arith.constant 0 : i32
      %dma_wait3A_437 = arith.constant 0 : i32
      %dma_wait3A_438 = tpu.memref_slice %arg9[%dma_wait3A_436, %dma_wait3A_437] : memref<2x128xi32, #tpu.memory_space<vmem>> -> memref<1x128xi32, #tpu.memory_space<vmem>>
      %dma_wait3A_439 = tpu.memref_squeeze %dma_wait3A_438 : memref<1x128xi32, #tpu.memory_space<vmem>> -> memref<128xi32, #tpu.memory_space<vmem>>
      %dma_wait3A_440 = arith.constant 0 : i32
      %dma_wait3A_441 = arith.constant 0 : i32
      %dma_wait3A_442 = tpu.memref_slice %arg2[%dma_wait3A_440, %dma_wait3A_441] : memref<10000x128xf32, #tpu.memory_space<hbm>> -> memref<10000x128xf32, #tpu.memory_space<hbm>>
      tpu.wait_indirect_dma semaphore(%arg17 : memref<!tpu.dma_semaphore, #tpu.memory_space<semaphore_mem>>) src(%dma_wait3A_442 : memref<10000x128xf32, #tpu.memory_space<hbm>>) dst(%arg11 : memref<128x128xf32, #tpu.memory_space<vmem>>)
      %run_scoped3A_443 = arith.constant 1 : i32
      "tpu.region"() ({
        %run_scoped3A_486 = tpu.sem_alloc : memref<!tpu.dma_semaphore, #tpu.memory_space<semaphore_mem>>
        %dma_start3A_487 = arith.constant 0 : i32
        %dma_start3A_488 = tpu.memref_slice %arg9[%run_scoped3A_443, %dma_start3A_487] : memref<2x128xi32, #tpu.memory_space<vmem>> -> memref<1x128xi32, #tpu.memory_space<vmem>>
        %dma_start3A_489 = tpu.memref_squeeze %dma_start3A_488 : memref<1x128xi32, #tpu.memory_space<vmem>> -> memref<128xi32, #tpu.memory_space<vmem>>
        %dma_start3A_490 = arith.constant 0 : i32
        %dma_start3A_491 = arith.constant 0 : i32
        %dma_start3A_492 = tpu.memref_slice %arg15[%dma_start3A_490, %dma_start3A_491] : memref<10240x128xf32, #tpu.memory_space<vmem_shared>> -> memref<10240x128xf32, #tpu.memory_space<vmem_shared>>
        tpu.enqueue_indirect_dma source(%arg11 : memref<128x128xf32, #tpu.memory_space<vmem>>) target(%dma_start3A_492 : memref<10240x128xf32, #tpu.memory_space<vmem_shared>>) offsets(%dma_start3A_489 : memref<128xi32, #tpu.memory_space<vmem>>) semaphore(%run_scoped3A_486 : memref<!tpu.dma_semaphore, #tpu.memory_space<semaphore_mem>>) {add = true}
        %dma_wait3A_493 = arith.constant 0 : i32
        %dma_wait3A_494 = tpu.memref_slice %arg9[%run_scoped3A_443, %dma_wait3A_493] : memref<2x128xi32, #tpu.memory_space<vmem>> -> memref<1x128xi32, #tpu.memory_space<vmem>>
        %dma_wait3A_495 = tpu.memref_squeeze %dma_wait3A_494 : memref<1x128xi32, #tpu.memory_space<vmem>> -> memref<128xi32, #tpu.memory_space<vmem>>
        %dma_wait3A_496 = arith.constant 0 : i32
        %dma_wait3A_497 = arith.constant 0 : i32
        %dma_wait3A_498 = tpu.memref_slice %arg15[%dma_wait3A_496, %dma_wait3A_497] : memref<10240x128xf32, #tpu.memory_space<vmem_shared>> -> memref<10240x128xf32, #tpu.memory_space<vmem_shared>>
        tpu.wait_indirect_dma semaphore(%run_scoped3A_486 : memref<!tpu.dma_semaphore, #tpu.memory_space<semaphore_mem>>) src(%arg11 : memref<128x128xf32, #tpu.memory_space<vmem>>) dst(%dma_wait3A_498 : memref<10240x128xf32, #tpu.memory_space<vmem_shared>>)
        tpu.yield
      }) : () -> ()
      %run_scoped3A_444 = arith.constant 1 : i32
      "tpu.region"() ({
        %run_scoped3A_486 = tpu.sem_alloc : memref<!tpu.dma_semaphore, #tpu.memory_space<semaphore_mem>>
        %dma_start3A_487 = arith.constant 0 : i32
        %dma_start3A_488 = tpu.memref_slice %arg9[%run_scoped3A_444, %dma_start3A_487] : memref<2x128xi32, #tpu.memory_space<vmem>> -> memref<1x128xi32, #tpu.memory_space<vmem>>
        %dma_start3A_489 = tpu.memref_squeeze %dma_start3A_488 : memref<1x128xi32, #tpu.memory_space<vmem>> -> memref<128xi32, #tpu.memory_space<vmem>>
        %dma_start3A_490 = arith.constant 0 : i32
        %dma_start3A_491 = tpu.memref_slice %arg16[%dma_start3A_490] : memref<10240xf32, #tpu.memory_space<vmem_shared>> -> memref<10240xf32, #tpu.memory_space<vmem_shared>>
        tpu.enqueue_indirect_dma source(%arg13 : memref<128xf32, #tpu.memory_space<vmem>>) target(%dma_start3A_491 : memref<10240xf32, #tpu.memory_space<vmem_shared>>) offsets(%dma_start3A_489 : memref<128xi32, #tpu.memory_space<vmem>>) semaphore(%run_scoped3A_486 : memref<!tpu.dma_semaphore, #tpu.memory_space<semaphore_mem>>) {add = true}
        %dma_wait3A_492 = arith.constant 0 : i32
        %dma_wait3A_493 = tpu.memref_slice %arg9[%run_scoped3A_444, %dma_wait3A_492] : memref<2x128xi32, #tpu.memory_space<vmem>> -> memref<1x128xi32, #tpu.memory_space<vmem>>
        %dma_wait3A_494 = tpu.memref_squeeze %dma_wait3A_493 : memref<1x128xi32, #tpu.memory_space<vmem>> -> memref<128xi32, #tpu.memory_space<vmem>>
        %dma_wait3A_495 = arith.constant 0 : i32
        %dma_wait3A_496 = tpu.memref_slice %arg16[%dma_wait3A_495] : memref<10240xf32, #tpu.memory_space<vmem_shared>> -> memref<10240xf32, #tpu.memory_space<vmem_shared>>
        tpu.wait_indirect_dma semaphore(%run_scoped3A_486 : memref<!tpu.dma_semaphore, #tpu.memory_space<semaphore_mem>>) src(%arg13 : memref<128xf32, #tpu.memory_space<vmem>>) dst(%dma_wait3A_496 : memref<10240xf32, #tpu.memory_space<vmem_shared>>)
        tpu.yield
      }) : () -> ()
      %add3A_445 = arith.constant 4 : i32
      %add3A_446 = arith.addi %add3A_435, %add3A_445 : i32
      %lt3A_447 = arith.constant 78 : i32
      %lt3A_448 = arith.cmpi slt, %add3A_446, %lt3A_447 : i32
      %convert_element_type3A_449 = arith.extui %lt3A_448 : i1 to i32
      %cond3A_450 = arith.constant 0 : i32
      %cond3A_451 = arith.cmpi ne, %convert_element_type3A_449, %cond3A_450 : i32
      scf.if %cond3A_451 {
        %add3A_486 = arith.constant 4 : i32
        %add3A_487 = arith.addi %add3A_435, %add3A_486 : i32
        %mul3A_488 = arith.constant 32 : i32
        %mul3A_489 = arith.muli %add3A_487, %mul3A_488 : i32
        %add3A_490 = arith.addi %mul3A_489, %add3A : i32
        %mul3A_491 = arith.constant 128 : i32
        %mul3A_492 = arith.muli %add3A_490, %mul3A_491 : i32
        %dma_start3A_493 = arith.constant 0 : i32
        %dma_start3A_494 = tpu.memref_slice %arg3[%dma_start3A_493, %mul3A_492] : memref<2x320000xi32, #tpu.memory_space<hbm>> -> memref<2x128xi32, #tpu.memory_space<hbm>>
        %dma_start3A_495 = arith.constant 0 : i32
        %dma_start3A_496 = tpu.memref_slice %arg3[%dma_start3A_495, %mul3A_492] : memref<2x320000xi32, #tpu.memory_space<hbm>> -> memref<2x128xi32, #tpu.memory_space<hbm>>
        tpu.enqueue_dma source(%dma_start3A_496 : memref<2x128xi32, #tpu.memory_space<hbm>>) target(%arg9 : memref<2x128xi32, #tpu.memory_space<vmem>>) target_semaphore(%arg21 : memref<!tpu.dma_semaphore, #tpu.memory_space<semaphore_mem>>)
      } else {
      }
      %add3A_452 = arith.constant 2 : i32
      %add3A_453 = arith.addi %add3A_435, %add3A_452 : i32
      %lt3A_454 = arith.constant 78 : i32
      %lt3A_455 = arith.cmpi slt, %add3A_453, %lt3A_454 : i32
      %convert_element_type3A_456 = arith.extui %lt3A_455 : i1 to i32
      %cond3A_457 = arith.constant 0 : i32
      %cond3A_458 = arith.cmpi ne, %convert_element_type3A_456, %cond3A_457 : i32
      scf.if %cond3A_458 {
        %add3A_486 = arith.constant 2 : i32
        %add3A_487 = arith.addi %add3A_435, %add3A_486 : i32
        %mul3A_488 = arith.constant 32 : i32
        %mul3A_489 = arith.muli %add3A_487, %mul3A_488 : i32
        %add3A_490 = arith.addi %mul3A_489, %add3A : i32
        %mul3A_491 = arith.constant 128 : i32
        %mul3A_492 = arith.muli %add3A_490, %mul3A_491 : i32
        %dma_wait3A_493 = arith.constant 0 : i32
        %dma_wait3A_494 = tpu.memref_slice %arg3[%dma_wait3A_493, %mul3A_492] : memref<2x320000xi32, #tpu.memory_space<hbm>> -> memref<2x128xi32, #tpu.memory_space<hbm>>
        %dma_wait3A_495 = arith.constant 0 : i32
        %dma_wait3A_496 = tpu.memref_slice %arg3[%dma_wait3A_495, %mul3A_492] : memref<2x320000xi32, #tpu.memory_space<hbm>> -> memref<2x128xi32, #tpu.memory_space<hbm>>
        tpu.wait_dma2 semaphore(%arg19 : memref<!tpu.dma_semaphore, #tpu.memory_space<semaphore_mem>>) src(%dma_wait3A_496 : memref<2x128xi32, #tpu.memory_space<hbm>>) dst(%arg7 : memref<2x128xi32, #tpu.memory_space<vmem>>)
        %dma_start3A_497 = arith.constant 0 : i32
        %dma_start3A_498 = arith.constant 0 : i32
        %dma_start3A_499 = tpu.memref_slice %arg7[%dma_start3A_497, %dma_start3A_498] : memref<2x128xi32, #tpu.memory_space<vmem>> -> memref<1x128xi32, #tpu.memory_space<vmem>>
        %dma_start3A_500 = tpu.memref_squeeze %dma_start3A_499 : memref<1x128xi32, #tpu.memory_space<vmem>> -> memref<128xi32, #tpu.memory_space<vmem>>
        %dma_start3A_501 = arith.constant 0 : i32
        %dma_start3A_502 = arith.constant 0 : i32
        %dma_start3A_503 = tpu.memref_slice %arg2[%dma_start3A_501, %dma_start3A_502] : memref<10000x128xf32, #tpu.memory_space<hbm>> -> memref<10000x128xf32, #tpu.memory_space<hbm>>
        tpu.enqueue_indirect_dma source(%dma_start3A_503 : memref<10000x128xf32, #tpu.memory_space<hbm>>) target(%arg11 : memref<128x128xf32, #tpu.memory_space<vmem>>) offsets(%dma_start3A_500 : memref<128xi32, #tpu.memory_space<vmem>>) semaphore(%arg17 : memref<!tpu.dma_semaphore, #tpu.memory_space<semaphore_mem>>)
      } else {
      }
      %mul3A_459 = arith.constant 4 : i32
      %mul3A_460 = arith.muli %scan3A_377, %mul3A_459 : i32
      %add3A_461 = arith.constant 3 : i32
      %add3A_462 = arith.addi %mul3A_460, %add3A_461 : i32
      %dma_wait3A_463 = arith.constant 0 : i32
      %dma_wait3A_464 = arith.constant 0 : i32
      %dma_wait3A_465 = tpu.memref_slice %arg10[%dma_wait3A_463, %dma_wait3A_464] : memref<2x128xi32, #tpu.memory_space<vmem>> -> memref<1x128xi32, #tpu.memory_space<vmem>>
      %dma_wait3A_466 = tpu.memref_squeeze %dma_wait3A_465 : memref<1x128xi32, #tpu.memory_space<vmem>> -> memref<128xi32, #tpu.memory_space<vmem>>
      %dma_wait3A_467 = arith.constant 0 : i32
      %dma_wait3A_468 = arith.constant 0 : i32
      %dma_wait3A_469 = tpu.memref_slice %arg2[%dma_wait3A_467, %dma_wait3A_468] : memref<10000x128xf32, #tpu.memory_space<hbm>> -> memref<10000x128xf32, #tpu.memory_space<hbm>>
      tpu.wait_indirect_dma semaphore(%arg18 : memref<!tpu.dma_semaphore, #tpu.memory_space<semaphore_mem>>) src(%dma_wait3A_469 : memref<10000x128xf32, #tpu.memory_space<hbm>>) dst(%arg12 : memref<128x128xf32, #tpu.memory_space<vmem>>)
      %run_scoped3A_470 = arith.constant 1 : i32
      "tpu.region"() ({
        %run_scoped3A_486 = tpu.sem_alloc : memref<!tpu.dma_semaphore, #tpu.memory_space<semaphore_mem>>
        %dma_start3A_487 = arith.constant 0 : i32
        %dma_start3A_488 = tpu.memref_slice %arg10[%run_scoped3A_470, %dma_start3A_487] : memref<2x128xi32, #tpu.memory_space<vmem>> -> memref<1x128xi32, #tpu.memory_space<vmem>>
        %dma_start3A_489 = tpu.memref_squeeze %dma_start3A_488 : memref<1x128xi32, #tpu.memory_space<vmem>> -> memref<128xi32, #tpu.memory_space<vmem>>
        %dma_start3A_490 = arith.constant 0 : i32
        %dma_start3A_491 = arith.constant 0 : i32
        %dma_start3A_492 = tpu.memref_slice %arg15[%dma_start3A_490, %dma_start3A_491] : memref<10240x128xf32, #tpu.memory_space<vmem_shared>> -> memref<10240x128xf32, #tpu.memory_space<vmem_shared>>
        tpu.enqueue_indirect_dma source(%arg12 : memref<128x128xf32, #tpu.memory_space<vmem>>) target(%dma_start3A_492 : memref<10240x128xf32, #tpu.memory_space<vmem_shared>>) offsets(%dma_start3A_489 : memref<128xi32, #tpu.memory_space<vmem>>) semaphore(%run_scoped3A_486 : memref<!tpu.dma_semaphore, #tpu.memory_space<semaphore_mem>>) {add = true}
        %dma_wait3A_493 = arith.constant 0 : i32
        %dma_wait3A_494 = tpu.memref_slice %arg10[%run_scoped3A_470, %dma_wait3A_493] : memref<2x128xi32, #tpu.memory_space<vmem>> -> memref<1x128xi32, #tpu.memory_space<vmem>>
        %dma_wait3A_495 = tpu.memref_squeeze %dma_wait3A_494 : memref<1x128xi32, #tpu.memory_space<vmem>> -> memref<128xi32, #tpu.memory_space<vmem>>
        %dma_wait3A_496 = arith.constant 0 : i32
        %dma_wait3A_497 = arith.constant 0 : i32
        %dma_wait3A_498 = tpu.memref_slice %arg15[%dma_wait3A_496, %dma_wait3A_497] : memref<10240x128xf32, #tpu.memory_space<vmem_shared>> -> memref<10240x128xf32, #tpu.memory_space<vmem_shared>>
        tpu.wait_indirect_dma semaphore(%run_scoped3A_486 : memref<!tpu.dma_semaphore, #tpu.memory_space<semaphore_mem>>) src(%arg12 : memref<128x128xf32, #tpu.memory_space<vmem>>) dst(%dma_wait3A_498 : memref<10240x128xf32, #tpu.memory_space<vmem_shared>>)
        tpu.yield
      }) : () -> ()
      %run_scoped3A_471 = arith.constant 1 : i32
      "tpu.region"() ({
        %run_scoped3A_486 = tpu.sem_alloc : memref<!tpu.dma_semaphore, #tpu.memory_space<semaphore_mem>>
        %dma_start3A_487 = arith.constant 0 : i32
        %dma_start3A_488 = tpu.memref_slice %arg10[%run_scoped3A_471, %dma_start3A_487] : memref<2x128xi32, #tpu.memory_space<vmem>> -> memref<1x128xi32, #tpu.memory_space<vmem>>
        %dma_start3A_489 = tpu.memref_squeeze %dma_start3A_488 : memref<1x128xi32, #tpu.memory_space<vmem>> -> memref<128xi32, #tpu.memory_space<vmem>>
        %dma_start3A_490 = arith.constant 0 : i32
        %dma_start3A_491 = tpu.memref_slice %arg16[%dma_start3A_490] : memref<10240xf32, #tpu.memory_space<vmem_shared>> -> memref<10240xf32, #tpu.memory_space<vmem_shared>>
        tpu.enqueue_indirect_dma source(%arg13 : memref<128xf32, #tpu.memory_space<vmem>>) target(%dma_start3A_491 : memref<10240xf32, #tpu.memory_space<vmem_shared>>) offsets(%dma_start3A_489 : memref<128xi32, #tpu.memory_space<vmem>>) semaphore(%run_scoped3A_486 : memref<!tpu.dma_semaphore, #tpu.memory_space<semaphore_mem>>) {add = true}
        %dma_wait3A_492 = arith.constant 0 : i32
        %dma_wait3A_493 = tpu.memref_slice %arg10[%run_scoped3A_471, %dma_wait3A_492] : memref<2x128xi32, #tpu.memory_space<vmem>> -> memref<1x128xi32, #tpu.memory_space<vmem>>
        %dma_wait3A_494 = tpu.memref_squeeze %dma_wait3A_493 : memref<1x128xi32, #tpu.memory_space<vmem>> -> memref<128xi32, #tpu.memory_space<vmem>>
        %dma_wait3A_495 = arith.constant 0 : i32
        %dma_wait3A_496 = tpu.memref_slice %arg16[%dma_wait3A_495] : memref<10240xf32, #tpu.memory_space<vmem_shared>> -> memref<10240xf32, #tpu.memory_space<vmem_shared>>
        tpu.wait_indirect_dma semaphore(%run_scoped3A_486 : memref<!tpu.dma_semaphore, #tpu.memory_space<semaphore_mem>>) src(%arg13 : memref<128xf32, #tpu.memory_space<vmem>>) dst(%dma_wait3A_496 : memref<10240xf32, #tpu.memory_space<vmem_shared>>)
        tpu.yield
      }) : () -> ()
      %add3A_472 = arith.constant 4 : i32
      %add3A_473 = arith.addi %add3A_462, %add3A_472 : i32
      %lt3A_474 = arith.constant 78 : i32
      %lt3A_475 = arith.cmpi slt, %add3A_473, %lt3A_474 : i32
      %convert_element_type3A_476 = arith.extui %lt3A_475 : i1 to i32
      %cond3A_477 = arith.constant 0 : i32
      %cond3A_478 = arith.cmpi ne, %convert_element_type3A_476, %cond3A_477 : i32
      scf.if %cond3A_478 {
        %add3A_486 = arith.constant 4 : i32
        %add3A_487 = arith.addi %add3A_462, %add3A_486 : i32
        %mul3A_488 = arith.constant 32 : i32
        %mul3A_489 = arith.muli %add3A_487, %mul3A_488 : i32
        %add3A_490 = arith.addi %mul3A_489, %add3A : i32
        %mul3A_491 = arith.constant 128 : i32
        %mul3A_492 = arith.muli %add3A_490, %mul3A_491 : i32
        %dma_start3A_493 = arith.constant 0 : i32
        %dma_start3A_494 = tpu.memref_slice %arg3[%dma_start3A_493, %mul3A_492] : memref<2x320000xi32, #tpu.memory_space<hbm>> -> memref<2x128xi32, #tpu.memory_space<hbm>>
        %dma_start3A_495 = arith.constant 0 : i32
        %dma_start3A_496 = tpu.memref_slice %arg3[%dma_start3A_495, %mul3A_492] : memref<2x320000xi32, #tpu.memory_space<hbm>> -> memref<2x128xi32, #tpu.memory_space<hbm>>
        tpu.enqueue_dma source(%dma_start3A_496 : memref<2x128xi32, #tpu.memory_space<hbm>>) target(%arg10 : memref<2x128xi32, #tpu.memory_space<vmem>>) target_semaphore(%arg22 : memref<!tpu.dma_semaphore, #tpu.memory_space<semaphore_mem>>)
      } else {
      }
      %add3A_479 = arith.constant 2 : i32
      %add3A_480 = arith.addi %add3A_462, %add3A_479 : i32
      %lt3A_481 = arith.constant 78 : i32
      %lt3A_482 = arith.cmpi slt, %add3A_480, %lt3A_481 : i32
      %convert_element_type3A_483 = arith.extui %lt3A_482 : i1 to i32
      %cond3A_484 = arith.constant 0 : i32
      %cond3A_485 = arith.cmpi ne, %convert_element_type3A_483, %cond3A_484 : i32
      scf.if %cond3A_485 {
        %add3A_486 = arith.constant 2 : i32
        %add3A_487 = arith.addi %add3A_462, %add3A_486 : i32
        %mul3A_488 = arith.constant 32 : i32
        %mul3A_489 = arith.muli %add3A_487, %mul3A_488 : i32
        %add3A_490 = arith.addi %mul3A_489, %add3A : i32
        %mul3A_491 = arith.constant 128 : i32
        %mul3A_492 = arith.muli %add3A_490, %mul3A_491 : i32
        %dma_wait3A_493 = arith.constant 0 : i32
        %dma_wait3A_494 = tpu.memref_slice %arg3[%dma_wait3A_493, %mul3A_492] : memref<2x320000xi32, #tpu.memory_space<hbm>> -> memref<2x128xi32, #tpu.memory_space<hbm>>
        %dma_wait3A_495 = arith.constant 0 : i32
        %dma_wait3A_496 = tpu.memref_slice %arg3[%dma_wait3A_495, %mul3A_492] : memref<2x320000xi32, #tpu.memory_space<hbm>> -> memref<2x128xi32, #tpu.memory_space<hbm>>
        tpu.wait_dma2 semaphore(%arg20 : memref<!tpu.dma_semaphore, #tpu.memory_space<semaphore_mem>>) src(%dma_wait3A_496 : memref<2x128xi32, #tpu.memory_space<hbm>>) dst(%arg8 : memref<2x128xi32, #tpu.memory_space<vmem>>)
        %dma_start3A_497 = arith.constant 0 : i32
        %dma_start3A_498 = arith.constant 0 : i32
        %dma_start3A_499 = tpu.memref_slice %arg8[%dma_start3A_497, %dma_start3A_498] : memref<2x128xi32, #tpu.memory_space<vmem>> -> memref<1x128xi32, #tpu.memory_space<vmem>>
        %dma_start3A_500 = tpu.memref_squeeze %dma_start3A_499 : memref<1x128xi32, #tpu.memory_space<vmem>> -> memref<128xi32, #tpu.memory_space<vmem>>
        %dma_start3A_501 = arith.constant 0 : i32
        %dma_start3A_502 = arith.constant 0 : i32
        %dma_start3A_503 = tpu.memref_slice %arg2[%dma_start3A_501, %dma_start3A_502] : memref<10000x128xf32, #tpu.memory_space<hbm>> -> memref<10000x128xf32, #tpu.memory_space<hbm>>
        tpu.enqueue_indirect_dma source(%dma_start3A_503 : memref<10000x128xf32, #tpu.memory_space<hbm>>) target(%arg12 : memref<128x128xf32, #tpu.memory_space<vmem>>) offsets(%dma_start3A_500 : memref<128xi32, #tpu.memory_space<vmem>>) semaphore(%arg18 : memref<!tpu.dma_semaphore, #tpu.memory_space<semaphore_mem>>)
      } else {
      }
    }
    %scan3A_353 = arith.constant 19 : i32
    %dma_wait3A_354 = arith.constant 0 : i32
    %dma_wait3A_355 = arith.constant 0 : i32
    %dma_wait3A_356 = tpu.memref_slice %arg7[%dma_wait3A_354, %dma_wait3A_355] : memref<2x128xi32, #tpu.memory_space<vmem>> -> memref<1x128xi32, #tpu.memory_space<vmem>>
    %dma_wait3A_357 = tpu.memref_squeeze %dma_wait3A_356 : memref<1x128xi32, #tpu.memory_space<vmem>> -> memref<128xi32, #tpu.memory_space<vmem>>
    %dma_wait3A_358 = arith.constant 0 : i32
    %dma_wait3A_359 = arith.constant 0 : i32
    %dma_wait3A_360 = tpu.memref_slice %arg2[%dma_wait3A_358, %dma_wait3A_359] : memref<10000x128xf32, #tpu.memory_space<hbm>> -> memref<10000x128xf32, #tpu.memory_space<hbm>>
    tpu.wait_indirect_dma semaphore(%arg17 : memref<!tpu.dma_semaphore, #tpu.memory_space<semaphore_mem>>) src(%dma_wait3A_360 : memref<10000x128xf32, #tpu.memory_space<hbm>>) dst(%arg11 : memref<128x128xf32, #tpu.memory_space<vmem>>)
    %run_scoped3A = arith.constant 1 : i32
    "tpu.region"() ({
      %run_scoped3A_377 = tpu.sem_alloc : memref<!tpu.dma_semaphore, #tpu.memory_space<semaphore_mem>>
      %dma_start3A_378 = arith.constant 0 : i32
      %dma_start3A_379 = tpu.memref_slice %arg7[%run_scoped3A, %dma_start3A_378] : memref<2x128xi32, #tpu.memory_space<vmem>> -> memref<1x128xi32, #tpu.memory_space<vmem>>
      %dma_start3A_380 = tpu.memref_squeeze %dma_start3A_379 : memref<1x128xi32, #tpu.memory_space<vmem>> -> memref<128xi32, #tpu.memory_space<vmem>>
      %dma_start3A_381 = arith.constant 0 : i32
      %dma_start3A_382 = arith.constant 0 : i32
      %dma_start3A_383 = tpu.memref_slice %arg15[%dma_start3A_381, %dma_start3A_382] : memref<10240x128xf32, #tpu.memory_space<vmem_shared>> -> memref<10240x128xf32, #tpu.memory_space<vmem_shared>>
      tpu.enqueue_indirect_dma source(%arg11 : memref<128x128xf32, #tpu.memory_space<vmem>>) target(%dma_start3A_383 : memref<10240x128xf32, #tpu.memory_space<vmem_shared>>) offsets(%dma_start3A_380 : memref<128xi32, #tpu.memory_space<vmem>>) semaphore(%run_scoped3A_377 : memref<!tpu.dma_semaphore, #tpu.memory_space<semaphore_mem>>) {add = true}
      %dma_wait3A_384 = arith.constant 0 : i32
      %dma_wait3A_385 = tpu.memref_slice %arg7[%run_scoped3A, %dma_wait3A_384] : memref<2x128xi32, #tpu.memory_space<vmem>> -> memref<1x128xi32, #tpu.memory_space<vmem>>
      %dma_wait3A_386 = tpu.memref_squeeze %dma_wait3A_385 : memref<1x128xi32, #tpu.memory_space<vmem>> -> memref<128xi32, #tpu.memory_space<vmem>>
      %dma_wait3A_387 = arith.constant 0 : i32
      %dma_wait3A_388 = arith.constant 0 : i32
      %dma_wait3A_389 = tpu.memref_slice %arg15[%dma_wait3A_387, %dma_wait3A_388] : memref<10240x128xf32, #tpu.memory_space<vmem_shared>> -> memref<10240x128xf32, #tpu.memory_space<vmem_shared>>
      tpu.wait_indirect_dma semaphore(%run_scoped3A_377 : memref<!tpu.dma_semaphore, #tpu.memory_space<semaphore_mem>>) src(%arg11 : memref<128x128xf32, #tpu.memory_space<vmem>>) dst(%dma_wait3A_389 : memref<10240x128xf32, #tpu.memory_space<vmem_shared>>)
      tpu.yield
    }) : () -> ()
    %run_scoped3A_361 = arith.constant 1 : i32
    "tpu.region"() ({
      %run_scoped3A_377 = tpu.sem_alloc : memref<!tpu.dma_semaphore, #tpu.memory_space<semaphore_mem>>
      %dma_start3A_378 = arith.constant 0 : i32
      %dma_start3A_379 = tpu.memref_slice %arg7[%run_scoped3A_361, %dma_start3A_378] : memref<2x128xi32, #tpu.memory_space<vmem>> -> memref<1x128xi32, #tpu.memory_space<vmem>>
      %dma_start3A_380 = tpu.memref_squeeze %dma_start3A_379 : memref<1x128xi32, #tpu.memory_space<vmem>> -> memref<128xi32, #tpu.memory_space<vmem>>
      %dma_start3A_381 = arith.constant 0 : i32
      %dma_start3A_382 = tpu.memref_slice %arg16[%dma_start3A_381] : memref<10240xf32, #tpu.memory_space<vmem_shared>> -> memref<10240xf32, #tpu.memory_space<vmem_shared>>
      tpu.enqueue_indirect_dma source(%arg13 : memref<128xf32, #tpu.memory_space<vmem>>) target(%dma_start3A_382 : memref<10240xf32, #tpu.memory_space<vmem_shared>>) offsets(%dma_start3A_380 : memref<128xi32, #tpu.memory_space<vmem>>) semaphore(%run_scoped3A_377 : memref<!tpu.dma_semaphore, #tpu.memory_space<semaphore_mem>>) {add = true}
      %dma_wait3A_383 = arith.constant 0 : i32
      %dma_wait3A_384 = tpu.memref_slice %arg7[%run_scoped3A_361, %dma_wait3A_383] : memref<2x128xi32, #tpu.memory_space<vmem>> -> memref<1x128xi32, #tpu.memory_space<vmem>>
      %dma_wait3A_385 = tpu.memref_squeeze %dma_wait3A_384 : memref<1x128xi32, #tpu.memory_space<vmem>> -> memref<128xi32, #tpu.memory_space<vmem>>
      %dma_wait3A_386 = arith.constant 0 : i32
      %dma_wait3A_387 = tpu.memref_slice %arg16[%dma_wait3A_386] : memref<10240xf32, #tpu.memory_space<vmem_shared>> -> memref<10240xf32, #tpu.memory_space<vmem_shared>>
      tpu.wait_indirect_dma semaphore(%run_scoped3A_377 : memref<!tpu.dma_semaphore, #tpu.memory_space<semaphore_mem>>) src(%arg13 : memref<128xf32, #tpu.memory_space<vmem>>) dst(%dma_wait3A_387 : memref<10240xf32, #tpu.memory_space<vmem_shared>>)
      tpu.yield
    }) : () -> ()
    %dma_wait3A_362 = arith.constant 0 : i32
    %dma_wait3A_363 = arith.constant 0 : i32
    %dma_wait3A_364 = tpu.memref_slice %arg8[%dma_wait3A_362, %dma_wait3A_363] : memref<2x128xi32, #tpu.memory_space<vmem>> -> memref<1x128xi32, #tpu.memory_space<vmem>>
    %dma_wait3A_365 = tpu.memref_squeeze %dma_wait3A_364 : memref<1x128xi32, #tpu.memory_space<vmem>> -> memref<128xi32, #tpu.memory_space<vmem>>
    %dma_wait3A_366 = arith.constant 0 : i32
    %dma_wait3A_367 = arith.constant 0 : i32
    %dma_wait3A_368 = tpu.memref_slice %arg2[%dma_wait3A_366, %dma_wait3A_367] : memref<10000x128xf32, #tpu.memory_space<hbm>> -> memref<10000x128xf32, #tpu.memory_space<hbm>>
    tpu.wait_indirect_dma semaphore(%arg18 : memref<!tpu.dma_semaphore, #tpu.memory_space<semaphore_mem>>) src(%dma_wait3A_368 : memref<10000x128xf32, #tpu.memory_space<hbm>>) dst(%arg12 : memref<128x128xf32, #tpu.memory_space<vmem>>)
    %run_scoped3A_369 = arith.constant 1 : i32
    "tpu.region"() ({
      %run_scoped3A_377 = tpu.sem_alloc : memref<!tpu.dma_semaphore, #tpu.memory_space<semaphore_mem>>
      %dma_start3A_378 = arith.constant 0 : i32
      %dma_start3A_379 = tpu.memref_slice %arg8[%run_scoped3A_369, %dma_start3A_378] : memref<2x128xi32, #tpu.memory_space<vmem>> -> memref<1x128xi32, #tpu.memory_space<vmem>>
      %dma_start3A_380 = tpu.memref_squeeze %dma_start3A_379 : memref<1x128xi32, #tpu.memory_space<vmem>> -> memref<128xi32, #tpu.memory_space<vmem>>
      %dma_start3A_381 = arith.constant 0 : i32
      %dma_start3A_382 = arith.constant 0 : i32
      %dma_start3A_383 = tpu.memref_slice %arg15[%dma_start3A_381, %dma_start3A_382] : memref<10240x128xf32, #tpu.memory_space<vmem_shared>> -> memref<10240x128xf32, #tpu.memory_space<vmem_shared>>
      tpu.enqueue_indirect_dma source(%arg12 : memref<128x128xf32, #tpu.memory_space<vmem>>) target(%dma_start3A_383 : memref<10240x128xf32, #tpu.memory_space<vmem_shared>>) offsets(%dma_start3A_380 : memref<128xi32, #tpu.memory_space<vmem>>) semaphore(%run_scoped3A_377 : memref<!tpu.dma_semaphore, #tpu.memory_space<semaphore_mem>>) {add = true}
      %dma_wait3A_384 = arith.constant 0 : i32
      %dma_wait3A_385 = tpu.memref_slice %arg8[%run_scoped3A_369, %dma_wait3A_384] : memref<2x128xi32, #tpu.memory_space<vmem>> -> memref<1x128xi32, #tpu.memory_space<vmem>>
      %dma_wait3A_386 = tpu.memref_squeeze %dma_wait3A_385 : memref<1x128xi32, #tpu.memory_space<vmem>> -> memref<128xi32, #tpu.memory_space<vmem>>
      %dma_wait3A_387 = arith.constant 0 : i32
      %dma_wait3A_388 = arith.constant 0 : i32
      %dma_wait3A_389 = tpu.memref_slice %arg15[%dma_wait3A_387, %dma_wait3A_388] : memref<10240x128xf32, #tpu.memory_space<vmem_shared>> -> memref<10240x128xf32, #tpu.memory_space<vmem_shared>>
      tpu.wait_indirect_dma semaphore(%run_scoped3A_377 : memref<!tpu.dma_semaphore, #tpu.memory_space<semaphore_mem>>) src(%arg12 : memref<128x128xf32, #tpu.memory_space<vmem>>) dst(%dma_wait3A_389 : memref<10240x128xf32, #tpu.memory_space<vmem_shared>>)
      tpu.yield
    }) : () -> ()
    %run_scoped3A_370 = arith.constant 1 : i32
    "tpu.region"() ({
      %run_scoped3A_377 = tpu.sem_alloc : memref<!tpu.dma_semaphore, #tpu.memory_space<semaphore_mem>>
      %dma_start3A_378 = arith.constant 0 : i32
      %dma_start3A_379 = tpu.memref_slice %arg8[%run_scoped3A_370, %dma_start3A_378] : memref<2x128xi32, #tpu.memory_space<vmem>> -> memref<1x128xi32, #tpu.memory_space<vmem>>
      %dma_start3A_380 = tpu.memref_squeeze %dma_start3A_379 : memref<1x128xi32, #tpu.memory_space<vmem>> -> memref<128xi32, #tpu.memory_space<vmem>>
      %dma_start3A_381 = arith.constant 0 : i32
      %dma_start3A_382 = tpu.memref_slice %arg16[%dma_start3A_381] : memref<10240xf32, #tpu.memory_space<vmem_shared>> -> memref<10240xf32, #tpu.memory_space<vmem_shared>>
      tpu.enqueue_indirect_dma source(%arg13 : memref<128xf32, #tpu.memory_space<vmem>>) target(%dma_start3A_382 : memref<10240xf32, #tpu.memory_space<vmem_shared>>) offsets(%dma_start3A_380 : memref<128xi32, #tpu.memory_space<vmem>>) semaphore(%run_scoped3A_377 : memref<!tpu.dma_semaphore, #tpu.memory_space<semaphore_mem>>) {add = true}
      %dma_wait3A_383 = arith.constant 0 : i32
      %dma_wait3A_384 = tpu.memref_slice %arg8[%run_scoped3A_370, %dma_wait3A_383] : memref<2x128xi32, #tpu.memory_space<vmem>> -> memref<1x128xi32, #tpu.memory_space<vmem>>
      %dma_wait3A_385 = tpu.memref_squeeze %dma_wait3A_384 : memref<1x128xi32, #tpu.memory_space<vmem>> -> memref<128xi32, #tpu.memory_space<vmem>>
      %dma_wait3A_386 = arith.constant 0 : i32
      %dma_wait3A_387 = tpu.memref_slice %arg16[%dma_wait3A_386] : memref<10240xf32, #tpu.memory_space<vmem_shared>> -> memref<10240xf32, #tpu.memory_space<vmem_shared>>
      tpu.wait_indirect_dma semaphore(%run_scoped3A_377 : memref<!tpu.dma_semaphore, #tpu.memory_space<semaphore_mem>>) src(%arg13 : memref<128xf32, #tpu.memory_space<vmem>>) dst(%dma_wait3A_387 : memref<10240xf32, #tpu.memory_space<vmem_shared>>)
      tpu.yield
    }) : () -> ()
    %lt3A = arith.constant 4 : i32
    %lt3A_371 = arith.cmpi slt, %add3A, %lt3A : i32
    %convert_element_type3A = arith.extui %lt3A_371 : i1 to i32
    %cond3A = arith.constant 0 : i32
    %cond3A_372 = arith.cmpi ne, %convert_element_type3A, %cond3A : i32
    scf.if %cond3A_372 {
      %add3A_377 = arith.constant 2496 : i32
      %add3A_378 = arith.addi %add3A_377, %add3A : i32
      %mul3A_379 = arith.constant 128 : i32
      %mul3A_380 = arith.muli %add3A_378, %mul3A_379 : i32
      "tpu.region"() ({
        %run_scoped3A_397 = tpu.sem_alloc : memref<!tpu.dma_semaphore, #tpu.memory_space<semaphore_mem>>
        %dma_start3A_398 = arith.constant 0 : i32
        %dma_start3A_399 = tpu.memref_slice %arg3[%dma_start3A_398, %mul3A_380] : memref<2x320000xi32, #tpu.memory_space<hbm>> -> memref<2x128xi32, #tpu.memory_space<hbm>>
        %dma_start3A_400 = arith.constant 0 : i32
        %dma_start3A_401 = tpu.memref_slice %arg3[%dma_start3A_400, %mul3A_380] : memref<2x320000xi32, #tpu.memory_space<hbm>> -> memref<2x128xi32, #tpu.memory_space<hbm>>
        tpu.enqueue_dma source(%dma_start3A_401 : memref<2x128xi32, #tpu.memory_space<hbm>>) target(%arg7 : memref<2x128xi32, #tpu.memory_space<vmem>>) target_semaphore(%run_scoped3A_397 : memref<!tpu.dma_semaphore, #tpu.memory_space<semaphore_mem>>)
        %dma_wait3A_402 = arith.constant 0 : i32
        %dma_wait3A_403 = tpu.memref_slice %arg3[%dma_wait3A_402, %mul3A_380] : memref<2x320000xi32, #tpu.memory_space<hbm>> -> memref<2x128xi32, #tpu.memory_space<hbm>>
        %dma_wait3A_404 = arith.constant 0 : i32
        %dma_wait3A_405 = tpu.memref_slice %arg3[%dma_wait3A_404, %mul3A_380] : memref<2x320000xi32, #tpu.memory_space<hbm>> -> memref<2x128xi32, #tpu.memory_space<hbm>>
        tpu.wait_dma2 semaphore(%run_scoped3A_397 : memref<!tpu.dma_semaphore, #tpu.memory_space<semaphore_mem>>) src(%dma_wait3A_405 : memref<2x128xi32, #tpu.memory_space<hbm>>) dst(%arg7 : memref<2x128xi32, #tpu.memory_space<vmem>>)
        tpu.yield
      }) : () -> ()
      %dma_start3A_381 = arith.constant 0 : i32
      %dma_start3A_382 = arith.constant 0 : i32
      %dma_start3A_383 = tpu.memref_slice %arg7[%dma_start3A_381, %dma_start3A_382] : memref<2x128xi32, #tpu.memory_space<vmem>> -> memref<1x128xi32, #tpu.memory_space<vmem>>
      %dma_start3A_384 = tpu.memref_squeeze %dma_start3A_383 : memref<1x128xi32, #tpu.memory_space<vmem>> -> memref<128xi32, #tpu.memory_space<vmem>>
      %dma_start3A_385 = arith.constant 0 : i32
      %dma_start3A_386 = arith.constant 0 : i32
      %dma_start3A_387 = tpu.memref_slice %arg2[%dma_start3A_385, %dma_start3A_386] : memref<10000x128xf32, #tpu.memory_space<hbm>> -> memref<10000x128xf32, #tpu.memory_space<hbm>>
      tpu.enqueue_indirect_dma source(%dma_start3A_387 : memref<10000x128xf32, #tpu.memory_space<hbm>>) target(%arg11 : memref<128x128xf32, #tpu.memory_space<vmem>>) offsets(%dma_start3A_384 : memref<128xi32, #tpu.memory_space<vmem>>) semaphore(%arg17 : memref<!tpu.dma_semaphore, #tpu.memory_space<semaphore_mem>>)
      %dma_wait3A_388 = arith.constant 0 : i32
      %dma_wait3A_389 = arith.constant 0 : i32
      %dma_wait3A_390 = tpu.memref_slice %arg7[%dma_wait3A_388, %dma_wait3A_389] : memref<2x128xi32, #tpu.memory_space<vmem>> -> memref<1x128xi32, #tpu.memory_space<vmem>>
      %dma_wait3A_391 = tpu.memref_squeeze %dma_wait3A_390 : memref<1x128xi32, #tpu.memory_space<vmem>> -> memref<128xi32, #tpu.memory_space<vmem>>
      %dma_wait3A_392 = arith.constant 0 : i32
      %dma_wait3A_393 = arith.constant 0 : i32
      %dma_wait3A_394 = tpu.memref_slice %arg2[%dma_wait3A_392, %dma_wait3A_393] : memref<10000x128xf32, #tpu.memory_space<hbm>> -> memref<10000x128xf32, #tpu.memory_space<hbm>>
      tpu.wait_indirect_dma semaphore(%arg17 : memref<!tpu.dma_semaphore, #tpu.memory_space<semaphore_mem>>) src(%dma_wait3A_394 : memref<10000x128xf32, #tpu.memory_space<hbm>>) dst(%arg11 : memref<128x128xf32, #tpu.memory_space<vmem>>)
      %run_scoped3A_395 = arith.constant 1 : i32
      "tpu.region"() ({
        %run_scoped3A_397 = tpu.sem_alloc : memref<!tpu.dma_semaphore, #tpu.memory_space<semaphore_mem>>
        %dma_start3A_398 = arith.constant 0 : i32
        %dma_start3A_399 = tpu.memref_slice %arg7[%run_scoped3A_395, %dma_start3A_398] : memref<2x128xi32, #tpu.memory_space<vmem>> -> memref<1x128xi32, #tpu.memory_space<vmem>>
        %dma_start3A_400 = tpu.memref_squeeze %dma_start3A_399 : memref<1x128xi32, #tpu.memory_space<vmem>> -> memref<128xi32, #tpu.memory_space<vmem>>
        %dma_start3A_401 = arith.constant 0 : i32
        %dma_start3A_402 = arith.constant 0 : i32
        %dma_start3A_403 = tpu.memref_slice %arg15[%dma_start3A_401, %dma_start3A_402] : memref<10240x128xf32, #tpu.memory_space<vmem_shared>> -> memref<10240x128xf32, #tpu.memory_space<vmem_shared>>
        tpu.enqueue_indirect_dma source(%arg11 : memref<128x128xf32, #tpu.memory_space<vmem>>) target(%dma_start3A_403 : memref<10240x128xf32, #tpu.memory_space<vmem_shared>>) offsets(%dma_start3A_400 : memref<128xi32, #tpu.memory_space<vmem>>) semaphore(%run_scoped3A_397 : memref<!tpu.dma_semaphore, #tpu.memory_space<semaphore_mem>>) {add = true}
        %dma_wait3A_404 = arith.constant 0 : i32
        %dma_wait3A_405 = tpu.memref_slice %arg7[%run_scoped3A_395, %dma_wait3A_404] : memref<2x128xi32, #tpu.memory_space<vmem>> -> memref<1x128xi32, #tpu.memory_space<vmem>>
        %dma_wait3A_406 = tpu.memref_squeeze %dma_wait3A_405 : memref<1x128xi32, #tpu.memory_space<vmem>> -> memref<128xi32, #tpu.memory_space<vmem>>
        %dma_wait3A_407 = arith.constant 0 : i32
        %dma_wait3A_408 = arith.constant 0 : i32
        %dma_wait3A_409 = tpu.memref_slice %arg15[%dma_wait3A_407, %dma_wait3A_408] : memref<10240x128xf32, #tpu.memory_space<vmem_shared>> -> memref<10240x128xf32, #tpu.memory_space<vmem_shared>>
        tpu.wait_indirect_dma semaphore(%run_scoped3A_397 : memref<!tpu.dma_semaphore, #tpu.memory_space<semaphore_mem>>) src(%arg11 : memref<128x128xf32, #tpu.memory_space<vmem>>) dst(%dma_wait3A_409 : memref<10240x128xf32, #tpu.memory_space<vmem_shared>>)
        tpu.yield
      }) : () -> ()
      %run_scoped3A_396 = arith.constant 1 : i32
      "tpu.region"() ({
        %run_scoped3A_397 = tpu.sem_alloc : memref<!tpu.dma_semaphore, #tpu.memory_space<semaphore_mem>>
        %dma_start3A_398 = arith.constant 0 : i32
        %dma_start3A_399 = tpu.memref_slice %arg7[%run_scoped3A_396, %dma_start3A_398] : memref<2x128xi32, #tpu.memory_space<vmem>> -> memref<1x128xi32, #tpu.memory_space<vmem>>
        %dma_start3A_400 = tpu.memref_squeeze %dma_start3A_399 : memref<1x128xi32, #tpu.memory_space<vmem>> -> memref<128xi32, #tpu.memory_space<vmem>>
        %dma_start3A_401 = arith.constant 0 : i32
        %dma_start3A_402 = tpu.memref_slice %arg16[%dma_start3A_401] : memref<10240xf32, #tpu.memory_space<vmem_shared>> -> memref<10240xf32, #tpu.memory_space<vmem_shared>>
        tpu.enqueue_indirect_dma source(%arg13 : memref<128xf32, #tpu.memory_space<vmem>>) target(%dma_start3A_402 : memref<10240xf32, #tpu.memory_space<vmem_shared>>) offsets(%dma_start3A_400 : memref<128xi32, #tpu.memory_space<vmem>>) semaphore(%run_scoped3A_397 : memref<!tpu.dma_semaphore, #tpu.memory_space<semaphore_mem>>) {add = true}
        %dma_wait3A_403 = arith.constant 0 : i32
        %dma_wait3A_404 = tpu.memref_slice %arg7[%run_scoped3A_396, %dma_wait3A_403] : memref<2x128xi32, #tpu.memory_space<vmem>> -> memref<1x128xi32, #tpu.memory_space<vmem>>
        %dma_wait3A_405 = tpu.memref_squeeze %dma_wait3A_404 : memref<1x128xi32, #tpu.memory_space<vmem>> -> memref<128xi32, #tpu.memory_space<vmem>>
        %dma_wait3A_406 = arith.constant 0 : i32
        %dma_wait3A_407 = tpu.memref_slice %arg16[%dma_wait3A_406] : memref<10240xf32, #tpu.memory_space<vmem_shared>> -> memref<10240xf32, #tpu.memory_space<vmem_shared>>
        tpu.wait_indirect_dma semaphore(%run_scoped3A_397 : memref<!tpu.dma_semaphore, #tpu.memory_space<semaphore_mem>>) src(%arg13 : memref<128xf32, #tpu.memory_space<vmem>>) dst(%dma_wait3A_407 : memref<10240xf32, #tpu.memory_space<vmem_shared>>)
        tpu.yield
      }) : () -> ()
    } else {
    }
    %barrier3A_373 = arith.constant 0 : index
    tpu.barrier barrier_id(%barrier3A_373)
    "tpu.region"() ({
      %run_scoped3A_377 = tpu.sem_alloc : memref<!tpu.dma_semaphore, #tpu.memory_space<semaphore_mem>>
      %dma_start3A_378 = arith.constant 0 : i32
      %dma_start3A_379 = tpu.memref_slice %arg5[%arg0, %mul3A_2, %dma_start3A_378] : memref<2x10240x128xf32, #tpu.memory_space<hbm>> -> memref<1x640x128xf32, #tpu.memory_space<hbm>>
      %dma_start3A_380 = tpu.memref_squeeze %dma_start3A_379 : memref<1x640x128xf32, #tpu.memory_space<hbm>> -> memref<640x128xf32, #tpu.memory_space<hbm>>
      %dma_start3A_381 = arith.constant 0 : i32
      %dma_start3A_382 = tpu.memref_slice %arg15[%mul3A_2, %dma_start3A_381] : memref<10240x128xf32, #tpu.memory_space<vmem_shared>> -> memref<640x128xf32, #tpu.memory_space<vmem_shared>>
      tpu.enqueue_dma source(%dma_start3A_382 : memref<640x128xf32, #tpu.memory_space<vmem_shared>>) target(%dma_start3A_380 : memref<640x128xf32, #tpu.memory_space<hbm>>) target_semaphore(%run_scoped3A_377 : memref<!tpu.dma_semaphore, #tpu.memory_space<semaphore_mem>>)
      %dma_wait3A_383 = arith.constant 0 : i32
      %dma_wait3A_384 = tpu.memref_slice %arg5[%arg0, %mul3A_2, %dma_wait3A_383] : memref<2x10240x128xf32, #tpu.memory_space<hbm>> -> memref<1x640x128xf32, #tpu.memory_space<hbm>>
      %dma_wait3A_385 = tpu.memref_squeeze %dma_wait3A_384 : memref<1x640x128xf32, #tpu.memory_space<hbm>> -> memref<640x128xf32, #tpu.memory_space<hbm>>
      %dma_wait3A_386 = arith.constant 0 : i32
      %dma_wait3A_387 = tpu.memref_slice %arg15[%mul3A_2, %dma_wait3A_386] : memref<10240x128xf32, #tpu.memory_space<vmem_shared>> -> memref<640x128xf32, #tpu.memory_space<vmem_shared>>
      tpu.wait_dma2 semaphore(%run_scoped3A_377 : memref<!tpu.dma_semaphore, #tpu.memory_space<semaphore_mem>>) src(%dma_wait3A_387 : memref<640x128xf32, #tpu.memory_space<vmem_shared>>) dst(%dma_wait3A_385 : memref<640x128xf32, #tpu.memory_space<hbm>>)
      tpu.yield
    }) : () -> ()
    "tpu.region"() ({
      %run_scoped3A_377 = tpu.sem_alloc : memref<!tpu.dma_semaphore, #tpu.memory_space<semaphore_mem>>
      %dma_start3A_378 = tpu.memref_slice %arg16[%mul3A_2] : memref<10240xf32, #tpu.memory_space<vmem_shared>> -> memref<640xf32, #tpu.memory_space<vmem_shared>>
      %dma_start3A_379 = tpu.memref_slice %arg16[%mul3A_2] : memref<10240xf32, #tpu.memory_space<vmem_shared>> -> memref<640xf32, #tpu.memory_space<vmem_shared>>
      tpu.enqueue_dma source(%dma_start3A_379 : memref<640xf32, #tpu.memory_space<vmem_shared>>) target(%arg14 : memref<640xf32, #tpu.memory_space<vmem>>) target_semaphore(%run_scoped3A_377 : memref<!tpu.dma_semaphore, #tpu.memory_space<semaphore_mem>>)
      %dma_wait3A_380 = tpu.memref_slice %arg16[%mul3A_2] : memref<10240xf32, #tpu.memory_space<vmem_shared>> -> memref<640xf32, #tpu.memory_space<vmem_shared>>
      %dma_wait3A_381 = tpu.memref_slice %arg16[%mul3A_2] : memref<10240xf32, #tpu.memory_space<vmem_shared>> -> memref<640xf32, #tpu.memory_space<vmem_shared>>
      tpu.wait_dma2 semaphore(%run_scoped3A_377 : memref<!tpu.dma_semaphore, #tpu.memory_space<semaphore_mem>>) src(%dma_wait3A_381 : memref<640xf32, #tpu.memory_space<vmem_shared>>) dst(%arg14 : memref<640xf32, #tpu.memory_space<vmem>>)
      tpu.yield
    }) : () -> ()
    %mul3A_374 = arith.constant 10240 : i32
    %mul3A_375 = arith.muli %arg0, %mul3A_374 : i32
    %add3A_376 = arith.addi %mul3A_375, %mul3A_2 : i32
    "tpu.region"() ({
      %run_scoped3A_377 = tpu.sem_alloc : memref<!tpu.dma_semaphore, #tpu.memory_space<semaphore_mem>>
      %dma_start3A_378 = tpu.memref_slice %arg6[%add3A_376] : memref<20480xf32, #tpu.memory_space<hbm>> -> memref<640xf32, #tpu.memory_space<hbm>>
      %dma_start3A_379 = tpu.memref_slice %arg6[%add3A_376] : memref<20480xf32, #tpu.memory_space<hbm>> -> memref<640xf32, #tpu.memory_space<hbm>>
      tpu.enqueue_dma source(%arg14 : memref<640xf32, #tpu.memory_space<vmem>>) target(%dma_start3A_379 : memref<640xf32, #tpu.memory_space<hbm>>) target_semaphore(%run_scoped3A_377 : memref<!tpu.dma_semaphore, #tpu.memory_space<semaphore_mem>>)
      %dma_wait3A_380 = tpu.memref_slice %arg6[%add3A_376] : memref<20480xf32, #tpu.memory_space<hbm>> -> memref<640xf32, #tpu.memory_space<hbm>>
      %dma_wait3A_381 = tpu.memref_slice %arg6[%add3A_376] : memref<20480xf32, #tpu.memory_space<hbm>> -> memref<640xf32, #tpu.memory_space<hbm>>
      tpu.wait_dma2 semaphore(%run_scoped3A_377 : memref<!tpu.dma_semaphore, #tpu.memory_space<semaphore_mem>>) src(%arg14 : memref<640xf32, #tpu.memory_space<vmem>>) dst(%dma_wait3A_381 : memref<640xf32, #tpu.memory_space<hbm>>)
      tpu.yield
    }) : () -> ()
    return
  }
}

module attributes {stable_mosaic.version = 14 : i64} {
  func.func @_matmul_body(%arg0: i32, %arg1: memref<2000x128xf32, #tpu.memory_space<vmem>>, %arg2: memref<128x128xf32, #tpu.memory_space<vmem>>, %arg3: memref<2000x128xf32, #tpu.memory_space<vmem>>) attributes {dimension_semantics = [#tpu.dimension_semantics<arbitrary>], iteration_bounds = array<i64: 5>, scalar_prefetch = 0 : i64, scratch_operands = 0 : i64, tpu.core_type = #tpu.core_type<tc>, window_params = [{transform_indices = @transform_0, window_bounds = array<i64: 2000, 128>}, {pipeline_mode = #tpu.pipeline_mode<synchronous>, transform_indices = @transform_1, window_bounds = array<i64: 128, 128>}, {transform_indices = @transform_2, window_bounds = array<i64: 2000, 128>}]} {
    %get3A = arith.constant 0 : index
    %get3A_0 = arith.constant 0 : index
    %get3A_1 = vector.load %arg1[%get3A, %get3A_0] : memref<2000x128xf32, #tpu.memory_space<vmem>>, vector<2000x128xf32>
    %get3A_2 = arith.constant 0 : index
    %get3A_3 = arith.constant 0 : index
    %get3A_4 = vector.load %arg2[%get3A_2, %get3A_3] : memref<128x128xf32, #tpu.memory_space<vmem>>, vector<128x128xf32>
    %dot_general3A = arith.constant dense<0.000000e+00> : vector<2000x128xf32>
    %dot_general3A_5 = tpu.matmul %get3A_1, %get3A_4, %dot_general3A {dimension_numbers = #tpu.dot_dimension_numbers<[1], [0], [0], [1], [0, 0, 1, 1], [], []>, transpose_lhs_hint = false} : vector<2000x128xf32>, vector<128x128xf32>, vector<2000x128xf32> -> vector<2000x128xf32>
    %swap3A = arith.constant 0 : index
    %swap3A_6 = arith.constant 0 : index
    %swap3A_7 = vector.load %arg3[%swap3A, %swap3A_6] : memref<2000x128xf32, #tpu.memory_space<vmem>>, vector<2000x128xf32>
    tpu.vector_store %arg3[%swap3A, %swap3A_6], %dot_general3A_5 {strides = array<i32>} : memref<2000x128xf32, #tpu.memory_space<vmem>>, vector<2000x128xf32>,
    return
  }
  func.func @transform_0(%arg0: i32) -> (i32, i32) {
    %c0_i32 = arith.constant 0 : i32
    %c0_i32_0 = arith.constant 0 : i32
    return %arg0, %c0_i32 : i32, i32
  }
  func.func @transform_1(%arg0: i32) -> (i32, i32) {
    %c0_i32 = arith.constant 0 : i32
    %c0_i32_0 = arith.constant 0 : i32
    %c0_i32_1 = arith.constant 0 : i32
    return %c0_i32, %c0_i32_0 : i32, i32
  }
  func.func @transform_2(%arg0: i32) -> (i32, i32) {
    %c0_i32 = arith.constant 0 : i32
    %c0_i32_0 = arith.constant 0 : i32
    return %arg0, %c0_i32 : i32, i32
  }
}

module attributes {stable_mosaic.version = 14 : i64} {
  func.func @_mid_body(%arg0: i32, %arg1: memref<1x2000x128xf32, #tpu.memory_space<vmem>>, %arg2: memref<1x2000x128xf32, #tpu.memory_space<vmem>>, %arg3: memref<2000x1xf32, #tpu.memory_space<vmem>>, %arg4: memref<1x128xf32, #tpu.memory_space<vmem>>, %arg5: memref<128x128xf32, #tpu.memory_space<vmem>>, %arg6: memref<2000x128xf32, #tpu.memory_space<vmem>>) attributes {dimension_semantics = [#tpu.dimension_semantics<arbitrary>], iteration_bounds = array<i64: 5>, scalar_prefetch = 0 : i64, scratch_operands = 0 : i64, tpu.core_type = #tpu.core_type<tc>, window_params = [{transform_indices = @transform_0, window_bounds = array<i64: 1, 2000, 128>}, {transform_indices = @transform_1, window_bounds = array<i64: 1, 2000, 128>}, {transform_indices = @transform_2, window_bounds = array<i64: 2000, 1>}, {pipeline_mode = #tpu.pipeline_mode<synchronous>, transform_indices = @transform_3, window_bounds = array<i64: 1, 128>}, {pipeline_mode = #tpu.pipeline_mode<synchronous>, transform_indices = @transform_4, window_bounds = array<i64: 128, 128>}, {transform_indices = @transform_5, window_bounds = array<i64: 2000, 128>}]} {
    %get3A = arith.constant 0 : index
    %get3A_0 = arith.constant 0 : index
    %get3A_1 = arith.constant 0 : index
    %get3A_2 = vector.load %arg1[%get3A, %get3A_0, %get3A_1] : memref<1x2000x128xf32, #tpu.memory_space<vmem>>, vector<1x2000x128xf32>
    %get3A_3 = vector.shape_cast %get3A_2 : vector<1x2000x128xf32> to vector<2000x128xf32>
    %get3A_4 = arith.constant 0 : index
    %get3A_5 = arith.constant 0 : index
    %get3A_6 = arith.constant 0 : index
    %get3A_7 = vector.load %arg2[%get3A_4, %get3A_5, %get3A_6] : memref<1x2000x128xf32, #tpu.memory_space<vmem>>, vector<1x2000x128xf32>
    %get3A_8 = vector.shape_cast %get3A_7 : vector<1x2000x128xf32> to vector<2000x128xf32>
    %add3A = arith.addf %get3A_3, %get3A_8 : vector<2000x128xf32>
    %get3A_9 = arith.constant 0 : index
    %get3A_10 = arith.constant 0 : index
    %get3A_11 = vector.load %arg3[%get3A_9, %get3A_10] : memref<2000x1xf32, #tpu.memory_space<vmem>>, vector<2000x1xf32>
    %mul3A = vector.broadcast %get3A_11 : vector<2000x1xf32> to vector<2000x128xf32>
    %mul3A_12 = arith.mulf %add3A, %mul3A : vector<2000x128xf32>
    %get3A_13 = arith.constant 0 : index
    %get3A_14 = arith.constant 0 : index
    %get3A_15 = vector.load %arg4[%get3A_13, %get3A_14] : memref<1x128xf32, #tpu.memory_space<vmem>>, vector<1x128xf32>
    %add3A_16 = vector.broadcast %get3A_15 : vector<1x128xf32> to vector<2000x128xf32>
    %add3A_17 = arith.addf %mul3A_12, %add3A_16 : vector<2000x128xf32>
    %ge3A = arith.constant 0.000000e+00 : f32
    %ge3A_18 = vector.broadcast %ge3A : f32 to vector<2000x128xf32>
    %ge3A_19 = arith.cmpf oge, %add3A_17, %ge3A_18 : vector<2000x128xf32>
    %mul3A_20 = arith.constant 0.00999999977 : f32
    %mul3A_21 = vector.broadcast %mul3A_20 : f32 to vector<2000x128xf32>
    %mul3A_22 = arith.mulf %mul3A_21, %add3A_17 : vector<2000x128xf32>
    %select_n3A = arith.select %ge3A_19, %add3A_17, %mul3A_22 : vector<2000x128xi1>, vector<2000x128xf32>
    %get3A_23 = arith.constant 0 : index
    %get3A_24 = arith.constant 0 : index
    %get3A_25 = vector.load %arg5[%get3A_23, %get3A_24] : memref<128x128xf32, #tpu.memory_space<vmem>>, vector<128x128xf32>
    %dot_general3A = arith.constant dense<0.000000e+00> : vector<2000x128xf32>
    %dot_general3A_26 = tpu.matmul %select_n3A, %get3A_25, %dot_general3A {dimension_numbers = #tpu.dot_dimension_numbers<[1], [0], [0], [1], [0, 0, 1, 1], [], []>, transpose_lhs_hint = false} : vector<2000x128xf32>, vector<128x128xf32>, vector<2000x128xf32> -> vector<2000x128xf32>
    %swap3A = arith.constant 0 : index
    %swap3A_27 = arith.constant 0 : index
    %swap3A_28 = vector.load %arg6[%swap3A, %swap3A_27] : memref<2000x128xf32, #tpu.memory_space<vmem>>, vector<2000x128xf32>
    tpu.vector_store %arg6[%swap3A, %swap3A_27], %dot_general3A_26 {strides = array<i32>} : memref<2000x128xf32, #tpu.memory_space<vmem>>, vector<2000x128xf32>,
    return
  }
  func.func @transform_0(%arg0: i32) -> (i32, i32, i32) {
    %c0_i32 = arith.constant 0 : i32
    %c0_i32_0 = arith.constant 0 : i32
    %c0_i32_1 = arith.constant 0 : i32
    return %c0_i32, %arg0, %c0_i32_0 : i32, i32, i32
  }
  func.func @transform_1(%arg0: i32) -> (i32, i32, i32) {
    %c1_i32 = arith.constant 1 : i32
    %c0_i32 = arith.constant 0 : i32
    %c0_i32_0 = arith.constant 0 : i32
    return %c1_i32, %arg0, %c0_i32 : i32, i32, i32
  }
  func.func @transform_2(%arg0: i32) -> (i32, i32) {
    %c0_i32 = arith.constant 0 : i32
    %c0_i32_0 = arith.constant 0 : i32
    return %arg0, %c0_i32 : i32, i32
  }
  func.func @transform_3(%arg0: i32) -> (i32, i32) {
    %c0_i32 = arith.constant 0 : i32
    %c0_i32_0 = arith.constant 0 : i32
    %c0_i32_1 = arith.constant 0 : i32
    return %c0_i32, %c0_i32_0 : i32, i32
  }
  func.func @transform_4(%arg0: i32) -> (i32, i32) {
    %c0_i32 = arith.constant 0 : i32
    %c0_i32_0 = arith.constant 0 : i32
    %c0_i32_1 = arith.constant 0 : i32
    return %c0_i32, %c0_i32_0 : i32, i32
  }
  func.func @transform_5(%arg0: i32) -> (i32, i32) {
    %c0_i32 = arith.constant 0 : i32
    %c0_i32_0 = arith.constant 0 : i32
    return %arg0, %c0_i32 : i32, i32
  }
}

module attributes {stable_mosaic.version = 14 : i64} {
  func.func @_fin_body(%arg0: i32, %arg1: memref<1x2000x128xf32, #tpu.memory_space<vmem>>, %arg2: memref<1x2000x128xf32, #tpu.memory_space<vmem>>, %arg3: memref<2000x1xf32, #tpu.memory_space<vmem>>, %arg4: memref<1x128xf32, #tpu.memory_space<vmem>>, %arg5: memref<2000x128xf32, #tpu.memory_space<vmem>>) attributes {dimension_semantics = [#tpu.dimension_semantics<arbitrary>], iteration_bounds = array<i64: 5>, scalar_prefetch = 0 : i64, scratch_operands = 0 : i64, tpu.core_type = #tpu.core_type<tc>, window_params = [{transform_indices = @transform_0, window_bounds = array<i64: 1, 2000, 128>}, {transform_indices = @transform_1, window_bounds = array<i64: 1, 2000, 128>}, {transform_indices = @transform_2, window_bounds = array<i64: 2000, 1>}, {pipeline_mode = #tpu.pipeline_mode<synchronous>, transform_indices = @transform_3, window_bounds = array<i64: 1, 128>}, {transform_indices = @transform_4, window_bounds = array<i64: 2000, 128>}]} {
    %get3A = arith.constant 0 : index
    %get3A_0 = arith.constant 0 : index
    %get3A_1 = arith.constant 0 : index
    %get3A_2 = vector.load %arg1[%get3A, %get3A_0, %get3A_1] : memref<1x2000x128xf32, #tpu.memory_space<vmem>>, vector<1x2000x128xf32>
    %get3A_3 = vector.shape_cast %get3A_2 : vector<1x2000x128xf32> to vector<2000x128xf32>
    %get3A_4 = arith.constant 0 : index
    %get3A_5 = arith.constant 0 : index
    %get3A_6 = arith.constant 0 : index
    %get3A_7 = vector.load %arg2[%get3A_4, %get3A_5, %get3A_6] : memref<1x2000x128xf32, #tpu.memory_space<vmem>>, vector<1x2000x128xf32>
    %get3A_8 = vector.shape_cast %get3A_7 : vector<1x2000x128xf32> to vector<2000x128xf32>
    %add3A = arith.addf %get3A_3, %get3A_8 : vector<2000x128xf32>
    %get3A_9 = arith.constant 0 : index
    %get3A_10 = arith.constant 0 : index
    %get3A_11 = vector.load %arg3[%get3A_9, %get3A_10] : memref<2000x1xf32, #tpu.memory_space<vmem>>, vector<2000x1xf32>
    %mul3A = vector.broadcast %get3A_11 : vector<2000x1xf32> to vector<2000x128xf32>
    %mul3A_12 = arith.mulf %add3A, %mul3A : vector<2000x128xf32>
    %get3A_13 = arith.constant 0 : index
    %get3A_14 = arith.constant 0 : index
    %get3A_15 = vector.load %arg4[%get3A_13, %get3A_14] : memref<1x128xf32, #tpu.memory_space<vmem>>, vector<1x128xf32>
    %add3A_16 = vector.broadcast %get3A_15 : vector<1x128xf32> to vector<2000x128xf32>
    %add3A_17 = arith.addf %mul3A_12, %add3A_16 : vector<2000x128xf32>
    %swap3A = arith.constant 0 : index
    %swap3A_18 = arith.constant 0 : index
    %swap3A_19 = vector.load %arg5[%swap3A, %swap3A_18] : memref<2000x128xf32, #tpu.memory_space<vmem>>, vector<2000x128xf32>
    tpu.vector_store %arg5[%swap3A, %swap3A_18], %add3A_17 {strides = array<i32>} : memref<2000x128xf32, #tpu.memory_space<vmem>>, vector<2000x128xf32>,
    return
  }
  func.func @transform_0(%arg0: i32) -> (i32, i32, i32) {
    %c0_i32 = arith.constant 0 : i32
    %c0_i32_0 = arith.constant 0 : i32
    %c0_i32_1 = arith.constant 0 : i32
    return %c0_i32, %arg0, %c0_i32_0 : i32, i32, i32
  }
  func.func @transform_1(%arg0: i32) -> (i32, i32, i32) {
    %c1_i32 = arith.constant 1 : i32
    %c0_i32 = arith.constant 0 : i32
    %c0_i32_0 = arith.constant 0 : i32
    return %c1_i32, %arg0, %c0_i32 : i32, i32, i32
  }
  func.func @transform_2(%arg0: i32) -> (i32, i32) {
    %c0_i32 = arith.constant 0 : i32
    %c0_i32_0 = arith.constant 0 : i32
    return %arg0, %c0_i32 : i32, i32
  }
  func.func @transform_3(%arg0: i32) -> (i32, i32) {
    %c0_i32 = arith.constant 0 : i32
    %c0_i32_0 = arith.constant 0 : i32
    %c0_i32_1 = arith.constant 0 : i32
    return %c0_i32, %c0_i32_0 : i32, i32
  }
  func.func @transform_4(%arg0: i32) -> (i32, i32) {
    %c0_i32 = arith.constant 0 : i32
    %c0_i32_0 = arith.constant 0 : i32
    return %arg0, %c0_i32 : i32, i32
  }
}

</mosaic_0001>

<sc_bundles>
// kernel: kernel.10.cloned.1.call-start
scs
__scs_entry_jumppad:
0x0: {  	(pc) =	sbr.rel $0x88, $3  }
0x1: {  	(tag) =	ssettag $0x0;
	lr =	simm.s32 $0x1  }
0x2: {  	[smem:$0x3F9B] =	sst lr;
	_ =	strace $0xD0000000  }
0x3: {  	_ = 	snop  }
0x4: {  	_ = 	snop  }
0x5: {  	_ = 	snop  }
0x6: {  	_ = 	snop  }
0x7: {  	_ = 	snop  }
__scs_overlays_trampoline_lowered:
0x8: {  	[smem:$0x3FAA] =	sst s0  }
0x9: {  	[smem:$0x3FAB] =	sst s1  }
0xa: {  	[smem:$0x3FAC] =	sst s2  }
0xb: {  	[smem:$0x3FAD] =	sst s3  }
0xc: {  	[smem:$0x3FAE] =	sst s4  }
0xd: {  	[smem:$0x3FAF] =	sst s5  }
0xe: {  	[smem:$0x3FB0] =	sst s6  }
0xf: {  	[smem:$0x3FB1] =	sst s7  }
0x10: {  	[smem:$0x3FB2] =	sst s8  }
0x11: {  	[smem:$0x3FB3] =	sst s9;
	s0 =	simm.s32 @!p0 $0x0  }
0x12: {  	s1 =	sld [smem:$0x3F99];
	s0 =	simm.s32 @p0 $0x1  }
0x13: {  	[smem:$0x3FB4] =	sst s0;
	s0 =	simm.s32 @!p1 $0x0  }
0x14: {  	s2 =	sld [smem:$0x3F98];
	s0 =	simm.s32 @p1 $0x1  }
0x15: {  	[smem:$0x3FB5] =	sst s0;
	s0 =	simm.s32 @!p2 $0x0  }
0x16: {  	s3 =	sld [smem:$0x3FDB];
	s0 =	simm.s32 @p2 $0x1  }
0x17: {  	s4 =	simm.s32 $0x1BF5;
	[smem:$0x3FB7] =	sst s0  }
0x18: {  	s0 =	sld [smem:$0x3F9A];
	_ =	swait.ge [sflag:s4], $0x0  }
0x19: {  	s7 =	sld [smem:$0x3F9B]  }
0x1a: {  	s8 =	sadd.s32 $0xFFFFE003, lr  }
0x1b: {  	s9 =	sadd.s32 $0xFFFFFEF7, lr;
	s5 =	simm.s32 $0xFFFFFFFF;
	p2 =	slt.u32 s8, $0xFFFFF086  }
0x1c: {  	p1 =	slt.u32 s9, $0xF7A;
	s5 =	simm.s32 @!p2 $0x0  }
0x1d: {  	s5 =	simm.s32 @p1 $0x1;
	p0 =	seq.s32 s7, s2  }
0x1e: {  	s7 =	smul.u32 @!p0 $0xF7A, s2;
	p2 =	seq.s32 @!p0 s5, $0x0  }
0x1f: {  	s9 =	smul.u32 $0xF7A, s1;
	s8 =	simm.s32 @!p0 $0x1BF5;
	p2 =	por !p2, p0  }
0x20: {  	[sflag:s8] =	ssyncset.s32 @!p0 $0xFFFFF086;
	s6 =	sadd.s32 @!p0 s3, s7;
	s7 =	simm.s32 @!p0 $0x108  }
0x21: {  	s3 =	sadd.s32 s3, s9;
	s6 =	sadd.s32 @!p0 $0x88, s6;
	s7 =	simm.s32 @p2 $0x1082  }
0x22: {  	[simem:s7], [sflag:s8] =	dma.local @!p0 [hbm:s6], $0xF7A  }
0x23: {  	s9 =	sor.u32 $0xD0000000, s2;
	s6 =	simm.s32 $0x108;
	_ =	swait.ge @!p0 [sflag:s8], $0x0  }
0x24: {  	s3 =	sadd.s32 $0x88, s3;
	s6 =	simm.s32 @!p1 $0x1082;
	[sflag:s4] =	ssyncset.s32 $0xFFFFF086  }
0x25: {  	[simem:s6], [sflag:s4] =	dma.local [hbm:s3], $0xF7A  }
0x26: {  	[smem:$0x3F9B] =	sst s1;
	(tag) =	ssettag s2;
	_ =	strace s9  }
0x27: {  	s1 =	sld [smem:$0x3FAB]  }
0x28: {  	s2 =	sld [smem:$0x3FAC]  }
0x29: {  	s4 =	sld [smem:$0x3FAE]  }
0x2a: {  	p0 =	seq.s32 s5, $0x0;
	s5 =	sld [smem:$0x3FAF]  }
0x2b: {  	s6 =	sld [smem:$0x3FB0]  }
0x2c: {  	s7 =	sld [smem:$0x3FB1]  }
0x2d: {  	s3 =	simm.s32 $0x108;
	s8 =	sld [smem:$0x3FB2]  }
0x2e: {  	s3 =	simm.s32 @!p0 $0x1082;
	s9 =	sld [smem:$0x3FB3]  }
0x2f: {  	lr =	sadd.s32 s0, s3;
	s0 =	sld [smem:$0x3FAA]  }
0x30: {  	s3 =	sld [smem:$0x3FAD]  }
0x31: {  	[smem:$0x3FB6] =	sst s10  }
0x32: {  	s10 =	sld [smem:$0x3FB4];
	_ =	sdelay $0x3  }
0x33: {  	p0 =	seq.s32 s10, $0x1;
	s10 =	sld [smem:$0x3FB6];
	_ =	sdelay $0x3  }
0x34: {  	[smem:$0x3FB6] =	sst s10  }
0x35: {  	s10 =	sld [smem:$0x3FB5];
	_ =	sdelay $0x3  }
0x36: {  	p1 =	seq.s32 s10, $0x1;
	s10 =	sld [smem:$0x3FB6];
	_ =	sdelay $0x3  }
0x37: {  	[smem:$0x3FB6] =	sst s10  }
0x38: {  	s10 =	sld [smem:$0x3FB7]  }
0x39: {  	_ = 	snop;
	(pc) =	sbr.ind lr, $3  }
0x3a: {  	_ = 	snop  }
0x3b: {  	_ = 	snop  }
0x3c: {  	p2 =	seq.s32 s10, $0x1;
	s10 =	sld [smem:$0x3FB6]  }
0x3d: {  	_ =	shalt  }
0x3e: {  	_ =	shalt  }
0x3f: {  	_ =	shalt  }
0x40: {  	_ =	shalt  }
0x41: {  	_ =	shalt  }
0x42: {  	_ =	shalt  }
0x43: {  	_ =	shalt  }
0x44: {  	_ =	shalt  }
0x45: {  	_ =	shalt  }
0x46: {  	_ =	shalt  }
0x47: {  	_ =	shalt  }
0x48: {  	_ =	shalt  }
0x49: {  	_ =	shalt  }
0x4a: {  	_ =	shalt  }
0x4b: {  	_ =	shalt  }
0x4c: {  	_ =	shalt  }
0x4d: {  	_ =	shalt  }
0x4e: {  	_ =	shalt  }
0x4f: {  	_ =	shalt  }
0x50: {  	_ =	shalt  }
0x51: {  	_ =	shalt  }
0x52: {  	_ =	shalt  }
0x53: {  	_ =	shalt  }
0x54: {  	_ =	shalt  }
0x55: {  	_ =	shalt  }
0x56: {  	_ =	shalt  }
0x57: {  	_ =	shalt  }
0x58: {  	_ =	shalt  }
0x59: {  	_ =	shalt  }
0x5a: {  	_ =	shalt  }
0x5b: {  	_ =	shalt  }
0x5c: {  	_ =	shalt  }
0x5d: {  	_ =	shalt  }
0x5e: {  	_ =	shalt  }
0x5f: {  	_ =	shalt  }
0x60: {  	_ =	shalt  }
0x61: {  	_ =	shalt  }
0x62: {  	_ =	shalt  }
0x63: {  	_ =	shalt  }
0x64: {  	_ =	shalt  }
0x65: {  	_ =	shalt  }
0x66: {  	_ =	shalt  }
0x67: {  	_ =	shalt  }
0x68: {  	_ =	shalt  }
0x69: {  	_ =	shalt  }
0x6a: {  	_ =	shalt  }
0x6b: {  	_ =	shalt  }
0x6c: {  	_ =	shalt  }
0x6d: {  	_ =	shalt  }
0x6e: {  	_ =	shalt  }
0x6f: {  	_ =	shalt  }
0x70: {  	_ =	shalt  }
0x71: {  	_ =	shalt  }
0x72: {  	_ =	shalt  }
0x73: {  	_ =	shalt  }
0x74: {  	_ =	shalt  }
0x75: {  	_ =	shalt  }
0x76: {  	_ =	shalt  }
0x77: {  	_ =	shalt  }
0x78: {  	_ =	shalt  }
0x79: {  	_ =	shalt  }
0x7a: {  	_ =	shalt  }
0x7b: {  	_ =	shalt  }
0x7c: {  	_ =	shalt  }
0x7d: {  	_ =	shalt  }
0x7e: {  	_ =	shalt  }
0x7f: {  	_ =	shalt  }
0x80: {  	_ =	shalt  }
0x81: {  	_ =	shalt  }
0x82: {  	_ =	shalt  }
0x83: {  	_ =	shalt  }
0x84: {  	_ =	shalt  }
0x85: {  	_ =	shalt  }
0x86: {  	_ =	shalt  }
0x87: {  	_ =	shalt  }
.Lfunc_end0:
.L_simem_size_0:
called_computation.1_lowered:
.L_overlay_start_0:
0x88: {  	s2 =	sld [smem:$0x3FD9]  }
0x89: {  	s3 =	sld [smem:$0x3FFE];
	_ =	sdelay $0x1  }
0x8a: {  	s1 =	srdreg.scid  }
0x8b: {  	s0 =	sand.u32 $0x1, s1  }
0x8c: {  	s17 =	sshll.u32 s0, $0xA;
	s2 =	sadd.s32 s3, s2  }
0x8d: {  	s2 =	sadd.s32 s2, s17  }
0x8e: {  	[smem:$0x3FC2] =	sst s2  }
0x8f: {  	_ = 	snop  }
0x90: {  	s2 =	sld [smem:$0x3FC8]  }
0x91: {  	s18 =	sld [smem:$0x3FD0];
	(tm) =	ssettm $0x1  }
0x92: {  	s4 =	sld [smem:$0x3FFB];
	_ =	sdelay $0x3  }
0x93: {  	_ =	strace s4  }
0x94: {  	s4 =	sld [smem:$0x3FFC];
	_ =	sdelay $0x3  }
0x95: {  	_ =	strace s4  }
0x96: {  	s4 =	sld [smem:$0x3FFD];
	_ =	sdelay $0x3  }
0x97: {  	_ =	strace s4  }
0x98: {  	_ =	strace $0x8FFFFFFF  }
0x99: {  	s19 =	sld [smem:$0x3FDB];
	_ =	sdelay $0x1  }
0x9a: {  	s5 =	simm.s32 $_scs_section_size  }
0x9b: {  	s6 =	simm.s32 $_size__tile_overlayer_lowered;
	s7 =	simm.s32 $_tile_overlayer_lowered  }
0x9c: {  	s22 =	simm.s32 $0x1BFF;
	s21 =	sshll.u32 s7, $0x1;
	s4 =	sadd.s32 s5, s19  }
0x9d: {  	s8 =	simm.s32 $0x0;
	s20 =	sshll.u32 s6, $0x1;
	s6 =	sadd.s32 s21, s4  }
0x9e: {  	[timem:s8], [sflag:s22] =	dma.local [hbm:s6], s20  }
0x9f: {  	_ =	swait.ge [sflag:s22], s20  }
0xa0: {  	s5 =	ssub.s32 $0x0, s20;
	[sflag:s22] =	ssyncset.done $0x0  }
0xa1: {  	[sflag:s22] =	ssyncadd.s32 s5;
	_ =	sdelay $0x1  }
0xa2: {  	s23 =	simm.s32 $0x1B8B  }
0xa3: {  	_ =	swait.ge [sflag:s23], $0x1  }
0xa4: {  	[sflag:s23] =	ssyncset.done $0x0  }
0xa5: {  	s25 =	simm.s32 $0x1B8E;
	s24 =	sld [smem:$0x3FFE];
	[sflag:s23] =	ssyncadd.s32 $0xFFFFFFFF  }
0xa6: {  	s26 =	simm.s32 $execute0_lowered;
	[smem:$0x3FD2] =	sst s25  }
0xa7: {  	s6 =	sshll.u32 s26, $0x1;
	_ =	strace $0x80000049;
	[dreg:$0x1] =	wrdreg $0xFFFFFFFF  }
0xa8: {  	s28 =	simm.s32 $_size_execute0_lowered;
	s4 =	sadd.s32 s4, s6;
	[dreg:$0x0] =	wrdreg $0x0  }
0xa9: {  	s6 =	sshll.u32 s28, $0x1;
	[dreg:$0x2] =	wrdreg s4  }
0xaa: {  	[dreg:$0x3] =	wrdreg s6  }
0xab: {  	[dreg:$0x4] =	wrdreg $0xC0  }
0xac: {  	_ =	task [dreg:s8], $0x5FFFF  }
0xad: {  	[dreg:$0x1] =	wrdreg $0xFFFFFFFF  }
0xae: {  	[dreg:$0x0] =	wrdreg $0x60  }
0xaf: {  	[dreg:$0x2] =	wrdreg s18  }
0xb0: {  	[dreg:$0x3] =	wrdreg s2  }
0xb1: {  	[dreg:$0x4] =	wrdreg s24  }
0xb2: {  	[dreg:$0x5] =	wrdreg $0x84000  }
0xb3: {  	[dreg:$0x6] =	wrdreg $0x9  }
0xb4: {  	_ =	task.clear_ibuf [dreg:s8], $0x7FFFF;
	_ =	strace $0x90000049  }
0xb5: {  	s29 =	simm.s32 $0x9;
	_ =	strace $0x8000004B  }
0xb6: {  	_ =	swait.ge [sflag:s29], $0x1  }
0xb7: {  	[sflag:s29] =	ssyncadd.s32 $0xFFFFFFFF  }
0xb8: {  	_ =	strace $0x9000004B  }
0xb9: {  	_ =	sfence  }
0xba: {  	s30 =	sld [smem:$0x0];
	_ =	sdelay $0x2  }
0xbb: {  	s31 =	sshll.u32 s1, $0xD;
	s1 =	sshrl.u32 s1, $0x2  }
0xbc: {  	s3 =	sand.u32 $0x4000, s31;
	s1 =	sadd.s32 s1, s30  }
0xbd: {  	s0 =	sor.u32 s3, s0;
	s1 =	sshll.u32 s1, $0x11  }
0xbe: {  	s0 =	sor.u32 s1, s0  }
0xbf: {  	s0 =	sadd.s32 $0x8F2B, s0  }
0xc0: {  	[sflag:s0] =	ssyncadd.remote.s32 $0x1  }
0xc1: {  	_ =	sfence.sel $0xFFFF  }
0xc2: {  	[dreg:$0x0] =	wrdreg $0xFFFFFFFF;
	(pc) =	sbr.abs _section_cstart, $3  }
0xc3: {  	[dreg:$0x1] =	wrdreg $0xFFFFFFFF  }
0xc4: {  	_ =	task.clear_ibuf [dreg:s8], $0x2FFFF;
	_ =	strace $0x9FFFFFFF  }
0xc5: {  	(tm) =	ssettm $0x7FFFFFFF  }
tec
execute0_lowered:
.L_overlay_start_1:
0x0: {  	(tag) =	ssettag $0x1  }
0x1: {  	s1 =	rddreg [dreg:$0x0]  }
0x2: {  	s0 =	rddreg [dreg:$0x1]  }
0x3: {  	s2 =	rddreg [dreg:$0x2]  }
0x4: {  	s3 =	rddreg [dreg:$0x3]  }
0x5: {  	s13 =	stileid.u32;
	s5 =	srdreg.scid;
	s4 =	simm.s32 $0x0  }
0x6: {  	s17 =	simm.s32 $0x100;
	s28 =	simm.s32 $0x1;
	s29 =	simm.s32 $0x5  }
0x7: {  	s30 =	simm.s32 $0x2;
	s31 =	simm.s32 $0x180;
	s6 =	smul.u32 $0x14000, s13  }
0x8: {  	s7 =	sand.u32 $0x1, s5;
	[smem:$0x7FF] =	sst s4;
	s12 =	smul.u32 $0x50000, s13  }
0x9: {  	s19 =	sshll.u32 s13, $0x5;
	s24 =	sshll.u32 s13, $0x6;
	s5 =	smul.u32 $0x140000, s7  }
0xa: {  	_ =	strace $0x8000004A;
	s18 =	sshll.u32 s7, $0x4;
	s9 =	ssub.s32 $0x2, s7  }
0xb: {  	s26 =	sshll.u32 s7, $0x9;
	s7 =	simm.s32 $0x0;
	s8 =	sshrl.u32 s6, $0x3  }
0xc: {  	s10 =	sshrl.u32 s9, $0x1;
	s21 =	sshrl.u32 s12, $0x2;
	s8 =	sadd.s32 s8, s2  }
0xd: {  	s5 =	sadd.s32 s6, s5;
	s6 =	sor.u32 s13, s18;
	s9 =	ssub.s32 s9, s10  }
0xe: {  	s20 =	sadd.s32 s21, s3;
	s10 =	sor.u32 $0x1C07, s24;
	s18 =	simm.s32 $0x200  }
0xf: {  	s21 =	simm.s32 $0x7;
	s24 =	simm.s32 $0x400;
	s5 =	sshrl.u32 s5, $0x3  }
0x10: {  	s11 =	sshll.u32 s6, $0x5;
	s8 =	sadd.s32 $0x1C00, s8;
	s13 =	smax.u32 s9, $0x1  }
0x11: {  	s20 =	sshrl.u32 s20, $0x3;
	p0 =	sgt.u32 s6, $0x3;
	s6 =	simm.s32 $0x380  }
0x12: {  	s2 =	sadd.s32 s5, s2;
	s5 =	sadd.s32 s0, s11;
	[dreg:$0x8] =	wrdreg s8  }
0x13: {  	s0 =	sadd.s32 s19, s0;
	s19 =	simm.s32 $0x300;
	s11 =	sadd.s32 $0x400, s5  }
0x14: {  	s22 =	sadd.s32 $0x800, s5;
	s23 =	sadd.s32 $0xC00, s5;
	[dreg:$0x5] =	wrdreg s11  }
0x15: {  	s25 =	sadd.s32 $0x13800, s0;
	s2 =	sadd.s32 $0x29C00, s2;
	[dreg:$0x6] =	wrdreg s22  }
0x16: {  	s14 =	sadd.s32 $0x13000, s5;
	s15 =	sadd.s32 $0x13400, s5;
	[dreg:$0x7] =	wrdreg s23  }
0x17: {  	s16 =	sadd.s32 s26, s0;
	s26 =	simm.s32 $0x4400;
	[dreg:$0x9] =	wrdreg s25  }
0x18: {  	s0 =	simm.s32 $0x6;
	[dreg:$0xa] =	wrdreg s2;
	s22 =	simm.s32 $0x3  }
0x19: {  	s23 =	simm.s32 $0x80;
	s25 =	simm.s32 $0x4;
	s2 =	simm.s32 $0x280  }
.LBB2_1:
0x1a: {  	[tilespmem:s4], [sflag:$0x3] =	stream.linear.gather [hbm4b:s5+s4], $0x100, $0x38;
	[tilespmem:$0x1C400] =	vst v63  }
0x1b: {  	s8 =	rddreg [dreg:$0x5]  }
0x1c: {  	s11 =	rddreg [dreg:$0x6]  }
0x1d: {  	[tilespmem:s17], [sflag:$0x4] =	stream.linear.gather [hbm4b:s8+s4], $0x100, $0x38;
	[tilespmem:$0x1C400] =	vst v63  }
0x1e: {  	s12 =	rddreg [dreg:$0x7]  }
0x1f: {  	[tilespmem:s18], [sflag:$0x5] =	stream.linear.gather [hbm4b:s11+s4], $0x100, $0x38;
	[tilespmem:$0x1C400] =	vst v63  }
0x20: {  	s9 =	rddreg [dreg:$0x8]  }
0x21: {  	[tilespmem:s19], [sflag:$0x6] =	stream.linear.gather [hbm4b:s12+s4], $0x100, $0x38;
	[tilespmem:$0x1C400] =	vst v63  }
0x22: {  	[spmem:s20], [sflag:s10] =	dma.local [hbm:s9], $0x2800  }
0x23: {  	_ =	swait.ge [sflag:s21], $0x2800  }
0x24: {  	[sflag:s21] =	ssyncset.done $0x0  }
0x25: {  	[sflag:s21] =	ssyncadd.s32 $0xFFFFD800  }
0x26: {  	[bflag:$0x0] =	sbarrier.arrive $0xFFFF  }
0x27: {  	_ =	swait.ge [sflag:s22], $0x100  }
0x28: {  	[sflag:s22] =	ssyncset.done $0x0  }
0x29: {  	[sflag:s22] =	ssyncadd.s32 $0xFFFFFF00  }
0x2a: {  	[tilespmem:s24], [sflag:$0x1] =	stream.indirect.gather [hbm4b:s1+s23], $0x80, s4, s23, $0xb8;
	[tilespmem:$0x1C400] =	vst v63  }
0x2b: {  	_ =	swait.ge [sflag:s25], $0x100  }
0x2c: {  	[sflag:s25] =	ssyncset.done $0x0  }
0x2d: {  	[sflag:s25] =	ssyncadd.s32 $0xFFFFFF00  }
0x2e: {  	[tilespmem:s26], [sflag:$0x2] =	stream.indirect.gather [hbm4b:s1+s23], $0x80, s17, s23, $0xb8;
	[tilespmem:$0x1C400] =	vst v63  }
0x2f: {  	_ =	swait.ge [sflag:s28], $0x4000  }
0x30: {  	[sflag:s28] =	ssyncset.done $0x0  }
0x31: {  	[sflag:s28] =	ssyncadd.s32 $0xFFFFC000  }
0x32: {  	[spmem:s3] =	stream.indirect.scatter.add.f32 [tilespmem:s24], [sflag:$0x7], $0x80, s23, s23, $0xb8;
	[tilespmem:$0x1C400] =	vst v63  }
0x33: {  	_ =	swait.ge [sflag:s21], $0x4000  }
0x34: {  	s8 =	sadd.s32 $0x0, s16;
	[sflag:s21] =	ssyncset.done $0x0  }
0x35: {  	s9 =	sadd.s32 $0x1000, s8;
	[sflag:s21] =	ssyncadd.s32 $0xFFFFC000  }
0x36: {  	[tilespmem:s4], [sflag:$0x3] =	stream.linear.gather [hbm4b:s9+s4], $0x100, $0x38;
	[tilespmem:$0x1C400] =	vst v63  }
0x37: {  	_ =	swait.ge [sflag:s29], $0x100  }
0x38: {  	[sflag:s29] =	ssyncset.done $0x0  }
0x39: {  	[sflag:s29] =	ssyncadd.s32 $0xFFFFFF00  }
0x3a: {  	[tilespmem:s24], [sflag:$0x1] =	stream.indirect.gather [hbm4b:s1+s23], $0x80, s18, s23, $0xb8;
	[tilespmem:$0x1C400] =	vst v63  }
0x3b: {  	_ =	swait.ge [sflag:s30], $0x4000  }
0x3c: {  	[sflag:s30] =	ssyncset.done $0x0  }
0x3d: {  	[sflag:s30] =	ssyncadd.s32 $0xFFFFC000  }
0x3e: {  	[spmem:s3] =	stream.indirect.scatter.add.f32 [tilespmem:s26], [sflag:$0x7], $0x80, s31, s23, $0xb8;
	[tilespmem:$0x1C400] =	vst v63  }
0x3f: {  	_ =	swait.ge [sflag:s21], $0x4000  }
0x40: {  	[sflag:s21] =	ssyncset.done $0x0  }
0x41: {  	s11 =	sadd.s32 $0x1400, s8;
	[sflag:s21] =	ssyncadd.s32 $0xFFFFC000  }
0x42: {  	[tilespmem:s17], [sflag:$0x4] =	stream.linear.gather [hbm4b:s11+s4], $0x100, $0x38;
	[tilespmem:$0x1C400] =	vst v63  }
0x43: {  	_ =	swait.ge [sflag:s0], $0x100  }
0x44: {  	[sflag:s0] =	ssyncset.done $0x0  }
0x45: {  	[sflag:s0] =	ssyncadd.s32 $0xFFFFFF00  }
0x46: {  	[tilespmem:s26], [sflag:$0x2] =	stream.indirect.gather [hbm4b:s1+s23], $0x80, s19, s23, $0xb8;
	[tilespmem:$0x1C400] =	vst v63  }
0x47: {  	_ =	swait.ge [sflag:s28], $0x4000  }
0x48: {  	[sflag:s28] =	ssyncset.done $0x0  }
0x49: {  	[sflag:s28] =	ssyncadd.s32 $0xFFFFC000  }
0x4a: {  	[spmem:s3] =	stream.indirect.scatter.add.f32 [tilespmem:s24], [sflag:$0x7], $0x80, s2, s23, $0xb8;
	[tilespmem:$0x1C400] =	vst v63  }
0x4b: {  	_ =	swait.ge [sflag:s21], $0x4000  }
0x4c: {  	[sflag:s21] =	ssyncset.done $0x0  }
0x4d: {  	s12 =	sadd.s32 $0x1800, s8;
	[sflag:s21] =	ssyncadd.s32 $0xFFFFC000  }
0x4e: {  	[tilespmem:s18], [sflag:$0x5] =	stream.linear.gather [hbm4b:s12+s4], $0x100, $0x38;
	[tilespmem:$0x1C400] =	vst v63  }
0x4f: {  	_ =	swait.ge [sflag:s22], $0x100  }
0x50: {  	[sflag:s22] =	ssyncset.done $0x0  }
0x51: {  	[sflag:s22] =	ssyncadd.s32 $0xFFFFFF00  }
0x52: {  	[tilespmem:s24], [sflag:$0x1] =	stream.indirect.gather [hbm4b:s1+s23], $0x80, s4, s23, $0xb8;
	[tilespmem:$0x1C400] =	vst v63  }
0x53: {  	_ =	swait.ge [sflag:s30], $0x4000  }
0x54: {  	[sflag:s30] =	ssyncset.done $0x0  }
0x55: {  	[sflag:s30] =	ssyncadd.s32 $0xFFFFC000  }
0x56: {  	[spmem:s3] =	stream.indirect.scatter.add.f32 [tilespmem:s26], [sflag:$0x7], $0x80, s6, s23, $0xb8;
	[tilespmem:$0x1C400] =	vst v63  }
0x57: {  	_ =	swait.ge [sflag:s21], $0x4000  }
0x58: {  	[sflag:s21] =	ssyncset.done $0x0  }
0x59: {  	s8 =	sadd.s32 $0x1C00, s8;
	[sflag:s21] =	ssyncadd.s32 $0xFFFFC000  }
0x5a: {  	[tilespmem:s19], [sflag:$0x6] =	stream.linear.gather [hbm4b:s8+s4], $0x100, $0x38;
	[tilespmem:$0x1C400] =	vst v63  }
0x5b: {  	_ =	swait.ge [sflag:s25], $0x100  }
0x5c: {  	[sflag:s25] =	ssyncset.done $0x0  }
0x5d: {  	s8 =	simm.s32 $0x1000;
	[sflag:s25] =	ssyncadd.s32 $0xFFFFFF00  }
.LBB2_2:
0x5e: {  	[tilespmem:s26], [sflag:$0x2] =	stream.indirect.gather [hbm4b:s1+s23], $0x80, s17, s23, $0xb8;
	[tilespmem:$0x1C400] =	vst v63  }
0x5f: {  	s9 =	smov.u32 s8  }
0x60: {  	p1 =	sne.s32 s8, $0x11000;
	s8 =	sadd.s32 $0x1000, s8;
	_ =	swait.ge [sflag:s28], $0x4000  }
0x61: {  	[sflag:s28] =	ssyncset.done $0x0  }
0x62: {  	[sflag:s28] =	ssyncadd.s32 $0xFFFFC000  }
0x63: {  	[spmem:s3] =	stream.indirect.scatter.add.f32 [tilespmem:s24], [sflag:$0x7], $0x80, s23, s23, $0xb8;
	[tilespmem:$0x1C400] =	vst v63  }
0x64: {  	_ =	swait.ge [sflag:s21], $0x4000  }
0x65: {  	s9 =	sadd.s32 s9, s16;
	[sflag:s21] =	ssyncset.done $0x0  }
0x66: {  	s11 =	sadd.s32 $0x1000, s9;
	[sflag:s21] =	ssyncadd.s32 $0xFFFFC000  }
0x67: {  	[tilespmem:s4], [sflag:$0x3] =	stream.linear.gather [hbm4b:s11+s4], $0x100, $0x38;
	[tilespmem:$0x1C400] =	vst v63  }
0x68: {  	_ =	swait.ge [sflag:s29], $0x100  }
0x69: {  	[sflag:s29] =	ssyncset.done $0x0  }
0x6a: {  	[sflag:s29] =	ssyncadd.s32 $0xFFFFFF00  }
0x6b: {  	[tilespmem:s24], [sflag:$0x1] =	stream.indirect.gather [hbm4b:s1+s23], $0x80, s18, s23, $0xb8;
	[tilespmem:$0x1C400] =	vst v63  }
0x6c: {  	_ =	swait.ge [sflag:s30], $0x4000  }
0x6d: {  	[sflag:s30] =	ssyncset.done $0x0  }
0x6e: {  	[sflag:s30] =	ssyncadd.s32 $0xFFFFC000  }
0x6f: {  	[spmem:s3] =	stream.indirect.scatter.add.f32 [tilespmem:s26], [sflag:$0x7], $0x80, s31, s23, $0xb8;
	[tilespmem:$0x1C400] =	vst v63  }
0x70: {  	_ =	swait.ge [sflag:s21], $0x4000  }
0x71: {  	[sflag:s21] =	ssyncset.done $0x0  }
0x72: {  	s11 =	sadd.s32 $0x1400, s9;
	[sflag:s21] =	ssyncadd.s32 $0xFFFFC000  }
0x73: {  	[tilespmem:s17], [sflag:$0x4] =	stream.linear.gather [hbm4b:s11+s4], $0x100, $0x38;
	[tilespmem:$0x1C400] =	vst v63  }
0x74: {  	_ =	swait.ge [sflag:s0], $0x100  }
0x75: {  	[sflag:s0] =	ssyncset.done $0x0  }
0x76: {  	[sflag:s0] =	ssyncadd.s32 $0xFFFFFF00  }
0x77: {  	[tilespmem:s26], [sflag:$0x2] =	stream.indirect.gather [hbm4b:s1+s23], $0x80, s19, s23, $0xb8;
	[tilespmem:$0x1C400] =	vst v63  }
0x78: {  	_ =	swait.ge [sflag:s28], $0x4000  }
0x79: {  	[sflag:s28] =	ssyncset.done $0x0  }
0x7a: {  	[sflag:s28] =	ssyncadd.s32 $0xFFFFC000  }
0x7b: {  	[spmem:s3] =	stream.indirect.scatter.add.f32 [tilespmem:s24], [sflag:$0x7], $0x80, s2, s23, $0xb8;
	[tilespmem:$0x1C400] =	vst v63  }
0x7c: {  	_ =	swait.ge [sflag:s21], $0x4000  }
0x7d: {  	[sflag:s21] =	ssyncset.done $0x0  }
0x7e: {  	s11 =	sadd.s32 $0x1800, s9;
	[sflag:s21] =	ssyncadd.s32 $0xFFFFC000  }
0x7f: {  	[tilespmem:s18], [sflag:$0x5] =	stream.linear.gather [hbm4b:s11+s4], $0x100, $0x38;
	[tilespmem:$0x1C400] =	vst v63  }
0x80: {  	_ =	swait.ge [sflag:s22], $0x100  }
0x81: {  	[sflag:s22] =	ssyncset.done $0x0  }
0x82: {  	[sflag:s22] =	ssyncadd.s32 $0xFFFFFF00  }
0x83: {  	[tilespmem:s24], [sflag:$0x1] =	stream.indirect.gather [hbm4b:s1+s23], $0x80, s4, s23, $0xb8;
	[tilespmem:$0x1C400] =	vst v63  }
0x84: {  	_ =	swait.ge [sflag:s30], $0x4000  }
0x85: {  	[sflag:s30] =	ssyncset.done $0x0  }
0x86: {  	[sflag:s30] =	ssyncadd.s32 $0xFFFFC000  }
0x87: {  	[spmem:s3] =	stream.indirect.scatter.add.f32 [tilespmem:s26], [sflag:$0x7], $0x80, s6, s23, $0xb8;
	[tilespmem:$0x1C400] =	vst v63  }
0x88: {  	_ =	swait.ge [sflag:s21], $0x4000  }
0x89: {  	[sflag:s21] =	ssyncset.done $0x0  }
.Ltmp0:
0x8a: {  	s9 =	sadd.s32 $0x1C00, s9;
	[sflag:s21] =	ssyncadd.s32 $0xFFFFC000;
	(pc) =	sbr.rel @p1 .LBB2_2-.Ltmp0, $4  }
0x8b: {  	[tilespmem:s19], [sflag:$0x6] =	stream.linear.gather [hbm4b:s9+s4], $0x100, $0x38;
	[tilespmem:$0x1C400] =	vst v63  }
0x8c: {  	_ =	swait.ge [sflag:s25], $0x100  }
0x8d: {  	[sflag:s25] =	ssyncset.done $0x0  }
0x8e: {  	[sflag:s25] =	ssyncadd.s32 $0xFFFFFF00  }
0x8f: {  	[tilespmem:s26], [sflag:$0x2] =	stream.indirect.gather [hbm4b:s1+s23], $0x80, s17, s23, $0xb8;
	[tilespmem:$0x1C400] =	vst v63  }
0x90: {  	_ =	swait.ge [sflag:s28], $0x4000  }
0x91: {  	[sflag:s28] =	ssyncset.done $0x0  }
0x92: {  	[sflag:s28] =	ssyncadd.s32 $0xFFFFC000  }
0x93: {  	[spmem:s3] =	stream.indirect.scatter.add.f32 [tilespmem:s24], [sflag:$0x7], $0x80, s23, s23, $0xb8;
	[tilespmem:$0x1C400] =	vst v63  }
0x94: {  	_ =	swait.ge [sflag:s21], $0x4000  }
0x95: {  	[sflag:s21] =	ssyncset.done $0x0  }
0x96: {  	[sflag:s21] =	ssyncadd.s32 $0xFFFFC000  }
0x97: {  	[tilespmem:s4], [sflag:$0x3] =	stream.linear.gather [hbm4b:s14+s4], $0x100, $0x38;
	[tilespmem:$0x1C400] =	vst v63  }
0x98: {  	_ =	swait.ge [sflag:s29], $0x100  }
0x99: {  	[sflag:s29] =	ssyncset.done $0x0  }
0x9a: {  	[sflag:s29] =	ssyncadd.s32 $0xFFFFFF00  }
0x9b: {  	[tilespmem:s24], [sflag:$0x1] =	stream.indirect.gather [hbm4b:s1+s23], $0x80, s18, s23, $0xb8;
	[tilespmem:$0x1C400] =	vst v63  }
0x9c: {  	_ =	swait.ge [sflag:s30], $0x4000  }
0x9d: {  	[sflag:s30] =	ssyncset.done $0x0  }
0x9e: {  	[sflag:s30] =	ssyncadd.s32 $0xFFFFC000  }
0x9f: {  	[spmem:s3] =	stream.indirect.scatter.add.f32 [tilespmem:s26], [sflag:$0x7], $0x80, s31, s23, $0xb8;
	[tilespmem:$0x1C400] =	vst v63  }
0xa0: {  	_ =	swait.ge [sflag:s21], $0x4000  }
0xa1: {  	[sflag:s21] =	ssyncset.done $0x0  }
0xa2: {  	[sflag:s21] =	ssyncadd.s32 $0xFFFFC000  }
0xa3: {  	[tilespmem:s17], [sflag:$0x4] =	stream.linear.gather [hbm4b:s15+s4], $0x100, $0x38;
	[tilespmem:$0x1C400] =	vst v63  }
0xa4: {  	_ =	swait.ge [sflag:s0], $0x100  }
0xa5: {  	[sflag:s0] =	ssyncset.done $0x0  }
0xa6: {  	[sflag:s0] =	ssyncadd.s32 $0xFFFFFF00  }
0xa7: {  	[tilespmem:s26], [sflag:$0x2] =	stream.indirect.gather [hbm4b:s1+s23], $0x80, s19, s23, $0xb8;
	[tilespmem:$0x1C400] =	vst v63  }
0xa8: {  	_ =	swait.ge [sflag:s28], $0x4000  }
0xa9: {  	[sflag:s28] =	ssyncset.done $0x0  }
0xaa: {  	[sflag:s28] =	ssyncadd.s32 $0xFFFFC000  }
0xab: {  	[spmem:s3] =	stream.indirect.scatter.add.f32 [tilespmem:s24], [sflag:$0x7], $0x80, s2, s23, $0xb8;
	[tilespmem:$0x1C400] =	vst v63  }
0xac: {  	_ =	swait.ge [sflag:s21], $0x4000  }
0xad: {  	[sflag:s21] =	ssyncset.done $0x0  }
0xae: {  	[sflag:s21] =	ssyncadd.s32 $0xFFFFC000  }
0xaf: {  	_ =	swait.ge [sflag:s22], $0x100  }
0xb0: {  	[sflag:s22] =	ssyncset.done $0x0  }
0xb1: {  	[sflag:s22] =	ssyncadd.s32 $0xFFFFFF00  }
0xb2: {  	[tilespmem:s24], [sflag:$0x1] =	stream.indirect.gather [hbm4b:s1+s23], $0x80, s4, s23, $0xb8;
	[tilespmem:$0x1C400] =	vst v63  }
0xb3: {  	_ =	swait.ge [sflag:s30], $0x4000  }
0xb4: {  	[sflag:s30] =	ssyncset.done $0x0  }
0xb5: {  	[sflag:s30] =	ssyncadd.s32 $0xFFFFC000  }
0xb6: {  	[spmem:s3] =	stream.indirect.scatter.add.f32 [tilespmem:s26], [sflag:$0x7], $0x80, s6, s23, $0xb8;
	[tilespmem:$0x1C400] =	vst v63  }
0xb7: {  	_ =	swait.ge [sflag:s21], $0x4000  }
0xb8: {  	[sflag:s21] =	ssyncset.done $0x0  }
0xb9: {  	[sflag:s21] =	ssyncadd.s32 $0xFFFFC000  }
0xba: {  	_ =	swait.ge [sflag:s25], $0x100  }
0xbb: {  	[sflag:s25] =	ssyncset.done $0x0  }
0xbc: {  	[sflag:s25] =	ssyncadd.s32 $0xFFFFFF00  }
0xbd: {  	[tilespmem:s26], [sflag:$0x2] =	stream.indirect.gather [hbm4b:s1+s23], $0x80, s17, s23, $0xb8;
	[tilespmem:$0x1C400] =	vst v63  }
0xbe: {  	_ =	swait.ge [sflag:s28], $0x4000  }
0xbf: {  	[sflag:s28] =	ssyncset.done $0x0  }
0xc0: {  	[sflag:s28] =	ssyncadd.s32 $0xFFFFC000  }
0xc1: {  	[spmem:s3] =	stream.indirect.scatter.add.f32 [tilespmem:s24], [sflag:$0x7], $0x80, s23, s23, $0xb8;
	[tilespmem:$0x1C400] =	vst v63  }
0xc2: {  	_ =	swait.ge [sflag:s21], $0x4000  }
0xc3: {  	[sflag:s21] =	ssyncset.done $0x0  }
0xc4: {  	[sflag:s21] =	ssyncadd.s32 $0xFFFFC000  }
0xc5: {  	_ =	swait.ge [sflag:s30], $0x4000  }
0xc6: {  	[sflag:s30] =	ssyncset.done $0x0  }
0xc7: {  	[sflag:s30] =	ssyncadd.s32 $0xFFFFC000  }
0xc8: {  	[spmem:s3] =	stream.indirect.scatter.add.f32 [tilespmem:s26], [sflag:$0x7], $0x80, s31, s23, $0xb8;
	[tilespmem:$0x1C400] =	vst v63  }
0xc9: {  	_ =	swait.ge [sflag:s21], $0x4000  }
0xca: {  	[sflag:s21] =	ssyncset.done $0x0  }
0xcb: {  	s8 =	simm.s32 @!p0 $0x0;
	s9 =	rddreg [dreg:$0x9];
	[sflag:s21] =	ssyncadd.s32 $0xFFFFC000  }
0xcc: {  	[tilespmem:s8], [sflag:$0x7] =	stream.linear.gather @!p0 [hbm4b:s9+s8], $0x100, $0x38;
	[tilespmem:$0x1C400] =	vst v63  }
0xcd: {  	s9 =	simm.s32 @!p0 $0x7  }
0xce: {  	_ =	swait.ge @!p0 [sflag:s9], $0x100  }
0xcf: {  	[sflag:s9] =	ssyncset.done @!p0 $0x0  }
0xd0: {  	s11 =	simm.s32 @!p0 $0x80;
	s12 =	simm.s32 @!p0 $0x400;
	[sflag:s9] =	ssyncadd.s32 @!p0 $0xFFFFFF00  }
0xd1: {  	[tilespmem:s12], [sflag:$0x1] =	stream.indirect.gather @!p0 [hbm4b:s1+s11], $0x80, s8, s11, $0xb8;
	[tilespmem:$0x1C400] =	vst v63  }
0xd2: {  	s8 =	simm.s32 @!p0 $0x1  }
0xd3: {  	_ =	swait.ge @!p0 [sflag:s8], $0x4000  }
0xd4: {  	[sflag:s8] =	ssyncset.done @!p0 $0x0  }
0xd5: {  	[sflag:s8] =	ssyncadd.s32 @!p0 $0xFFFFC000  }
0xd6: {  	[spmem:s3] =	stream.indirect.scatter.add.f32 @!p0 [tilespmem:s12], [sflag:$0x7], $0x80, s11, s11, $0xb8;
	[tilespmem:$0x1C400] =	vst v63  }
0xd7: {  	_ =	swait.ge @!p0 [sflag:s9], $0x4000  }
0xd8: {  	[sflag:s9] =	ssyncset.done @!p0 $0x0  }
0xd9: {  	s7 =	sadd.s32 $0x1, s7;
	[sflag:s9] =	ssyncadd.s32 @!p0 $0xFFFFC000  }
0xda: {  	p1 =	sne.s32 s7, s13;
	[bflag:$0x0] =	sbarrier.arrive $0xFFFF  }
.Ltmp1:
0xdb: {  	s12 =	rddreg [dreg:$0xa];
	(pc) =	sbr.rel @p1 .LBB2_1-.Ltmp1, $4  }
0xdc: {  	[hbm:s12], [sflag:s10] =	dma.local [spmem:s20], $0x2800  }
0xdd: {  	_ =	swait.ge [sflag:s21], $0x2800  }
0xde: {  	[sflag:s21] =	ssyncset.done $0x0  }
0xdf: {  	[sflag:s21] =	ssyncadd.s32 $0xFFFFD800  }
0xe0: {  	_ =	sfence.sel $0x180000  }
0xe1: {  	[bflag:$0x0] =	sbarrier.arrive $0xFFFF  }
0xe2: {  	_ =	strace $0x9000004A  }
0xe3: {  	s0 =	stileid.u32;
	[bflag:$0x2] =	sbarrier.arrive $0xFFFF  }
0xe4: {  	p0 =	sne.s32 s0, $0x0;
	s0 =	rddreg [dreg:$0x4]  }
0xe5: {  	s0 =	sadd.s32 @!p0 $0x100000, s0  }
0xe6: {  	[sflag:s0] =	ssyncadd.tile.s32 @!p0 $0x1;
	_ =	shalt  }
.Lfunc_end2:
_tile_overlayer_lowered:
.L_overlay_start_2:
0xe7: {  	(tag) =	ssettag $0x2  }
0xe8: {  	s0 =	rddreg [dreg:$0x0];
	s2 =	stileid.u32  }
0xe9: {  	s1 =	rddreg [dreg:$0x1];
	p0 =	sne.s32 s2, $0x0  }
0xea: {  	s3 =	rddreg [dreg:$0x2];
	[bflag:$0x3] =	sbarrier.arrive $0xFFFF;
	s2 =	simm.s32 @!p0 $0x1C07  }
0xeb: {  	[timem:s3], [sflag:s2] =	dma.local @!p0 [hbm:s0], s1  }
0xec: {  	s0 =	simm.s32 @!p0 $0x7  }
0xed: {  	_ =	swait.ge @!p0 [sflag:s0], s1  }
0xee: {  	s1 =	ssub.s32 @!p0 $0x0, s1;
	[sflag:s0] =	ssyncset.done @!p0 $0x0  }
0xef: {  	[sflag:s0] =	ssyncadd.s32 @!p0 s1  }
0xf0: {  	[bflag:$0x3] =	sbarrier.arrive $0xFFFF  }
0xf1: {  	_ =	shalt  }

// kernel: kernel.7.cloned.1.call-start
scs
__scs_entry_jumppad:
0x0: {  	(pc) =	sbr.rel $0x88, $3  }
0x1: {  	(tag) =	ssettag $0x0;
	lr =	simm.s32 $0x1  }
0x2: {  	[smem:$0x3F9B] =	sst lr;
	_ =	strace $0xD0000000  }
0x3: {  	_ = 	snop  }
0x4: {  	_ = 	snop  }
0x5: {  	_ = 	snop  }
0x6: {  	_ = 	snop  }
0x7: {  	_ = 	snop  }
__scs_overlays_trampoline_lowered:
0x8: {  	[smem:$0x3FAA] =	sst s0  }
0x9: {  	[smem:$0x3FAB] =	sst s1  }
0xa: {  	[smem:$0x3FAC] =	sst s2  }
0xb: {  	[smem:$0x3FAD] =	sst s3  }
0xc: {  	[smem:$0x3FAE] =	sst s4  }
0xd: {  	[smem:$0x3FAF] =	sst s5  }
0xe: {  	[smem:$0x3FB0] =	sst s6  }
0xf: {  	[smem:$0x3FB1] =	sst s7  }
0x10: {  	[smem:$0x3FB2] =	sst s8  }
0x11: {  	[smem:$0x3FB3] =	sst s9;
	s0 =	simm.s32 @!p0 $0x0  }
0x12: {  	s1 =	sld [smem:$0x3F99];
	s0 =	simm.s32 @p0 $0x1  }
0x13: {  	[smem:$0x3FB4] =	sst s0;
	s0 =	simm.s32 @!p1 $0x0  }
0x14: {  	s2 =	sld [smem:$0x3F98];
	s0 =	simm.s32 @p1 $0x1  }
0x15: {  	[smem:$0x3FB5] =	sst s0;
	s0 =	simm.s32 @!p2 $0x0  }
0x16: {  	s3 =	sld [smem:$0x3FDB];
	s0 =	simm.s32 @p2 $0x1  }
0x17: {  	s4 =	simm.s32 $0x1BF5;
	[smem:$0x3FB7] =	sst s0  }
0x18: {  	s0 =	sld [smem:$0x3F9A];
	_ =	swait.ge [sflag:s4], $0x0  }
0x19: {  	s7 =	sld [smem:$0x3F9B]  }
0x1a: {  	s8 =	sadd.s32 $0xFFFFE003, lr  }
0x1b: {  	s9 =	sadd.s32 $0xFFFFFEF7, lr;
	s5 =	simm.s32 $0xFFFFFFFF;
	p2 =	slt.u32 s8, $0xFFFFF086  }
0x1c: {  	p1 =	slt.u32 s9, $0xF7A;
	s5 =	simm.s32 @!p2 $0x0  }
0x1d: {  	s5 =	simm.s32 @p1 $0x1;
	p0 =	seq.s32 s7, s2  }
0x1e: {  	s7 =	smul.u32 @!p0 $0xF7A, s2;
	p2 =	seq.s32 @!p0 s5, $0x0  }
0x1f: {  	s9 =	smul.u32 $0xF7A, s1;
	s8 =	simm.s32 @!p0 $0x1BF5;
	p2 =	por !p2, p0  }
0x20: {  	[sflag:s8] =	ssyncset.s32 @!p0 $0xFFFFF086;
	s6 =	sadd.s32 @!p0 s3, s7;
	s7 =	simm.s32 @!p0 $0x108  }
0x21: {  	s3 =	sadd.s32 s3, s9;
	s6 =	sadd.s32 @!p0 $0x88, s6;
	s7 =	simm.s32 @p2 $0x1082  }
0x22: {  	[simem:s7], [sflag:s8] =	dma.local @!p0 [hbm:s6], $0xF7A  }
0x23: {  	s9 =	sor.u32 $0xD0000000, s2;
	s6 =	simm.s32 $0x108;
	_ =	swait.ge @!p0 [sflag:s8], $0x0  }
0x24: {  	s3 =	sadd.s32 $0x88, s3;
	s6 =	simm.s32 @!p1 $0x1082;
	[sflag:s4] =	ssyncset.s32 $0xFFFFF086  }
0x25: {  	[simem:s6], [sflag:s4] =	dma.local [hbm:s3], $0xF7A  }
0x26: {  	[smem:$0x3F9B] =	sst s1;
	(tag) =	ssettag s2;
	_ =	strace s9  }
0x27: {  	s1 =	sld [smem:$0x3FAB]  }
0x28: {  	s2 =	sld [smem:$0x3FAC]  }
0x29: {  	s4 =	sld [smem:$0x3FAE]  }
0x2a: {  	p0 =	seq.s32 s5, $0x0;
	s5 =	sld [smem:$0x3FAF]  }
0x2b: {  	s6 =	sld [smem:$0x3FB0]  }
0x2c: {  	s7 =	sld [smem:$0x3FB1]  }
0x2d: {  	s3 =	simm.s32 $0x108;
	s8 =	sld [smem:$0x3FB2]  }
0x2e: {  	s3 =	simm.s32 @!p0 $0x1082;
	s9 =	sld [smem:$0x3FB3]  }
0x2f: {  	lr =	sadd.s32 s0, s3;
	s0 =	sld [smem:$0x3FAA]  }
0x30: {  	s3 =	sld [smem:$0x3FAD]  }
0x31: {  	[smem:$0x3FB6] =	sst s10  }
0x32: {  	s10 =	sld [smem:$0x3FB4];
	_ =	sdelay $0x3  }
0x33: {  	p0 =	seq.s32 s10, $0x1;
	s10 =	sld [smem:$0x3FB6];
	_ =	sdelay $0x3  }
0x34: {  	[smem:$0x3FB6] =	sst s10  }
0x35: {  	s10 =	sld [smem:$0x3FB5];
	_ =	sdelay $0x3  }
0x36: {  	p1 =	seq.s32 s10, $0x1;
	s10 =	sld [smem:$0x3FB6];
	_ =	sdelay $0x3  }
0x37: {  	[smem:$0x3FB6] =	sst s10  }
0x38: {  	s10 =	sld [smem:$0x3FB7]  }
0x39: {  	_ = 	snop;
	(pc) =	sbr.ind lr, $3  }
0x3a: {  	_ = 	snop  }
0x3b: {  	_ = 	snop  }
0x3c: {  	p2 =	seq.s32 s10, $0x1;
	s10 =	sld [smem:$0x3FB6]  }
0x3d: {  	_ =	shalt  }
0x3e: {  	_ =	shalt  }
0x3f: {  	_ =	shalt  }
0x40: {  	_ =	shalt  }
0x41: {  	_ =	shalt  }
0x42: {  	_ =	shalt  }
0x43: {  	_ =	shalt  }
0x44: {  	_ =	shalt  }
0x45: {  	_ =	shalt  }
0x46: {  	_ =	shalt  }
0x47: {  	_ =	shalt  }
0x48: {  	_ =	shalt  }
0x49: {  	_ =	shalt  }
0x4a: {  	_ =	shalt  }
0x4b: {  	_ =	shalt  }
0x4c: {  	_ =	shalt  }
0x4d: {  	_ =	shalt  }
0x4e: {  	_ =	shalt  }
0x4f: {  	_ =	shalt  }
0x50: {  	_ =	shalt  }
0x51: {  	_ =	shalt  }
0x52: {  	_ =	shalt  }
0x53: {  	_ =	shalt  }
0x54: {  	_ =	shalt  }
0x55: {  	_ =	shalt  }
0x56: {  	_ =	shalt  }
0x57: {  	_ =	shalt  }
0x58: {  	_ =	shalt  }
0x59: {  	_ =	shalt  }
0x5a: {  	_ =	shalt  }
0x5b: {  	_ =	shalt  }
0x5c: {  	_ =	shalt  }
0x5d: {  	_ =	shalt  }
0x5e: {  	_ =	shalt  }
0x5f: {  	_ =	shalt  }
0x60: {  	_ =	shalt  }
0x61: {  	_ =	shalt  }
0x62: {  	_ =	shalt  }
0x63: {  	_ =	shalt  }
0x64: {  	_ =	shalt  }
0x65: {  	_ =	shalt  }
0x66: {  	_ =	shalt  }
0x67: {  	_ =	shalt  }
0x68: {  	_ =	shalt  }
0x69: {  	_ =	shalt  }
0x6a: {  	_ =	shalt  }
0x6b: {  	_ =	shalt  }
0x6c: {  	_ =	shalt  }
0x6d: {  	_ =	shalt  }
0x6e: {  	_ =	shalt  }
0x6f: {  	_ =	shalt  }
0x70: {  	_ =	shalt  }
0x71: {  	_ =	shalt  }
0x72: {  	_ =	shalt  }
0x73: {  	_ =	shalt  }
0x74: {  	_ =	shalt  }
0x75: {  	_ =	shalt  }
0x76: {  	_ =	shalt  }
0x77: {  	_ =	shalt  }
0x78: {  	_ =	shalt  }
0x79: {  	_ =	shalt  }
0x7a: {  	_ =	shalt  }
0x7b: {  	_ =	shalt  }
0x7c: {  	_ =	shalt  }
0x7d: {  	_ =	shalt  }
0x7e: {  	_ =	shalt  }
0x7f: {  	_ =	shalt  }
0x80: {  	_ =	shalt  }
0x81: {  	_ =	shalt  }
0x82: {  	_ =	shalt  }
0x83: {  	_ =	shalt  }
0x84: {  	_ =	shalt  }
0x85: {  	_ =	shalt  }
0x86: {  	_ =	shalt  }
0x87: {  	_ =	shalt  }
.Lfunc_end0:
.L_simem_size_0:
called_computation_lowered:
.L_overlay_start_0:
0x88: {  	s2 =	sld [smem:$0x3FD9]  }
0x89: {  	s3 =	sld [smem:$0x3FFE];
	_ =	sdelay $0x1  }
0x8a: {  	s1 =	srdreg.scid  }
0x8b: {  	s0 =	sand.u32 $0x1, s1  }
0x8c: {  	s17 =	sshll.u32 s0, $0xA;
	s2 =	sadd.s32 s3, s2  }
0x8d: {  	s2 =	sadd.s32 s2, s17  }
0x8e: {  	[smem:$0x3FC2] =	sst s2  }
0x8f: {  	_ = 	snop  }
0x90: {  	s2 =	sld [smem:$0x3FC8]  }
0x91: {  	s18 =	sld [smem:$0x3FD0];
	(tm) =	ssettm $0x1  }
0x92: {  	s4 =	sld [smem:$0x3FFB];
	_ =	sdelay $0x3  }
0x93: {  	_ =	strace s4  }
0x94: {  	s4 =	sld [smem:$0x3FFC];
	_ =	sdelay $0x3  }
0x95: {  	_ =	strace s4  }
0x96: {  	s4 =	sld [smem:$0x3FFD];
	_ =	sdelay $0x3  }
0x97: {  	_ =	strace s4  }
0x98: {  	_ =	strace $0x8FFFFFFF  }
0x99: {  	s19 =	sld [smem:$0x3FDB];
	_ =	sdelay $0x1  }
0x9a: {  	s5 =	simm.s32 $_scs_section_size  }
0x9b: {  	s6 =	simm.s32 $_size__tile_overlayer_lowered;
	s7 =	simm.s32 $_tile_overlayer_lowered  }
0x9c: {  	s22 =	simm.s32 $0x1BFF;
	s21 =	sshll.u32 s7, $0x1;
	s4 =	sadd.s32 s5, s19  }
0x9d: {  	s8 =	simm.s32 $0x0;
	s20 =	sshll.u32 s6, $0x1;
	s6 =	sadd.s32 s21, s4  }
0x9e: {  	[timem:s8], [sflag:s22] =	dma.local [hbm:s6], s20  }
0x9f: {  	_ =	swait.ge [sflag:s22], s20  }
0xa0: {  	s5 =	ssub.s32 $0x0, s20;
	[sflag:s22] =	ssyncset.done $0x0  }
0xa1: {  	[sflag:s22] =	ssyncadd.s32 s5;
	_ =	sdelay $0x1  }
0xa2: {  	s23 =	simm.s32 $0x1B8B  }
0xa3: {  	_ =	swait.ge [sflag:s23], $0x1  }
0xa4: {  	[sflag:s23] =	ssyncset.done $0x0  }
0xa5: {  	s25 =	simm.s32 $0x1B8E;
	s24 =	sld [smem:$0x3FFE];
	[sflag:s23] =	ssyncadd.s32 $0xFFFFFFFF  }
0xa6: {  	s26 =	simm.s32 $execute0_lowered;
	[smem:$0x3FD2] =	sst s25  }
0xa7: {  	s6 =	sshll.u32 s26, $0x1;
	_ =	strace $0x80000046;
	[dreg:$0x1] =	wrdreg $0xFFFFFFFF  }
0xa8: {  	s28 =	simm.s32 $_size_execute0_lowered;
	s4 =	sadd.s32 s4, s6;
	[dreg:$0x0] =	wrdreg $0x0  }
0xa9: {  	s6 =	sshll.u32 s28, $0x1;
	[dreg:$0x2] =	wrdreg s4  }
0xaa: {  	[dreg:$0x3] =	wrdreg s6  }
0xab: {  	[dreg:$0x4] =	wrdreg $0xC0  }
0xac: {  	_ =	task [dreg:s8], $0x5FFFF  }
0xad: {  	[dreg:$0x1] =	wrdreg $0xFFFFFFFF  }
0xae: {  	[dreg:$0x0] =	wrdreg $0x60  }
0xaf: {  	[dreg:$0x2] =	wrdreg s18  }
0xb0: {  	[dreg:$0x3] =	wrdreg s2  }
0xb1: {  	[dreg:$0x4] =	wrdreg s24  }
0xb2: {  	[dreg:$0x5] =	wrdreg $0x87000  }
0xb3: {  	[dreg:$0x6] =	wrdreg $0x1C7000  }
0xb4: {  	[dreg:$0x7] =	wrdreg $0x9  }
0xb5: {  	_ =	task.clear_ibuf [dreg:s8], $0x8FFFF;
	_ =	strace $0x90000046  }
0xb6: {  	s29 =	simm.s32 $0x9;
	_ =	strace $0x80000048  }
0xb7: {  	_ =	swait.ge [sflag:s29], $0x1  }
0xb8: {  	[sflag:s29] =	ssyncadd.s32 $0xFFFFFFFF  }
0xb9: {  	_ =	strace $0x90000048  }
0xba: {  	_ =	sfence  }
0xbb: {  	s30 =	sld [smem:$0x0];
	_ =	sdelay $0x2  }
0xbc: {  	s31 =	sshll.u32 s1, $0xD;
	s1 =	sshrl.u32 s1, $0x2  }
0xbd: {  	s3 =	sand.u32 $0x4000, s31;
	s1 =	sadd.s32 s1, s30  }
0xbe: {  	s0 =	sor.u32 s3, s0;
	s1 =	sshll.u32 s1, $0x11  }
0xbf: {  	s0 =	sor.u32 s1, s0  }
0xc0: {  	s0 =	sadd.s32 $0x8F2B, s0  }
0xc1: {  	[sflag:s0] =	ssyncadd.remote.s32 $0x1  }
0xc2: {  	_ =	sfence.sel $0xFFFF  }
0xc3: {  	[dreg:$0x0] =	wrdreg $0xFFFFFFFF;
	(pc) =	sbr.abs _section_cstart, $3  }
0xc4: {  	[dreg:$0x1] =	wrdreg $0xFFFFFFFF  }
0xc5: {  	_ =	task.clear_ibuf [dreg:s8], $0x2FFFF;
	_ =	strace $0x9FFFFFFF  }
0xc6: {  	(tm) =	ssettm $0x7FFFFFFF  }
0xc7: {  	_ =	shalt  }
tec
execute0_lowered:
.L_overlay_start_1:
0x0: {  	(tag) =	ssettag $0x1  }
0x1: {  	s1 =	rddreg [dreg:$0x0]  }
0x2: {  	s0 =	rddreg [dreg:$0x1]  }
0x3: {  	s2 =	rddreg [dreg:$0x2];
	s17 =	stileid.u32  }
0x4: {  	s4 =	srdreg.scid;
	s3 =	rddreg [dreg:$0x3]  }
0x5: {  	s5 =	simm.s32 $0x0;
	s28 =	simm.s32 $0x4;
	s29 =	simm.s32 $0x4400  }
0x6: {  	s30 =	simm.s32 $0x1;
	s31 =	simm.s32 $0x8400;
	s6 =	smul.u32 $0x14000, s17  }
0x7: {  	s7 =	sand.u32 $0x1, s4;
	s4 =	rddreg [dreg:$0x4];
	s9 =	smul.u32 $0x280, s17  }
0x8: {  	[smem:$0x7FF] =	sst s5;
	s23 =	sshll.u32 s17, $0x6;
	s8 =	smul.u32 $0x140000, s7  }
0x9: {  	s11 =	smul.u32 $0x2800, s7;
	_ =	strace $0x80000047;
	s14 =	sshll.u32 s7, $0x4  }
0xa: {  	s16 =	ssub.s32 $0x2, s7;
	s7 =	sshll.u32 s7, $0x9;
	s10 =	sshrl.u32 s6, $0x3  }
0xb: {  	s10 =	sadd.s32 s10, s2;
	s6 =	sadd.s32 s6, s8;
	s12 =	sadd.s32 s9, s11  }
0xc: {  	s8 =	sor.u32 s17, s14;
	s14 =	smul.u32 $0x50000, s17;
	s11 =	sor.u32 $0x1C07, s23  }
0xd: {  	s6 =	sshrl.u32 s6, $0x3;
	s15 =	sshrl.u32 s12, $0x3;
	s18 =	sshll.u32 s8, $0x5  }
0xe: {  	s12 =	sshrl.u32 s16, $0x1;
	s22 =	sadd.s32 $0x1C00, s10;
	p0 =	sgt.u32 s8, $0x3  }
0xf: {  	s8 =	simm.s32 $0x6;
	s10 =	simm.s32 $0x380;
	s13 =	sadd.s32 s6, s2  }
0x10: {  	s2 =	sadd.s32 s15, s2;
	s6 =	sadd.s32 s0, s18;
	s15 =	ssub.s32 s16, s12  }
0x11: {  	s16 =	sshll.u32 s17, $0x5;
	s21 =	sshrl.u32 s14, $0x2;
	[dreg:$0xa] =	wrdreg s22  }
0x12: {  	s12 =	sadd.s32 s9, s4;
	s19 =	sadd.s32 $0x400, s6;
	[dreg:$0x6] =	wrdreg s6  }
0x13: {  	s18 =	simm.s32 $0x100;
	s20 =	sadd.s32 $0x800, s6;
	[dreg:$0x7] =	wrdreg s19  }
0x14: {  	s22 =	simm.s32 $0x7;
	s6 =	sadd.s32 $0xC00, s6;
	[dreg:$0x8] =	wrdreg s20  }
0x15: {  	s9 =	simm.s32 $0x280;
	s25 =	sadd.s32 $0x2A600, s13;
	[dreg:$0x9] =	wrdreg s6  }
0x16: {  	s14 =	sadd.s32 s21, s3;
	s2 =	sadd.s32 $0x29C00, s2;
	[dreg:$0xc] =	wrdreg s25  }
0x17: {  	s0 =	sadd.s32 s16, s0;
	s26 =	smax.u32 s15, $0x1;
	[dreg:$0xd] =	wrdreg s2  }
0x18: {  	s13 =	simm.s32 $0x0;
	s24 =	sadd.s32 $0x13800, s0;
	[dreg:$0xe] =	wrdreg s26  }
0x19: {  	s17 =	sadd.s32 s7, s0;
	s19 =	simm.s32 $0x200;
	s20 =	simm.s32 $0x300  }
0x1a: {  	s21 =	sshrl.u32 s14, $0x3;
	s14 =	simm.s32 $0x8480;
	s25 =	simm.s32 $0x80  }
0x1b: {  	s26 =	simm.s32 $0x400;
	s2 =	simm.s32 $0x5;
	s0 =	simm.s32 $0x2  }
0x1c: {  	v0 =	vimm.f32 $0.0e+00;
	v1 =	vimm.f32 $1.000000000e+00;
	s7 =	simm.s32 $0x180;
	[dreg:$0xb] =	wrdreg s24;
	s24 =	simm.s32 $0x3  }
.LBB2_1:
0x1d: {  	s6 =	rddreg [dreg:$0x6]  }
0x1e: {  	s16 =	rddreg [dreg:$0x7]  }
0x1f: {  	[tilespmem:s5], [sflag:$0x3] =	stream.linear.gather [hbm4b:s6+s5], $0x100, $0x38;
	[tilespmem:$0x1C980] =	vst v63  }
0x20: {  	s23 =	rddreg [dreg:$0x8]  }
0x21: {  	[tilespmem:s18], [sflag:$0x4] =	stream.linear.gather [hbm4b:s16+s5], $0x100, $0x38;
	[tilespmem:$0x1C980] =	vst v63  }
0x22: {  	s15 =	rddreg [dreg:$0x9]  }
0x23: {  	[tilespmem:s19], [sflag:$0x5] =	stream.linear.gather [hbm4b:s23+s5], $0x100, $0x38;
	[tilespmem:$0x1C980] =	vst v63  }
0x24: {  	s16 =	rddreg [dreg:$0xa]  }
0x25: {  	[tilespmem:s20], [sflag:$0x6] =	stream.linear.gather [hbm4b:s15+s5], $0x100, $0x38;
	[tilespmem:$0x1C980] =	vst v63  }
0x26: {  	[spmem:s21], [sflag:s11] =	dma.local [hbm:s16], $0x2800  }
0x27: {  	_ =	swait.ge [sflag:s22], $0x2800  }
0x28: {  	[sflag:s22] =	ssyncset.done $0x0  }
0x29: {  	[sflag:s22] =	ssyncadd.s32 $0xFFFFD800  }
0x2a: {  	[tilespmem:$0x8480] =	vst v0  }
0x2b: {  	[tilespmem:$0x8490] =	vst v0  }
0x2c: {  	[tilespmem:$0x84A0] =	vst v0  }
0x2d: {  	[tilespmem:$0x84B0] =	vst v0  }
0x2e: {  	[tilespmem:$0x84C0] =	vst v0  }
0x2f: {  	[tilespmem:$0x84D0] =	vst v0  }
0x30: {  	[tilespmem:$0x84E0] =	vst v0  }
0x31: {  	[tilespmem:$0x84F0] =	vst v0  }
0x32: {  	[tilespmem:$0x8500] =	vst v0  }
0x33: {  	[tilespmem:$0x8510] =	vst v0  }
0x34: {  	[tilespmem:$0x8520] =	vst v0  }
0x35: {  	[tilespmem:$0x8530] =	vst v0  }
0x36: {  	[tilespmem:$0x8540] =	vst v0  }
0x37: {  	[tilespmem:$0x8550] =	vst v0  }
0x38: {  	[tilespmem:$0x8560] =	vst v0  }
0x39: {  	[tilespmem:$0x8570] =	vst v0  }
0x3a: {  	[tilespmem:$0x8580] =	vst v0  }
0x3b: {  	[tilespmem:$0x8590] =	vst v0  }
0x3c: {  	[tilespmem:$0x85A0] =	vst v0  }
0x3d: {  	[tilespmem:$0x85B0] =	vst v0  }
0x3e: {  	[tilespmem:$0x85C0] =	vst v0  }
0x3f: {  	[tilespmem:$0x85D0] =	vst v0  }
0x40: {  	[tilespmem:$0x85E0] =	vst v0  }
0x41: {  	[tilespmem:$0x85F0] =	vst v0  }
0x42: {  	[tilespmem:$0x8600] =	vst v0  }
0x43: {  	[tilespmem:$0x8610] =	vst v0  }
0x44: {  	[tilespmem:$0x8620] =	vst v0  }
0x45: {  	[tilespmem:$0x8630] =	vst v0  }
0x46: {  	[tilespmem:$0x8640] =	vst v0  }
0x47: {  	[tilespmem:$0x8650] =	vst v0  }
0x48: {  	[tilespmem:$0x8660] =	vst v0  }
0x49: {  	[tilespmem:$0x8670] =	vst v0  }
0x4a: {  	[tilespmem:$0x8680] =	vst v0  }
0x4b: {  	[tilespmem:$0x8690] =	vst v0  }
0x4c: {  	[tilespmem:$0x86A0] =	vst v0  }
0x4d: {  	[tilespmem:$0x86B0] =	vst v0  }
0x4e: {  	[tilespmem:$0x86C0] =	vst v0  }
0x4f: {  	[tilespmem:$0x86D0] =	vst v0  }
0x50: {  	[tilespmem:$0x86E0] =	vst v0  }
0x51: {  	[tilespmem:$0x86F0] =	vst v0  }
0x52: {  	[spmem:s12] =	stream.linear.scatter [tilespmem:s14], [sflag:$0x7], $0x280, $0x38;
	[tilespmem:$0x1C980] =	vst v63  }
0x53: {  	_ =	swait.ge [sflag:s22], $0x280  }
0x54: {  	[sflag:s22] =	ssyncset.done $0x0  }
0x55: {  	[sflag:s22] =	ssyncadd.s32 $0xFFFFFD80  }
0x56: {  	[tilespmem:$0x8400] =	vst v1  }
0x57: {  	[tilespmem:$0x8410] =	vst v1  }
0x58: {  	[tilespmem:$0x8420] =	vst v1  }
0x59: {  	[tilespmem:$0x8430] =	vst v1  }
0x5a: {  	[tilespmem:$0x8440] =	vst v1  }
0x5b: {  	[tilespmem:$0x8450] =	vst v1  }
0x5c: {  	[tilespmem:$0x8460] =	vst v1  }
0x5d: {  	[tilespmem:$0x8470] =	vst v1  }
0x5e: {  	[bflag:$0x0] =	sbarrier.arrive $0xFFFF  }
0x5f: {  	_ =	swait.ge [sflag:s24], $0x100  }
0x60: {  	[sflag:s24] =	ssyncset.done $0x0  }
0x61: {  	[sflag:s24] =	ssyncadd.s32 $0xFFFFFF00  }
0x62: {  	[tilespmem:s26], [sflag:$0x1] =	stream.indirect.gather [hbm4b:s1+s25], $0x80, s5, s25, $0xb8;
	[tilespmem:$0x1C980] =	vst v63  }
0x63: {  	_ =	swait.ge [sflag:s28], $0x100  }
0x64: {  	[sflag:s28] =	ssyncset.done $0x0  }
0x65: {  	[sflag:s28] =	ssyncadd.s32 $0xFFFFFF00  }
0x66: {  	[tilespmem:s29], [sflag:$0x2] =	stream.indirect.gather [hbm4b:s1+s25], $0x80, s18, s25, $0xb8;
	[tilespmem:$0x1C980] =	vst v63  }
0x67: {  	_ =	swait.ge [sflag:s30], $0x4000  }
0x68: {  	[sflag:s30] =	ssyncset.done $0x0  }
0x69: {  	[sflag:s30] =	ssyncadd.s32 $0xFFFFC000  }
0x6a: {  	[spmem:s3] =	stream.indirect.scatter.add.f32 [tilespmem:s26], [sflag:$0x7], $0x80, s25, s25, $0xb8;
	[tilespmem:$0x1C980] =	vst v63  }
0x6b: {  	_ =	swait.ge [sflag:s22], $0x4000  }
0x6c: {  	[sflag:s22] =	ssyncset.done $0x0  }
0x6d: {  	[sflag:s22] =	ssyncadd.s32 $0xFFFFC000  }
0x6e: {  	[spmem:s4] =	stream.indirect.scatter.add.f32 [tilespmem:s31], [sflag:$0x7], $0x1, s25, s25, $0xb8;
	[tilespmem:$0x1C980] =	vst v63  }
0x6f: {  	_ =	swait.ge [sflag:s22], $0x80  }
0x70: {  	s23 =	sadd.s32 $0x0, s17;
	[sflag:s22] =	ssyncset.done $0x0  }
0x71: {  	s15 =	sadd.s32 $0x1000, s23;
	[sflag:s22] =	ssyncadd.s32 $0xFFFFFF80  }
0x72: {  	[tilespmem:s5], [sflag:$0x3] =	stream.linear.gather [hbm4b:s15+s5], $0x100, $0x38;
	[tilespmem:$0x1C980] =	vst v63  }
0x73: {  	_ =	swait.ge [sflag:s2], $0x100  }
0x74: {  	[sflag:s2] =	ssyncset.done $0x0  }
0x75: {  	[sflag:s2] =	ssyncadd.s32 $0xFFFFFF00  }
0x76: {  	[tilespmem:s26], [sflag:$0x1] =	stream.indirect.gather [hbm4b:s1+s25], $0x80, s19, s25, $0xb8;
	[tilespmem:$0x1C980] =	vst v63  }
0x77: {  	_ =	swait.ge [sflag:s0], $0x4000  }
0x78: {  	[sflag:s0] =	ssyncset.done $0x0  }
0x79: {  	[sflag:s0] =	ssyncadd.s32 $0xFFFFC000  }
0x7a: {  	[spmem:s3] =	stream.indirect.scatter.add.f32 [tilespmem:s29], [sflag:$0x7], $0x80, s7, s25, $0xb8;
	[tilespmem:$0x1C980] =	vst v63  }
0x7b: {  	_ =	swait.ge [sflag:s22], $0x4000  }
0x7c: {  	[sflag:s22] =	ssyncset.done $0x0  }
0x7d: {  	[sflag:s22] =	ssyncadd.s32 $0xFFFFC000  }
0x7e: {  	[spmem:s4] =	stream.indirect.scatter.add.f32 [tilespmem:s31], [sflag:$0x7], $0x1, s7, s25, $0xb8;
	[tilespmem:$0x1C980] =	vst v63  }
0x7f: {  	_ =	swait.ge [sflag:s22], $0x80  }
0x80: {  	[sflag:s22] =	ssyncset.done $0x0  }
0x81: {  	s14 =	sadd.s32 $0x1400, s23;
	[sflag:s22] =	ssyncadd.s32 $0xFFFFFF80  }
0x82: {  	[tilespmem:s18], [sflag:$0x4] =	stream.linear.gather [hbm4b:s14+s5], $0x100, $0x38;
	[tilespmem:$0x1C980] =	vst v63  }
0x83: {  	_ =	swait.ge [sflag:s8], $0x100  }
0x84: {  	[sflag:s8] =	ssyncset.done $0x0  }
0x85: {  	[sflag:s8] =	ssyncadd.s32 $0xFFFFFF00  }
0x86: {  	[tilespmem:s29], [sflag:$0x2] =	stream.indirect.gather [hbm4b:s1+s25], $0x80, s20, s25, $0xb8;
	[tilespmem:$0x1C980] =	vst v63  }
0x87: {  	_ =	swait.ge [sflag:s30], $0x4000  }
0x88: {  	[sflag:s30] =	ssyncset.done $0x0  }
0x89: {  	[sflag:s30] =	ssyncadd.s32 $0xFFFFC000  }
0x8a: {  	[spmem:s3] =	stream.indirect.scatter.add.f32 [tilespmem:s26], [sflag:$0x7], $0x80, s9, s25, $0xb8;
	[tilespmem:$0x1C980] =	vst v63  }
0x8b: {  	_ =	swait.ge [sflag:s22], $0x4000  }
0x8c: {  	[sflag:s22] =	ssyncset.done $0x0  }
0x8d: {  	[sflag:s22] =	ssyncadd.s32 $0xFFFFC000  }
0x8e: {  	[spmem:s4] =	stream.indirect.scatter.add.f32 [tilespmem:s31], [sflag:$0x7], $0x1, s9, s25, $0xb8;
	[tilespmem:$0x1C980] =	vst v63  }
0x8f: {  	p1 =	por $0x0, $0x0;
	_ =	swait.ge [sflag:s22], $0x80  }
0x90: {  	s6 =	simm.s32 @!p1 $0x0;
	s14 =	sadd.s32 @!p1 $0x0, s17;
	[sflag:s22] =	ssyncset.done $0x0  }
0x91: {  	s15 =	simm.s32 @!p1 $0x200;
	s16 =	sadd.s32 @!p1 $0x1800, s14;
	[sflag:s22] =	ssyncadd.s32 $0xFFFFFF80  }
0x92: {  	[tilespmem:s15], [sflag:$0x5] =	stream.linear.gather @!p1 [hbm4b:s16+s6], $0x100, $0x38;
	[tilespmem:$0x1C980] =	vst v63  }
0x93: {  	_ =	swait.ge [sflag:s24], $0x100  }
0x94: {  	[sflag:s24] =	ssyncset.done $0x0  }
0x95: {  	[sflag:s24] =	ssyncadd.s32 $0xFFFFFF00  }
0x96: {  	[tilespmem:s26], [sflag:$0x1] =	stream.indirect.gather [hbm4b:s1+s25], $0x80, s5, s25, $0xb8;
	[tilespmem:$0x1C980] =	vst v63  }
0x97: {  	_ =	swait.ge [sflag:s0], $0x4000  }
0x98: {  	[sflag:s0] =	ssyncset.done $0x0  }
0x99: {  	[sflag:s0] =	ssyncadd.s32 $0xFFFFC000  }
0x9a: {  	[spmem:s3] =	stream.indirect.scatter.add.f32 [tilespmem:s29], [sflag:$0x7], $0x80, s10, s25, $0xb8;
	[tilespmem:$0x1C980] =	vst v63  }
0x9b: {  	_ =	swait.ge [sflag:s22], $0x4000  }
0x9c: {  	[sflag:s22] =	ssyncset.done $0x0  }
0x9d: {  	[sflag:s22] =	ssyncadd.s32 $0xFFFFC000  }
0x9e: {  	[spmem:s4] =	stream.indirect.scatter.add.f32 [tilespmem:s31], [sflag:$0x7], $0x1, s10, s25, $0xb8;
	[tilespmem:$0x1C980] =	vst v63  }
0x9f: {  	_ =	swait.ge [sflag:s22], $0x80  }
0xa0: {  	[sflag:s22] =	ssyncset.done $0x0  }
0xa1: {  	s14 =	sadd.s32 @!p1 $0x1C00, s14;
	s15 =	simm.s32 @!p1 $0x300;
	[sflag:s22] =	ssyncadd.s32 $0xFFFFFF80  }
0xa2: {  	[tilespmem:s15], [sflag:$0x6] =	stream.linear.gather @!p1 [hbm4b:s14+s6], $0x100, $0x38;
	[tilespmem:$0x1C980] =	vst v63  }
0xa3: {  	_ =	swait.ge [sflag:s28], $0x100  }
0xa4: {  	[sflag:s28] =	ssyncset.done $0x0  }
0xa5: {  	s14 =	simm.s32 $0x1000;
	[sflag:s28] =	ssyncadd.s32 $0xFFFFFF00  }
.LBB2_2:
0xa6: {  	[tilespmem:s29], [sflag:$0x2] =	stream.indirect.gather [hbm4b:s1+s25], $0x80, s18, s25, $0xb8;
	[tilespmem:$0x1C980] =	vst v63  }
0xa7: {  	s15 =	smov.u32 s14;
	s14 =	sadd.s32 $0x1000, s14;
	_ =	swait.ge [sflag:s30], $0x4000  }
0xa8: {  	p1 =	sne.s32 s14, $0x13000;
	[sflag:s30] =	ssyncset.done $0x0  }
0xa9: {  	[sflag:s30] =	ssyncadd.s32 $0xFFFFC000  }
0xaa: {  	[spmem:s3] =	stream.indirect.scatter.add.f32 [tilespmem:s26], [sflag:$0x7], $0x80, s25, s25, $0xb8;
	[tilespmem:$0x1C980] =	vst v63  }
0xab: {  	_ =	swait.ge [sflag:s22], $0x4000  }
0xac: {  	[sflag:s22] =	ssyncset.done $0x0  }
0xad: {  	[sflag:s22] =	ssyncadd.s32 $0xFFFFC000  }
0xae: {  	[spmem:s4] =	stream.indirect.scatter.add.f32 [tilespmem:s31], [sflag:$0x7], $0x1, s25, s25, $0xb8;
	[tilespmem:$0x1C980] =	vst v63  }
0xaf: {  	_ =	swait.ge [sflag:s22], $0x80  }
0xb0: {  	s6 =	sadd.s32 s15, s17;
	[sflag:s22] =	ssyncset.done $0x0  }
0xb1: {  	s16 =	sadd.s32 $0x1000, s6;
	[sflag:s22] =	ssyncadd.s32 $0xFFFFFF80  }
0xb2: {  	[tilespmem:s5], [sflag:$0x3] =	stream.linear.gather [hbm4b:s16+s5], $0x100, $0x38;
	[tilespmem:$0x1C980] =	vst v63  }
0xb3: {  	_ =	swait.ge [sflag:s2], $0x100  }
0xb4: {  	[sflag:s2] =	ssyncset.done $0x0  }
0xb5: {  	[sflag:s2] =	ssyncadd.s32 $0xFFFFFF00  }
0xb6: {  	[tilespmem:s26], [sflag:$0x1] =	stream.indirect.gather [hbm4b:s1+s25], $0x80, s19, s25, $0xb8;
	[tilespmem:$0x1C980] =	vst v63  }
0xb7: {  	_ =	swait.ge [sflag:s0], $0x4000  }
0xb8: {  	[sflag:s0] =	ssyncset.done $0x0  }
0xb9: {  	[sflag:s0] =	ssyncadd.s32 $0xFFFFC000  }
0xba: {  	[spmem:s3] =	stream.indirect.scatter.add.f32 [tilespmem:s29], [sflag:$0x7], $0x80, s7, s25, $0xb8;
	[tilespmem:$0x1C980] =	vst v63  }
0xbb: {  	_ =	swait.ge [sflag:s22], $0x4000  }
0xbc: {  	[sflag:s22] =	ssyncset.done $0x0  }
0xbd: {  	[sflag:s22] =	ssyncadd.s32 $0xFFFFC000  }
0xbe: {  	[spmem:s4] =	stream.indirect.scatter.add.f32 [tilespmem:s31], [sflag:$0x7], $0x1, s7, s25, $0xb8;
	[tilespmem:$0x1C980] =	vst v63  }
0xbf: {  	_ =	swait.ge [sflag:s22], $0x80  }
0xc0: {  	[sflag:s22] =	ssyncset.done $0x0  }
0xc1: {  	s6 =	sadd.s32 $0x1400, s6;
	[sflag:s22] =	ssyncadd.s32 $0xFFFFFF80  }
0xc2: {  	[tilespmem:s18], [sflag:$0x4] =	stream.linear.gather [hbm4b:s6+s5], $0x100, $0x38;
	[tilespmem:$0x1C980] =	vst v63  }
0xc3: {  	_ =	swait.ge [sflag:s8], $0x100  }
0xc4: {  	[sflag:s8] =	ssyncset.done $0x0  }
0xc5: {  	[sflag:s8] =	ssyncadd.s32 $0xFFFFFF00  }
0xc6: {  	[tilespmem:s29], [sflag:$0x2] =	stream.indirect.gather [hbm4b:s1+s25], $0x80, s20, s25, $0xb8;
	[tilespmem:$0x1C980] =	vst v63  }
0xc7: {  	_ =	swait.ge [sflag:s30], $0x4000  }
0xc8: {  	[sflag:s30] =	ssyncset.done $0x0  }
0xc9: {  	[sflag:s30] =	ssyncadd.s32 $0xFFFFC000  }
0xca: {  	[spmem:s3] =	stream.indirect.scatter.add.f32 [tilespmem:s26], [sflag:$0x7], $0x80, s9, s25, $0xb8;
	[tilespmem:$0x1C980] =	vst v63  }
0xcb: {  	_ =	swait.ge [sflag:s22], $0x4000  }
0xcc: {  	[sflag:s22] =	ssyncset.done $0x0  }
0xcd: {  	[sflag:s22] =	ssyncadd.s32 $0xFFFFC000  }
0xce: {  	[spmem:s4] =	stream.indirect.scatter.add.f32 [tilespmem:s31], [sflag:$0x7], $0x1, s9, s25, $0xb8;
	[tilespmem:$0x1C980] =	vst v63  }
0xcf: {  	p2 =	seq.s32 s15, $0x12000;
	_ =	swait.ge [sflag:s22], $0x80  }
0xd0: {  	s6 =	sadd.s32 @!p2 s15, s17;
	s15 =	simm.s32 @!p2 $0x200;
	[sflag:s22] =	ssyncset.done $0x0  }
0xd1: {  	s23 =	simm.s32 @!p2 $0x0;
	s16 =	sadd.s32 @!p2 $0x1800, s6;
	[sflag:s22] =	ssyncadd.s32 $0xFFFFFF80  }
0xd2: {  	[tilespmem:s15], [sflag:$0x5] =	stream.linear.gather @!p2 [hbm4b:s16+s23], $0x100, $0x38;
	[tilespmem:$0x1C980] =	vst v63  }
0xd3: {  	s6 =	sadd.s32 @!p2 $0x1C00, s6;
	_ =	swait.ge [sflag:s24], $0x100  }
0xd4: {  	[sflag:s24] =	ssyncset.done $0x0  }
0xd5: {  	[sflag:s24] =	ssyncadd.s32 $0xFFFFFF00  }
0xd6: {  	[tilespmem:s26], [sflag:$0x1] =	stream.indirect.gather [hbm4b:s1+s25], $0x80, s5, s25, $0xb8;
	[tilespmem:$0x1C980] =	vst v63  }
0xd7: {  	_ =	swait.ge [sflag:s0], $0x4000  }
0xd8: {  	[sflag:s0] =	ssyncset.done $0x0  }
0xd9: {  	[sflag:s0] =	ssyncadd.s32 $0xFFFFC000  }
0xda: {  	[spmem:s3] =	stream.indirect.scatter.add.f32 [tilespmem:s29], [sflag:$0x7], $0x80, s10, s25, $0xb8;
	[tilespmem:$0x1C980] =	vst v63  }
0xdb: {  	_ =	swait.ge [sflag:s22], $0x4000  }
0xdc: {  	[sflag:s22] =	ssyncset.done $0x0  }
0xdd: {  	[sflag:s22] =	ssyncadd.s32 $0xFFFFC000  }
0xde: {  	[spmem:s4] =	stream.indirect.scatter.add.f32 [tilespmem:s31], [sflag:$0x7], $0x1, s10, s25, $0xb8;
	[tilespmem:$0x1C980] =	vst v63  }
0xdf: {  	_ =	swait.ge [sflag:s22], $0x80  }
0xe0: {  	[sflag:s22] =	ssyncset.done $0x0  }
.Ltmp0:
0xe1: {  	s15 =	simm.s32 @!p2 $0x300;
	[sflag:s22] =	ssyncadd.s32 $0xFFFFFF80;
	(pc) =	sbr.rel @p1 .LBB2_2-.Ltmp0, $4  }
0xe2: {  	[tilespmem:s15], [sflag:$0x6] =	stream.linear.gather @!p2 [hbm4b:s6+s23], $0x100, $0x38;
	[tilespmem:$0x1C980] =	vst v63  }
0xe3: {  	_ =	swait.ge [sflag:s28], $0x100  }
0xe4: {  	[sflag:s28] =	ssyncset.done $0x0  }
0xe5: {  	[sflag:s28] =	ssyncadd.s32 $0xFFFFFF00  }
0xe6: {  	[tilespmem:s29], [sflag:$0x2] =	stream.indirect.gather [hbm4b:s1+s25], $0x80, s18, s25, $0xb8;
	[tilespmem:$0x1C980] =	vst v63  }
0xe7: {  	_ =	swait.ge [sflag:s30], $0x4000  }
0xe8: {  	[sflag:s30] =	ssyncset.done $0x0  }
0xe9: {  	[sflag:s30] =	ssyncadd.s32 $0xFFFFC000  }
0xea: {  	[spmem:s3] =	stream.indirect.scatter.add.f32 [tilespmem:s26], [sflag:$0x7], $0x80, s25, s25, $0xb8;
	[tilespmem:$0x1C980] =	vst v63  }
0xeb: {  	_ =	swait.ge [sflag:s22], $0x4000  }
0xec: {  	[sflag:s22] =	ssyncset.done $0x0  }
0xed: {  	[sflag:s22] =	ssyncadd.s32 $0xFFFFC000  }
0xee: {  	[spmem:s4] =	stream.indirect.scatter.add.f32 [tilespmem:s31], [sflag:$0x7], $0x1, s25, s25, $0xb8;
	[tilespmem:$0x1C980] =	vst v63  }
0xef: {  	_ =	swait.ge [sflag:s22], $0x80  }
0xf0: {  	[sflag:s22] =	ssyncset.done $0x0  }
0xf1: {  	[sflag:s22] =	ssyncadd.s32 $0xFFFFFF80  }
0xf2: {  	_ =	swait.ge [sflag:s0], $0x4000  }
0xf3: {  	[sflag:s0] =	ssyncset.done $0x0  }
0xf4: {  	[sflag:s0] =	ssyncadd.s32 $0xFFFFC000  }
0xf5: {  	[spmem:s3] =	stream.indirect.scatter.add.f32 [tilespmem:s29], [sflag:$0x7], $0x80, s7, s25, $0xb8;
	[tilespmem:$0x1C980] =	vst v63  }
0xf6: {  	_ =	swait.ge [sflag:s22], $0x4000  }
0xf7: {  	[sflag:s22] =	ssyncset.done $0x0  }
0xf8: {  	[sflag:s22] =	ssyncadd.s32 $0xFFFFC000  }
0xf9: {  	[spmem:s4] =	stream.indirect.scatter.add.f32 [tilespmem:s31], [sflag:$0x7], $0x1, s7, s25, $0xb8;
	[tilespmem:$0x1C980] =	vst v63  }
0xfa: {  	_ =	swait.ge [sflag:s22], $0x80  }
0xfb: {  	[sflag:s22] =	ssyncset.done $0x0  }
0xfc: {  	s6 =	simm.s32 @!p0 $0x0;
	s14 =	rddreg [dreg:$0xb];
	[sflag:s22] =	ssyncadd.s32 $0xFFFFFF80  }
0xfd: {  	[tilespmem:s6], [sflag:$0x7] =	stream.linear.gather @!p0 [hbm4b:s14+s6], $0x100, $0x38;
	[tilespmem:$0x1C980] =	vst v63  }
0xfe: {  	s14 =	simm.s32 @!p0 $0x7  }
0xff: {  	_ =	swait.ge @!p0 [sflag:s14], $0x100  }
0x100: {  	[sflag:s14] =	ssyncset.done @!p0 $0x0  }
0x101: {  	s15 =	simm.s32 @!p0 $0x80;
	s16 =	simm.s32 @!p0 $0x400;
	[sflag:s14] =	ssyncadd.s32 @!p0 $0xFFFFFF00  }
0x102: {  	[tilespmem:s16], [sflag:$0x1] =	stream.indirect.gather @!p0 [hbm4b:s1+s15], $0x80, s6, s15, $0xb8;
	[tilespmem:$0x1C980] =	vst v63  }
0x103: {  	s6 =	simm.s32 @!p0 $0x1  }
0x104: {  	_ =	swait.ge @!p0 [sflag:s6], $0x4000  }
0x105: {  	[sflag:s6] =	ssyncset.done @!p0 $0x0  }
0x106: {  	[sflag:s6] =	ssyncadd.s32 @!p0 $0xFFFFC000  }
0x107: {  	[spmem:s3] =	stream.indirect.scatter.add.f32 @!p0 [tilespmem:s16], [sflag:$0x7], $0x80, s15, s15, $0xb8;
	[tilespmem:$0x1C980] =	vst v63  }
0x108: {  	_ =	swait.ge @!p0 [sflag:s14], $0x4000  }
0x109: {  	[sflag:s14] =	ssyncset.done @!p0 $0x0  }
0x10a: {  	s6 =	simm.s32 @!p0 $0x8400;
	[sflag:s14] =	ssyncadd.s32 @!p0 $0xFFFFC000  }
0x10b: {  	[spmem:s4] =	stream.indirect.scatter.add.f32 @!p0 [tilespmem:s6], [sflag:$0x7], $0x1, s15, s15, $0xb8;
	[tilespmem:$0x1C980] =	vst v63  }
0x10c: {  	_ =	swait.ge @!p0 [sflag:s14], $0x80  }
0x10d: {  	[sflag:s14] =	ssyncset.done @!p0 $0x0  }
0x10e: {  	[sflag:s14] =	ssyncadd.s32 @!p0 $0xFFFFFF80  }
0x10f: {  	[bflag:$0x0] =	sbarrier.arrive $0xFFFF  }
0x110: {  	s15 =	rddreg [dreg:$0xc]  }
0x111: {  	[hbm:s15], [sflag:s11] =	dma.local [spmem:s21], $0x2800  }
0x112: {  	_ =	swait.ge [sflag:s22], $0x2800  }
0x113: {  	[sflag:s22] =	ssyncset.done $0x0  }
0x114: {  	s14 =	simm.s32 $0x8480;
	[sflag:s22] =	ssyncadd.s32 $0xFFFFD800  }
0x115: {  	[tilespmem:s14], [sflag:$0x7] =	stream.linear.gather [spmem:s12], $0x280, $0x38;
	[tilespmem:$0x1C980] =	vst v63  }
0x116: {  	_ =	swait.ge [sflag:s22], $0x280  }
0x117: {  	[sflag:s22] =	ssyncset.done $0x0  }
0x118: {  	s16 =	rddreg [dreg:$0xd];
	[sflag:s22] =	ssyncadd.s32 $0xFFFFFD80  }
0x119: {  	[hbm4b:s16+s5] =	stream.linear.scatter [tilespmem:s14], [sflag:$0x7], $0x280, $0x38;
	[tilespmem:$0x1C980] =	vst v63  }
0x11a: {  	_ =	swait.ge [sflag:s22], $0x280  }
0x11b: {  	s13 =	sadd.s32 $0x1, s13;
	s23 =	rddreg [dreg:$0xe]  }
0x11c: {  	p1 =	sne.s32 s13, s23  }
.Ltmp1:
0x11d: {  	_ = 	snop;
	(pc) =	sbr.rel @p1 .LBB2_1-.Ltmp1, $3  }
0x11e: {  	_ =	sdelay $0x1  }
0x11f: {  	[sflag:s22] =	ssyncset.done $0x0  }
0x120: {  	[sflag:s22] =	ssyncadd.s32 $0xFFFFFD80  }
0x121: {  	_ =	sfence.sel $0x180000  }
0x122: {  	[bflag:$0x0] =	sbarrier.arrive $0xFFFF  }
0x123: {  	_ =	strace $0x90000047  }
0x124: {  	s0 =	stileid.u32;
	[bflag:$0x2] =	sbarrier.arrive $0xFFFF  }
0x125: {  	p0 =	sne.s32 s0, $0x0;
	s0 =	rddreg [dreg:$0x5]  }
0x126: {  	s0 =	sadd.s32 @!p0 $0x100000, s0  }
0x127: {  	[sflag:s0] =	ssyncadd.tile.s32 @!p0 $0x1;
	_ =	shalt  }
.Lfunc_end2:
_tile_overlayer_lowered:
.L_overlay_start_2:
0x128: {  	(tag) =	ssettag $0x2  }
0x129: {  	s0 =	rddreg [dreg:$0x0];
	s2 =	stileid.u32  }
0x12a: {  	s1 =	rddreg [dreg:$0x1];
	p0 =	sne.s32 s2, $0x0  }
0x12b: {  	s3 =	rddreg [dreg:$0x2];
	[bflag:$0x3] =	sbarrier.arrive $0xFFFF;
	s2 =	simm.s32 @!p0 $0x1C07  }
0x12c: {  	[timem:s3], [sflag:s2] =	dma.local @!p0 [hbm:s0], s1  }
0x12d: {  	s0 =	simm.s32 @!p0 $0x7  }
0x12e: {  	_ =	swait.ge @!p0 [sflag:s0], s1  }
0x12f: {  	s1 =	ssub.s32 @!p0 $0x0, s1;
	[sflag:s0] =	ssyncset.done @!p0 $0x0  }
0x130: {  	[sflag:s0] =	ssyncadd.s32 @!p0 s1  }
0x131: {  	[bflag:$0x3] =	sbarrier.arrive $0xFFFF  }
0x132: {  	_ =	shalt  }

</sc_bundles>
